<compile_context>
chip_gen: v7x
topology: tpu7x:2x2x1
jax: 0.10.2.dev20260603
libtpu: 0.0.44.dev20260713+nightly
codegen_flags: <defaults>
</compile_context>

<pallas_src>
import functools

import jax
import jax.numpy as jnp
from jax import lax
from jax.experimental import pallas as pl
from jax.experimental.pallas import tpu as pltpu
from jax.experimental.pallas import tpu_sc as plsc

N = 10000
E = 320000
D = 128
KS = 10
ST = 8
CONV_OUT = 15
F1 = 16
H = 128
H2 = 64

NC = 2
NS = 16
NW = NC * NS
CH = 128
K = 8
N_PAD = 10240
E_PAD = NW * 80 * CH
EW = E_PAD // NW
SUPERS = EW // (K * CH)
ROWS_PER_TILE = N_PAD // NS


def _make_seg_sum(F):
  mesh = plsc.VectorSubcoreMesh(core_axis_name="c", subcore_axis_name="s")

  @functools.partial(
      pl.kernel,
      out_type=jax.ShapeDtypeStruct((2 * N_PAD, F), jnp.float32),
      mesh=mesh,
      scratch_types=[
          pltpu.VMEM((K, CH), jnp.int32),
          pltpu.VMEM((K, CH), jnp.int32),
          pltpu.VMEM((K, CH, F), jnp.float32),
          pltpu.VMEM_SHARED((N_PAD, F), jnp.float32),
          pltpu.SemaphoreType.DMA,
      ],
      compiler_params=pltpu.CompilerParams(use_tc_tiling_on_sc=False),
  )
  def seg(feat_hbm, src_hbm, dst_hbm, out_hbm, srcb, dstb, rows, acc, sem):
    c = lax.axis_index("c")
    s = lax.axis_index("s")
    w = c * NS + s

    def zrow(r, carry):
      for j in range(F // 16):
        rows[0, r, pl.ds(16 * j, 16)] = jnp.zeros((16,), jnp.float32)
      return carry

    lax.fori_loop(0, CH, zrow, 0)
    zbase = s * ROWS_PER_TILE
    for k2 in range(ROWS_PER_TILE // CH):
      pltpu.sync_copy(rows.at[0], acc.at[pl.ds(zbase + k2 * CH, CH)])
    plsc.subcore_barrier()

    nchunks = EW // CH

    def body(t, carry):
      r0 = w * nchunks + t * K
      pltpu.sync_copy(src_hbm.at[pl.ds(r0, K)], srcb)
      pltpu.sync_copy(dst_hbm.at[pl.ds(r0, K)], dstb)
      cps = [
          pltpu.async_copy(feat_hbm.at[srcb.at[b]], rows.at[b], sem)
          for b in range(K)
      ]
      for cp in cps:
        cp.wait()
      for b in range(K):
        pltpu.sync_copy(rows.at[b], acc.at[dstb.at[b]], add=True)
      return carry

    lax.fori_loop(0, SUPERS, body, 0)
    plsc.subcore_barrier()

    for k2 in range(ROWS_PER_TILE // CH):
      r = s * ROWS_PER_TILE + k2 * CH
      pltpu.sync_copy(acc.at[pl.ds(r, CH)], out_hbm.at[pl.ds(c * N_PAD + r, CH)])

  return seg


_seg_sum_16 = _make_seg_sum(F1)
_seg_sum_64 = _make_seg_sum(H2)


BLK = 1024
BLK_C = 1000


def _conv_body(x_ref, c_ref, be_ref, o_ref):
  i = pl.program_id(0)
  y = jnp.dot(x_ref[...], c_ref[...], preferred_element_type=jnp.float32)
  y = jnp.maximum(y + be_ref[...], 0.0)
  col = lax.broadcasted_iota(jnp.int32, y.shape, 1)
  y = jnp.where(col == CONV_OUT, 1.0, y)
  row = lax.broadcasted_iota(jnp.int32, y.shape, 0) + i * BLK
  o_ref[...] = jnp.where(row < N, y, 0.0)


def _mid_body(h0_ref, agg_ref, w1s_ref, w1n_ref, b1_ref, w2st_ref, w2nt_ref,
              p1_ref, s1_ref, deg_ref):
  i = pl.program_id(0)
  a = agg_ref[0] + agg_ref[1]
  deg = jnp.maximum(a[:, CONV_OUT:CONV_OUT + 1], 1.0)
  aggm = a / deg
  h1 = jnp.dot(h0_ref[...], w1s_ref[...], preferred_element_type=jnp.float32)
  h1 += jnp.dot(aggm, w1n_ref[...], preferred_element_type=jnp.float32)
  h1 = jnp.maximum(h1 + b1_ref[...], 0.0)
  row = lax.broadcasted_iota(jnp.int32, (BLK, H2), 0) + i * BLK
  ok = row < N
  p1 = jnp.dot(h1, w2nt_ref[...], preferred_element_type=jnp.float32)
  s1 = jnp.dot(h1, w2st_ref[...], preferred_element_type=jnp.float32)
  p1_ref[...] = jnp.where(ok, p1, 0.0)
  s1_ref[...] = jnp.where(ok, s1, 0.0)
  deg_ref[...] = deg


def _final_body(s1_ref, agg2_ref, deg_ref, b2_ref, f1_ref, f1b_ref, f2_ref,
                f2b_ref, f3_ref, f3b_ref, o_ref, acc_ref):
  i = pl.program_id(0)
  a = (agg2_ref[0] + agg2_ref[1]) / deg_ref[...]
  h2 = jnp.maximum(s1_ref[...] + a + b2_ref[...], 0.0)
  colsum = jnp.sum(h2, axis=0, keepdims=True)

  @pl.when(i == 0)
  def _():
    acc_ref[...] = colsum

  @pl.when(i > 0)
  def _():
    acc_ref[...] = acc_ref[...] + colsum

  @pl.when(i == pl.num_programs(0) - 1)
  def _():
    hg = acc_ref[...] * (1.0 / N)
    t = jnp.maximum(
        jnp.dot(hg, f1_ref[...], preferred_element_type=jnp.float32)
        + f1b_ref[...], 0.0)
    t = jnp.maximum(
        jnp.dot(t, f2_ref[...], preferred_element_type=jnp.float32)
        + f2b_ref[...], 0.0)
    o_ref[...] = (
        jnp.dot(t, f3_ref[...], preferred_element_type=jnp.float32)
        + f3b_ref[...])


def kernel(x, edge_index, conv1d_w, conv1d_b, W1_self, W1_neigh, b1,
           W2_self, W2_neigh, b2, fc1_w, fc1_b, fc2_w, fc2_b, fc3_w, fc3_b):
  f32 = jnp.float32

  x_pad = jnp.pad(x, ((0, N_PAD - N), (0, 0)))
  src = edge_index[0]
  dst = edge_index[1]
  pad_e = jnp.full((E_PAD - E,), N, jnp.int32)
  src2d = jnp.concatenate([src, pad_e]).reshape(E_PAD // CH, CH)
  dst2d = jnp.concatenate([dst, pad_e]).reshape(E_PAD // CH, CH)

  w = conv1d_w.reshape(KS)
  tt = jnp.arange(CONV_OUT, dtype=jnp.int32)
  kk = jnp.arange(KS, dtype=jnp.int32)
  rows_idx = (ST * tt[:, None] + kk[None, :]).reshape(-1)
  cols_idx = jnp.broadcast_to(tt[:, None], (CONV_OUT, KS)).reshape(-1)
  C = jnp.zeros((D, F1), f32).at[rows_idx, cols_idx].set(
      jnp.broadcast_to(w[None, :], (CONV_OUT, KS)).reshape(-1))
  b_ext = jnp.zeros((1, F1), f32).at[0, :CONV_OUT].set(conv1d_b[0])

  W1s = jnp.pad(W1_self.T, ((0, 1), (0, 0)))
  W1n = jnp.pad(W1_neigh.T, ((0, 1), (0, 0)))
  b1r = b1.reshape(1, H)
  W2sT = W2_self.T
  W2nT = W2_neigh.T
  b2r = b2.reshape(1, H2)
  f1 = fc1_w.T
  f1b = fc1_b.reshape(1, -1)
  f2 = fc2_w.T
  f2b = fc2_b.reshape(1, -1)
  f3 = fc3_w.T
  f3b = fc3_b.reshape(1, -1)

  h0p = pl.pallas_call(
      _conv_body,
      grid=(N_PAD // BLK,),
      in_specs=[
          pl.BlockSpec((BLK, D), lambda i: (i, 0)),
          pl.BlockSpec((D, F1), lambda i: (0, 0)),
          pl.BlockSpec((1, F1), lambda i: (0, 0)),
      ],
      out_specs=pl.BlockSpec((BLK, F1), lambda i: (i, 0)),
      out_shape=jax.ShapeDtypeStruct((N_PAD, F1), f32),
  )(x_pad, C, b_ext)

  agg1 = _seg_sum_16(h0p, src2d, dst2d).reshape(2, N_PAD, F1)

  p1, s1, deg = pl.pallas_call(
      _mid_body,
      grid=(N_PAD // BLK,),
      in_specs=[
          pl.BlockSpec((BLK, F1), lambda i: (i, 0)),
          pl.BlockSpec((2, BLK, F1), lambda i: (0, i, 0)),
          pl.BlockSpec((F1, H), lambda i: (0, 0)),
          pl.BlockSpec((F1, H), lambda i: (0, 0)),
          pl.BlockSpec((1, H), lambda i: (0, 0)),
          pl.BlockSpec((H, H2), lambda i: (0, 0)),
          pl.BlockSpec((H, H2), lambda i: (0, 0)),
      ],
      out_specs=[
          pl.BlockSpec((BLK, H2), lambda i: (i, 0)),
          pl.BlockSpec((BLK, H2), lambda i: (i, 0)),
          pl.BlockSpec((BLK, 1), lambda i: (i, 0)),
      ],
      out_shape=[
          jax.ShapeDtypeStruct((N_PAD, H2), f32),
          jax.ShapeDtypeStruct((N_PAD, H2), f32),
          jax.ShapeDtypeStruct((N_PAD, 1), f32),
      ],
  )(h0p, agg1, W1s, W1n, b1r, W2sT, W2nT)

  agg2 = _seg_sum_64(p1, src2d, dst2d).reshape(2, N_PAD, H2)

  out = pl.pallas_call(
      _final_body,
      grid=(N // BLK_C,),
      in_specs=[
          pl.BlockSpec((BLK_C, H2), lambda i: (i, 0)),
          pl.BlockSpec((2, BLK_C, H2), lambda i: (0, i, 0)),
          pl.BlockSpec((BLK_C, 1), lambda i: (i, 0)),
          pl.BlockSpec((1, H2), lambda i: (0, 0)),
          pl.BlockSpec((H2, H // 4), lambda i: (0, 0)),
          pl.BlockSpec((1, H // 4), lambda i: (0, 0)),
          pl.BlockSpec((H // 4, H // 8), lambda i: (0, 0)),
          pl.BlockSpec((1, H // 8), lambda i: (0, 0)),
          pl.BlockSpec((H // 8, 1), lambda i: (0, 0)),
          pl.BlockSpec((1, 1), lambda i: (0, 0)),
      ],
      out_specs=pl.BlockSpec((1, 1), lambda i: (0, 0)),
      out_shape=jax.ShapeDtypeStruct((1, 1), f32),
      scratch_shapes=[pltpu.VMEM((1, H2), f32)],
  )(s1, agg2, deg, b2r, f1, f1b, f2, f2b, f3, f3b)

  return out

# --- scband reference (transcript-rebuilt; emitter-appended) ---
"""Pipeline reference for scband-graph-binary-classifier-34291018891344 (READ-ONLY COPY).

The authoritative reference and input builder live on the scoring server;
editing this copy changes nothing except your own understanding.
"""

import jax, jax.numpy as jnp
import numpy as np

N = 10000
E = 320000
D = 128
KS = 10
ST = 8
CONV_OUT = (D - KS) // ST + 1  # 15
H = 128


def setup_inputs(seed: int = 0) -> dict:
    key = jax.random.key(seed)
    ks = jax.random.split(key, 20)
    x = jax.random.normal(ks[0], (N, D), dtype=jnp.float32)
    edge_index = jax.random.randint(ks[1], (2, E), 0, N, dtype=jnp.int32)
    s = 0.05
    conv1d_w = jax.random.normal(ks[2], (1, 1, KS), dtype=jnp.float32) * s
    conv1d_b = jax.random.normal(ks[3], (1,), dtype=jnp.float32) * s
    W1_self = jax.random.normal(ks[4], (H, CONV_OUT), dtype=jnp.float32) * s
    W1_neigh = jax.random.normal(ks[5], (H, CONV_OUT), dtype=jnp.float32) * s
    b1 = jax.random.normal(ks[6], (H,), dtype=jnp.float32) * s
    W2_self = jax.random.normal(ks[7], (H // 2, H), dtype=jnp.float32) * s
    W2_neigh = jax.random.normal(ks[8], (H // 2, H), dtype=jnp.float32) * s
    b2 = jax.random.normal(ks[9], (H // 2,), dtype=jnp.float32) * s
    fc1_w = jax.random.normal(ks[10], (H // 4, H // 2), dtype=jnp.float32) * s
    fc1_b = jax.random.normal(ks[11], (H // 4,), dtype=jnp.float32) * s
    fc2_w = jax.random.normal(ks[12], (H // 8, H // 4), dtype=jnp.float32) * s
    fc2_b = jax.random.normal(ks[13], (H // 8,), dtype=jnp.float32) * s
    fc3_w = jax.random.normal(ks[14], (1, H // 8), dtype=jnp.float32) * s
    fc3_b = jax.random.normal(ks[15], (1,), dtype=jnp.float32) * s
    return {"x": x, "edge_index": edge_index, "conv1d_w": conv1d_w, "conv1d_b": conv1d_b,
            "W1_self": W1_self, "W1_neigh": W1_neigh, "b1": b1,
            "W2_self": W2_self, "W2_neigh": W2_neigh, "b2": b2,
            "fc1_w": fc1_w, "fc1_b": fc1_b, "fc2_w": fc2_w, "fc2_b": fc2_b,
            "fc3_w": fc3_w, "fc3_b": fc3_b}


def reference(x, edge_index, conv1d_w, conv1d_b, W1_self, W1_neigh, b1,
              W2_self, W2_neigh, b2, fc1_w, fc1_b, fc2_w, fc2_b, fc3_w, fc3_b):
    src = edge_index[0]
    dst = edge_index[1]
    # Conv1d over feature axis: [N,1,D] -> [N,1,CONV_OUT]
    h = x[:, None, :]
    h = jax.lax.conv_general_dilated(h, conv1d_w, window_strides=(ST,), padding='VALID',
                                     dimension_numbers=('NCH', 'OIH', 'NCH'))
    h = h + conv1d_b[None, :, None]
    h = jax.nn.relu(h)
    h = jnp.squeeze(h, axis=1)  # [N, CONV_OUT]
    # in-degree for mean aggregation (dropout layers are identity with p=0)
    deg = jax.ops.segment_sum(jnp.ones((E,), jnp.float32), dst, num_segments=N)
    deg = jnp.maximum(deg, 1.0)

    def sage(feat, Ws, Wn, b):
        agg = jax.ops.segment_sum(feat[src], dst, num_segments=N) / deg[:, None]
        return feat @ Ws.T + agg @ Wn.T + b

    h = jax.nn.relu(sage(h, W1_self, W1_neigh, b1))
    h = jax.nn.relu(sage(h, W2_self, W2_neigh, b2))
    # AvgPooling over the (single) graph's nodes -> [1, H//2]
    hg = jnp.mean(h, axis=0, keepdims=True)
    h = jax.nn.relu(hg @ fc1_w.T + fc1_b)
    h = jax.nn.relu(h @ fc2_w.T + fc2_b)
    h = h @ fc3_w.T + fc3_b  # apply_output_activation=False
    return h

if __name__ == "__main__":
    import jax
    _d = setup_inputs()
    print(jax.jit(kernel)(*tuple(_d.values())))

</pallas_src>

<mosaic_0001>
#map = affine_map<(d0, d1) -> (0, 0)>
module attributes {stable_mosaic.version = 14 : i64} {
  func.func @seg(%arg0: i32, %arg1: i32, %arg2: memref<10240x64xf32, #tpu.memory_space<hbm>>, %arg3: memref<2560x128xi32, #tpu.memory_space<hbm>>, %arg4: memref<2560x128xi32, #tpu.memory_space<hbm>>, %arg5: memref<20480x64xf32, #tpu.memory_space<hbm>>, %arg6: memref<8x128xi32, #tpu.memory_space<vmem>>, %arg7: memref<8x128xi32, #tpu.memory_space<vmem>>, %arg8: memref<8x128x64xf32, #tpu.memory_space<vmem>>, %arg9: memref<10240x64xf32, #tpu.memory_space<vmem_shared>>, %arg10: memref<!tpu.dma_semaphore, #tpu.memory_space<semaphore_mem>>) attributes {dimension_semantics = [#tpu.dimension_semantics<core_parallel>, #tpu.dimension_semantics<subcore_parallel>], iteration_bounds = array<i64: 2, 16>, scalar_prefetch = 0 : i64, scratch_operands = 5 : i64, tpu.core_type = #tpu.core_type<sc_vector_subcore>, window_params = [{transform_indices = #map}, {transform_indices = #map}, {transform_indices = #map}, {transform_indices = #map}]} {
    %mul3A = arith.constant 16 : i32
    %mul3A_0 = arith.muli %arg0, %mul3A : i32
    %add3A = arith.addi %mul3A_0, %arg1 : i32
    %scan3A = arith.constant 0 : i32
    %scan3A_1 = arith.constant 0 : i32
    %scan3A_2 = arith.constant 128 : i32
    %scan3A_3 = arith.addi %scan3A_1, %scan3A_2 : i32
    %scan3A_4 = arith.constant 1 : i32
    scf.for %scan3A_64 = %scan3A_1 to %scan3A_3 step %scan3A_4  : i32 {
      %broadcast_in_dim3A = arith.constant 0.000000e+00 : f32
      %broadcast_in_dim3A_65 = vector.broadcast %broadcast_in_dim3A : f32 to vector<16xf32>
      %swap3A = arith.constant 0 : i32
      %swap3A_66 = arith.index_cast %swap3A : i32 to index
      %swap3A_67 = arith.index_cast %scan3A_64 : i32 to index
      %swap3A_68 = arith.constant 0 : index
      %swap3A_69 = tpu.vector_load %arg8[%swap3A_66, %swap3A_67, %swap3A_68] {strides = array<i32>} : memref<8x128x64xf32, #tpu.memory_space<vmem>>, vector<1x1x16xf32>,
      %swap3A_70 = vector.shape_cast %swap3A_69 : vector<1x1x16xf32> to vector<16xf32>
      %swap3A_71 = vector.shape_cast %broadcast_in_dim3A_65 : vector<16xf32> to vector<1x1x16xf32>
      tpu.vector_store %arg8[%swap3A_66, %swap3A_67, %swap3A_68], %swap3A_71 {strides = array<i32>} : memref<8x128x64xf32, #tpu.memory_space<vmem>>, vector<1x1x16xf32>,
      %broadcast_in_dim3A_72 = arith.constant 0.000000e+00 : f32
      %broadcast_in_dim3A_73 = vector.broadcast %broadcast_in_dim3A_72 : f32 to vector<16xf32>
      %swap3A_74 = arith.constant 0 : i32
      %swap3A_75 = arith.index_cast %swap3A_74 : i32 to index
      %swap3A_76 = arith.index_cast %scan3A_64 : i32 to index
      %swap3A_77 = arith.constant 16 : index
      %swap3A_78 = tpu.vector_load %arg8[%swap3A_75, %swap3A_76, %swap3A_77] {strides = array<i32>} : memref<8x128x64xf32, #tpu.memory_space<vmem>>, vector<1x1x16xf32>,
      %swap3A_79 = vector.shape_cast %swap3A_78 : vector<1x1x16xf32> to vector<16xf32>
      %swap3A_80 = vector.shape_cast %broadcast_in_dim3A_73 : vector<16xf32> to vector<1x1x16xf32>
      tpu.vector_store %arg8[%swap3A_75, %swap3A_76, %swap3A_77], %swap3A_80 {strides = array<i32>} : memref<8x128x64xf32, #tpu.memory_space<vmem>>, vector<1x1x16xf32>,
      %broadcast_in_dim3A_81 = arith.constant 0.000000e+00 : f32
      %broadcast_in_dim3A_82 = vector.broadcast %broadcast_in_dim3A_81 : f32 to vector<16xf32>
      %swap3A_83 = arith.constant 0 : i32
      %swap3A_84 = arith.index_cast %swap3A_83 : i32 to index
      %swap3A_85 = arith.index_cast %scan3A_64 : i32 to index
      %swap3A_86 = arith.constant 32 : index
      %swap3A_87 = tpu.vector_load %arg8[%swap3A_84, %swap3A_85, %swap3A_86] {strides = array<i32>} : memref<8x128x64xf32, #tpu.memory_space<vmem>>, vector<1x1x16xf32>,
      %swap3A_88 = vector.shape_cast %swap3A_87 : vector<1x1x16xf32> to vector<16xf32>
      %swap3A_89 = vector.shape_cast %broadcast_in_dim3A_82 : vector<16xf32> to vector<1x1x16xf32>
      tpu.vector_store %arg8[%swap3A_84, %swap3A_85, %swap3A_86], %swap3A_89 {strides = array<i32>} : memref<8x128x64xf32, #tpu.memory_space<vmem>>, vector<1x1x16xf32>,
      %broadcast_in_dim3A_90 = arith.constant 0.000000e+00 : f32
      %broadcast_in_dim3A_91 = vector.broadcast %broadcast_in_dim3A_90 : f32 to vector<16xf32>
      %swap3A_92 = arith.constant 0 : i32
      %swap3A_93 = arith.index_cast %swap3A_92 : i32 to index
      %swap3A_94 = arith.index_cast %scan3A_64 : i32 to index
      %swap3A_95 = arith.constant 48 : index
      %swap3A_96 = tpu.vector_load %arg8[%swap3A_93, %swap3A_94, %swap3A_95] {strides = array<i32>} : memref<8x128x64xf32, #tpu.memory_space<vmem>>, vector<1x1x16xf32>,
      %swap3A_97 = vector.shape_cast %swap3A_96 : vector<1x1x16xf32> to vector<16xf32>
      %swap3A_98 = vector.shape_cast %broadcast_in_dim3A_91 : vector<16xf32> to vector<1x1x16xf32>
      tpu.vector_store %arg8[%swap3A_93, %swap3A_94, %swap3A_95], %swap3A_98 {strides = array<i32>} : memref<8x128x64xf32, #tpu.memory_space<vmem>>, vector<1x1x16xf32>,
    }
    %scan3A_5 = arith.constant 128 : i32
    %mul3A_6 = arith.constant 640 : i32
    %mul3A_7 = arith.muli %arg1, %mul3A_6 : i32
    %add3A_8 = arith.constant 0 : i32
    %add3A_9 = arith.addi %mul3A_7, %add3A_8 : i32
    %run_scoped3A = arith.constant 0 : i32
    "tpu.region"() ({
      %run_scoped3A_64 = tpu.sem_alloc : memref<!tpu.dma_semaphore, #tpu.memory_space<semaphore_mem>>
      %dma_start3A = arith.constant 0 : i32
      %dma_start3A_65 = arith.constant 0 : i32
      %dma_start3A_66 = tpu.memref_slice %arg8[%run_scoped3A, %dma_start3A, %dma_start3A_65] : memref<8x128x64xf32, #tpu.memory_space<vmem>> -> memref<1x128x64xf32, #tpu.memory_space<vmem>>
      %dma_start3A_67 = tpu.memref_squeeze %dma_start3A_66 : memref<1x128x64xf32, #tpu.memory_space<vmem>> -> memref<128x64xf32, #tpu.memory_space<vmem>>
      %dma_start3A_68 = arith.constant 0 : i32
      %dma_start3A_69 = tpu.memref_slice %arg9[%add3A_9, %dma_start3A_68] : memref<10240x64xf32, #tpu.memory_space<vmem_shared>> -> memref<128x64xf32, #tpu.memory_space<vmem_shared>>
      %dma_start3A_70 = arith.constant 0 : i32
      %dma_start3A_71 = tpu.memref_slice %arg9[%add3A_9, %dma_start3A_70] : memref<10240x64xf32, #tpu.memory_space<vmem_shared>> -> memref<128x64xf32, #tpu.memory_space<vmem_shared>>
      %dma_start3A_72 = arith.constant 0 : i32
      %dma_start3A_73 = arith.constant 0 : i32
      %dma_start3A_74 = tpu.memref_slice %arg8[%run_scoped3A, %dma_start3A_72, %dma_start3A_73] : memref<8x128x64xf32, #tpu.memory_space<vmem>> -> memref<1x128x64xf32, #tpu.memory_space<vmem>>
      %dma_start3A_75 = tpu.memref_squeeze %dma_start3A_74 : memref<1x128x64xf32, #tpu.memory_space<vmem>> -> memref<128x64xf32, #tpu.memory_space<vmem>>
      tpu.enqueue_dma source(%dma_start3A_75 : memref<128x64xf32, #tpu.memory_space<vmem>>) target(%dma_start3A_71 : memref<128x64xf32, #tpu.memory_space<vmem_shared>>) target_semaphore(%run_scoped3A_64 : memref<!tpu.dma_semaphore, #tpu.memory_space<semaphore_mem>>)
      %dma_wait3A = arith.constant 0 : i32
      %dma_wait3A_76 = arith.constant 0 : i32
      %dma_wait3A_77 = tpu.memref_slice %arg8[%run_scoped3A, %dma_wait3A, %dma_wait3A_76] : memref<8x128x64xf32, #tpu.memory_space<vmem>> -> memref<1x128x64xf32, #tpu.memory_space<vmem>>
      %dma_wait3A_78 = tpu.memref_squeeze %dma_wait3A_77 : memref<1x128x64xf32, #tpu.memory_space<vmem>> -> memref<128x64xf32, #tpu.memory_space<vmem>>
      %dma_wait3A_79 = arith.constant 0 : i32
      %dma_wait3A_80 = tpu.memref_slice %arg9[%add3A_9, %dma_wait3A_79] : memref<10240x64xf32, #tpu.memory_space<vmem_shared>> -> memref<128x64xf32, #tpu.memory_space<vmem_shared>>
      %dma_wait3A_81 = arith.constant 0 : i32
      %dma_wait3A_82 = tpu.memref_slice %arg9[%add3A_9, %dma_wait3A_81] : memref<10240x64xf32, #tpu.memory_space<vmem_shared>> -> memref<128x64xf32, #tpu.memory_space<vmem_shared>>
      %dma_wait3A_83 = arith.constant 0 : i32
      %dma_wait3A_84 = arith.constant 0 : i32
      %dma_wait3A_85 = tpu.memref_slice %arg8[%run_scoped3A, %dma_wait3A_83, %dma_wait3A_84] : memref<8x128x64xf32, #tpu.memory_space<vmem>> -> memref<1x128x64xf32, #tpu.memory_space<vmem>>
      %dma_wait3A_86 = tpu.memref_squeeze %dma_wait3A_85 : memref<1x128x64xf32, #tpu.memory_space<vmem>> -> memref<128x64xf32, #tpu.memory_space<vmem>>
      tpu.wait_dma2 semaphore(%run_scoped3A_64 : memref<!tpu.dma_semaphore, #tpu.memory_space<semaphore_mem>>) src(%dma_wait3A_86 : memref<128x64xf32, #tpu.memory_space<vmem>>) dst(%dma_wait3A_82 : memref<128x64xf32, #tpu.memory_space<vmem_shared>>)
      tpu.yield
    }) : () -> ()
    %add3A_10 = arith.constant 128 : i32
    %add3A_11 = arith.addi %mul3A_7, %add3A_10 : i32
    %run_scoped3A_12 = arith.constant 0 : i32
    "tpu.region"() ({
      %run_scoped3A_64 = tpu.sem_alloc : memref<!tpu.dma_semaphore, #tpu.memory_space<semaphore_mem>>
      %dma_start3A = arith.constant 0 : i32
      %dma_start3A_65 = arith.constant 0 : i32
      %dma_start3A_66 = tpu.memref_slice %arg8[%run_scoped3A_12, %dma_start3A, %dma_start3A_65] : memref<8x128x64xf32, #tpu.memory_space<vmem>> -> memref<1x128x64xf32, #tpu.memory_space<vmem>>
      %dma_start3A_67 = tpu.memref_squeeze %dma_start3A_66 : memref<1x128x64xf32, #tpu.memory_space<vmem>> -> memref<128x64xf32, #tpu.memory_space<vmem>>
      %dma_start3A_68 = arith.constant 0 : i32
      %dma_start3A_69 = tpu.memref_slice %arg9[%add3A_11, %dma_start3A_68] : memref<10240x64xf32, #tpu.memory_space<vmem_shared>> -> memref<128x64xf32, #tpu.memory_space<vmem_shared>>
      %dma_start3A_70 = arith.constant 0 : i32
      %dma_start3A_71 = tpu.memref_slice %arg9[%add3A_11, %dma_start3A_70] : memref<10240x64xf32, #tpu.memory_space<vmem_shared>> -> memref<128x64xf32, #tpu.memory_space<vmem_shared>>
      %dma_start3A_72 = arith.constant 0 : i32
      %dma_start3A_73 = arith.constant 0 : i32
      %dma_start3A_74 = tpu.memref_slice %arg8[%run_scoped3A_12, %dma_start3A_72, %dma_start3A_73] : memref<8x128x64xf32, #tpu.memory_space<vmem>> -> memref<1x128x64xf32, #tpu.memory_space<vmem>>
      %dma_start3A_75 = tpu.memref_squeeze %dma_start3A_74 : memref<1x128x64xf32, #tpu.memory_space<vmem>> -> memref<128x64xf32, #tpu.memory_space<vmem>>
      tpu.enqueue_dma source(%dma_start3A_75 : memref<128x64xf32, #tpu.memory_space<vmem>>) target(%dma_start3A_71 : memref<128x64xf32, #tpu.memory_space<vmem_shared>>) target_semaphore(%run_scoped3A_64 : memref<!tpu.dma_semaphore, #tpu.memory_space<semaphore_mem>>)
      %dma_wait3A = arith.constant 0 : i32
      %dma_wait3A_76 = arith.constant 0 : i32
      %dma_wait3A_77 = tpu.memref_slice %arg8[%run_scoped3A_12, %dma_wait3A, %dma_wait3A_76] : memref<8x128x64xf32, #tpu.memory_space<vmem>> -> memref<1x128x64xf32, #tpu.memory_space<vmem>>
      %dma_wait3A_78 = tpu.memref_squeeze %dma_wait3A_77 : memref<1x128x64xf32, #tpu.memory_space<vmem>> -> memref<128x64xf32, #tpu.memory_space<vmem>>
      %dma_wait3A_79 = arith.constant 0 : i32
      %dma_wait3A_80 = tpu.memref_slice %arg9[%add3A_11, %dma_wait3A_79] : memref<10240x64xf32, #tpu.memory_space<vmem_shared>> -> memref<128x64xf32, #tpu.memory_space<vmem_shared>>
      %dma_wait3A_81 = arith.constant 0 : i32
      %dma_wait3A_82 = tpu.memref_slice %arg9[%add3A_11, %dma_wait3A_81] : memref<10240x64xf32, #tpu.memory_space<vmem_shared>> -> memref<128x64xf32, #tpu.memory_space<vmem_shared>>
      %dma_wait3A_83 = arith.constant 0 : i32
      %dma_wait3A_84 = arith.constant 0 : i32
      %dma_wait3A_85 = tpu.memref_slice %arg8[%run_scoped3A_12, %dma_wait3A_83, %dma_wait3A_84] : memref<8x128x64xf32, #tpu.memory_space<vmem>> -> memref<1x128x64xf32, #tpu.memory_space<vmem>>
      %dma_wait3A_86 = tpu.memref_squeeze %dma_wait3A_85 : memref<1x128x64xf32, #tpu.memory_space<vmem>> -> memref<128x64xf32, #tpu.memory_space<vmem>>
      tpu.wait_dma2 semaphore(%run_scoped3A_64 : memref<!tpu.dma_semaphore, #tpu.memory_space<semaphore_mem>>) src(%dma_wait3A_86 : memref<128x64xf32, #tpu.memory_space<vmem>>) dst(%dma_wait3A_82 : memref<128x64xf32, #tpu.memory_space<vmem_shared>>)
      tpu.yield
    }) : () -> ()
    %add3A_13 = arith.constant 256 : i32
    %add3A_14 = arith.addi %mul3A_7, %add3A_13 : i32
    %run_scoped3A_15 = arith.constant 0 : i32
    "tpu.region"() ({
      %run_scoped3A_64 = tpu.sem_alloc : memref<!tpu.dma_semaphore, #tpu.memory_space<semaphore_mem>>
      %dma_start3A = arith.constant 0 : i32
      %dma_start3A_65 = arith.constant 0 : i32
      %dma_start3A_66 = tpu.memref_slice %arg8[%run_scoped3A_15, %dma_start3A, %dma_start3A_65] : memref<8x128x64xf32, #tpu.memory_space<vmem>> -> memref<1x128x64xf32, #tpu.memory_space<vmem>>
      %dma_start3A_67 = tpu.memref_squeeze %dma_start3A_66 : memref<1x128x64xf32, #tpu.memory_space<vmem>> -> memref<128x64xf32, #tpu.memory_space<vmem>>
      %dma_start3A_68 = arith.constant 0 : i32
      %dma_start3A_69 = tpu.memref_slice %arg9[%add3A_14, %dma_start3A_68] : memref<10240x64xf32, #tpu.memory_space<vmem_shared>> -> memref<128x64xf32, #tpu.memory_space<vmem_shared>>
      %dma_start3A_70 = arith.constant 0 : i32
      %dma_start3A_71 = tpu.memref_slice %arg9[%add3A_14, %dma_start3A_70] : memref<10240x64xf32, #tpu.memory_space<vmem_shared>> -> memref<128x64xf32, #tpu.memory_space<vmem_shared>>
      %dma_start3A_72 = arith.constant 0 : i32
      %dma_start3A_73 = arith.constant 0 : i32
      %dma_start3A_74 = tpu.memref_slice %arg8[%run_scoped3A_15, %dma_start3A_72, %dma_start3A_73] : memref<8x128x64xf32, #tpu.memory_space<vmem>> -> memref<1x128x64xf32, #tpu.memory_space<vmem>>
      %dma_start3A_75 = tpu.memref_squeeze %dma_start3A_74 : memref<1x128x64xf32, #tpu.memory_space<vmem>> -> memref<128x64xf32, #tpu.memory_space<vmem>>
      tpu.enqueue_dma source(%dma_start3A_75 : memref<128x64xf32, #tpu.memory_space<vmem>>) target(%dma_start3A_71 : memref<128x64xf32, #tpu.memory_space<vmem_shared>>) target_semaphore(%run_scoped3A_64 : memref<!tpu.dma_semaphore, #tpu.memory_space<semaphore_mem>>)
      %dma_wait3A = arith.constant 0 : i32
      %dma_wait3A_76 = arith.constant 0 : i32
      %dma_wait3A_77 = tpu.memref_slice %arg8[%run_scoped3A_15, %dma_wait3A, %dma_wait3A_76] : memref<8x128x64xf32, #tpu.memory_space<vmem>> -> memref<1x128x64xf32, #tpu.memory_space<vmem>>
      %dma_wait3A_78 = tpu.memref_squeeze %dma_wait3A_77 : memref<1x128x64xf32, #tpu.memory_space<vmem>> -> memref<128x64xf32, #tpu.memory_space<vmem>>
      %dma_wait3A_79 = arith.constant 0 : i32
      %dma_wait3A_80 = tpu.memref_slice %arg9[%add3A_14, %dma_wait3A_79] : memref<10240x64xf32, #tpu.memory_space<vmem_shared>> -> memref<128x64xf32, #tpu.memory_space<vmem_shared>>
      %dma_wait3A_81 = arith.constant 0 : i32
      %dma_wait3A_82 = tpu.memref_slice %arg9[%add3A_14, %dma_wait3A_81] : memref<10240x64xf32, #tpu.memory_space<vmem_shared>> -> memref<128x64xf32, #tpu.memory_space<vmem_shared>>
      %dma_wait3A_83 = arith.constant 0 : i32
      %dma_wait3A_84 = arith.constant 0 : i32
      %dma_wait3A_85 = tpu.memref_slice %arg8[%run_scoped3A_15, %dma_wait3A_83, %dma_wait3A_84] : memref<8x128x64xf32, #tpu.memory_space<vmem>> -> memref<1x128x64xf32, #tpu.memory_space<vmem>>
      %dma_wait3A_86 = tpu.memref_squeeze %dma_wait3A_85 : memref<1x128x64xf32, #tpu.memory_space<vmem>> -> memref<128x64xf32, #tpu.memory_space<vmem>>
      tpu.wait_dma2 semaphore(%run_scoped3A_64 : memref<!tpu.dma_semaphore, #tpu.memory_space<semaphore_mem>>) src(%dma_wait3A_86 : memref<128x64xf32, #tpu.memory_space<vmem>>) dst(%dma_wait3A_82 : memref<128x64xf32, #tpu.memory_space<vmem_shared>>)
      tpu.yield
    }) : () -> ()
    %add3A_16 = arith.constant 384 : i32
    %add3A_17 = arith.addi %mul3A_7, %add3A_16 : i32
    %run_scoped3A_18 = arith.constant 0 : i32
    "tpu.region"() ({
      %run_scoped3A_64 = tpu.sem_alloc : memref<!tpu.dma_semaphore, #tpu.memory_space<semaphore_mem>>
      %dma_start3A = arith.constant 0 : i32
      %dma_start3A_65 = arith.constant 0 : i32
      %dma_start3A_66 = tpu.memref_slice %arg8[%run_scoped3A_18, %dma_start3A, %dma_start3A_65] : memref<8x128x64xf32, #tpu.memory_space<vmem>> -> memref<1x128x64xf32, #tpu.memory_space<vmem>>
      %dma_start3A_67 = tpu.memref_squeeze %dma_start3A_66 : memref<1x128x64xf32, #tpu.memory_space<vmem>> -> memref<128x64xf32, #tpu.memory_space<vmem>>
      %dma_start3A_68 = arith.constant 0 : i32
      %dma_start3A_69 = tpu.memref_slice %arg9[%add3A_17, %dma_start3A_68] : memref<10240x64xf32, #tpu.memory_space<vmem_shared>> -> memref<128x64xf32, #tpu.memory_space<vmem_shared>>
      %dma_start3A_70 = arith.constant 0 : i32
      %dma_start3A_71 = tpu.memref_slice %arg9[%add3A_17, %dma_start3A_70] : memref<10240x64xf32, #tpu.memory_space<vmem_shared>> -> memref<128x64xf32, #tpu.memory_space<vmem_shared>>
      %dma_start3A_72 = arith.constant 0 : i32
      %dma_start3A_73 = arith.constant 0 : i32
      %dma_start3A_74 = tpu.memref_slice %arg8[%run_scoped3A_18, %dma_start3A_72, %dma_start3A_73] : memref<8x128x64xf32, #tpu.memory_space<vmem>> -> memref<1x128x64xf32, #tpu.memory_space<vmem>>
      %dma_start3A_75 = tpu.memref_squeeze %dma_start3A_74 : memref<1x128x64xf32, #tpu.memory_space<vmem>> -> memref<128x64xf32, #tpu.memory_space<vmem>>
      tpu.enqueue_dma source(%dma_start3A_75 : memref<128x64xf32, #tpu.memory_space<vmem>>) target(%dma_start3A_71 : memref<128x64xf32, #tpu.memory_space<vmem_shared>>) target_semaphore(%run_scoped3A_64 : memref<!tpu.dma_semaphore, #tpu.memory_space<semaphore_mem>>)
      %dma_wait3A = arith.constant 0 : i32
      %dma_wait3A_76 = arith.constant 0 : i32
      %dma_wait3A_77 = tpu.memref_slice %arg8[%run_scoped3A_18, %dma_wait3A, %dma_wait3A_76] : memref<8x128x64xf32, #tpu.memory_space<vmem>> -> memref<1x128x64xf32, #tpu.memory_space<vmem>>
      %dma_wait3A_78 = tpu.memref_squeeze %dma_wait3A_77 : memref<1x128x64xf32, #tpu.memory_space<vmem>> -> memref<128x64xf32, #tpu.memory_space<vmem>>
      %dma_wait3A_79 = arith.constant 0 : i32
      %dma_wait3A_80 = tpu.memref_slice %arg9[%add3A_17, %dma_wait3A_79] : memref<10240x64xf32, #tpu.memory_space<vmem_shared>> -> memref<128x64xf32, #tpu.memory_space<vmem_shared>>
      %dma_wait3A_81 = arith.constant 0 : i32
      %dma_wait3A_82 = tpu.memref_slice %arg9[%add3A_17, %dma_wait3A_81] : memref<10240x64xf32, #tpu.memory_space<vmem_shared>> -> memref<128x64xf32, #tpu.memory_space<vmem_shared>>
      %dma_wait3A_83 = arith.constant 0 : i32
      %dma_wait3A_84 = arith.constant 0 : i32
      %dma_wait3A_85 = tpu.memref_slice %arg8[%run_scoped3A_18, %dma_wait3A_83, %dma_wait3A_84] : memref<8x128x64xf32, #tpu.memory_space<vmem>> -> memref<1x128x64xf32, #tpu.memory_space<vmem>>
      %dma_wait3A_86 = tpu.memref_squeeze %dma_wait3A_85 : memref<1x128x64xf32, #tpu.memory_space<vmem>> -> memref<128x64xf32, #tpu.memory_space<vmem>>
      tpu.wait_dma2 semaphore(%run_scoped3A_64 : memref<!tpu.dma_semaphore, #tpu.memory_space<semaphore_mem>>) src(%dma_wait3A_86 : memref<128x64xf32, #tpu.memory_space<vmem>>) dst(%dma_wait3A_82 : memref<128x64xf32, #tpu.memory_space<vmem_shared>>)
      tpu.yield
    }) : () -> ()
    %add3A_19 = arith.constant 512 : i32
    %add3A_20 = arith.addi %mul3A_7, %add3A_19 : i32
    %run_scoped3A_21 = arith.constant 0 : i32
    "tpu.region"() ({
      %run_scoped3A_64 = tpu.sem_alloc : memref<!tpu.dma_semaphore, #tpu.memory_space<semaphore_mem>>
      %dma_start3A = arith.constant 0 : i32
      %dma_start3A_65 = arith.constant 0 : i32
      %dma_start3A_66 = tpu.memref_slice %arg8[%run_scoped3A_21, %dma_start3A, %dma_start3A_65] : memref<8x128x64xf32, #tpu.memory_space<vmem>> -> memref<1x128x64xf32, #tpu.memory_space<vmem>>
      %dma_start3A_67 = tpu.memref_squeeze %dma_start3A_66 : memref<1x128x64xf32, #tpu.memory_space<vmem>> -> memref<128x64xf32, #tpu.memory_space<vmem>>
      %dma_start3A_68 = arith.constant 0 : i32
      %dma_start3A_69 = tpu.memref_slice %arg9[%add3A_20, %dma_start3A_68] : memref<10240x64xf32, #tpu.memory_space<vmem_shared>> -> memref<128x64xf32, #tpu.memory_space<vmem_shared>>
      %dma_start3A_70 = arith.constant 0 : i32
      %dma_start3A_71 = tpu.memref_slice %arg9[%add3A_20, %dma_start3A_70] : memref<10240x64xf32, #tpu.memory_space<vmem_shared>> -> memref<128x64xf32, #tpu.memory_space<vmem_shared>>
      %dma_start3A_72 = arith.constant 0 : i32
      %dma_start3A_73 = arith.constant 0 : i32
      %dma_start3A_74 = tpu.memref_slice %arg8[%run_scoped3A_21, %dma_start3A_72, %dma_start3A_73] : memref<8x128x64xf32, #tpu.memory_space<vmem>> -> memref<1x128x64xf32, #tpu.memory_space<vmem>>
      %dma_start3A_75 = tpu.memref_squeeze %dma_start3A_74 : memref<1x128x64xf32, #tpu.memory_space<vmem>> -> memref<128x64xf32, #tpu.memory_space<vmem>>
      tpu.enqueue_dma source(%dma_start3A_75 : memref<128x64xf32, #tpu.memory_space<vmem>>) target(%dma_start3A_71 : memref<128x64xf32, #tpu.memory_space<vmem_shared>>) target_semaphore(%run_scoped3A_64 : memref<!tpu.dma_semaphore, #tpu.memory_space<semaphore_mem>>)
      %dma_wait3A = arith.constant 0 : i32
      %dma_wait3A_76 = arith.constant 0 : i32
      %dma_wait3A_77 = tpu.memref_slice %arg8[%run_scoped3A_21, %dma_wait3A, %dma_wait3A_76] : memref<8x128x64xf32, #tpu.memory_space<vmem>> -> memref<1x128x64xf32, #tpu.memory_space<vmem>>
      %dma_wait3A_78 = tpu.memref_squeeze %dma_wait3A_77 : memref<1x128x64xf32, #tpu.memory_space<vmem>> -> memref<128x64xf32, #tpu.memory_space<vmem>>
      %dma_wait3A_79 = arith.constant 0 : i32
      %dma_wait3A_80 = tpu.memref_slice %arg9[%add3A_20, %dma_wait3A_79] : memref<10240x64xf32, #tpu.memory_space<vmem_shared>> -> memref<128x64xf32, #tpu.memory_space<vmem_shared>>
      %dma_wait3A_81 = arith.constant 0 : i32
      %dma_wait3A_82 = tpu.memref_slice %arg9[%add3A_20, %dma_wait3A_81] : memref<10240x64xf32, #tpu.memory_space<vmem_shared>> -> memref<128x64xf32, #tpu.memory_space<vmem_shared>>
      %dma_wait3A_83 = arith.constant 0 : i32
      %dma_wait3A_84 = arith.constant 0 : i32
      %dma_wait3A_85 = tpu.memref_slice %arg8[%run_scoped3A_21, %dma_wait3A_83, %dma_wait3A_84] : memref<8x128x64xf32, #tpu.memory_space<vmem>> -> memref<1x128x64xf32, #tpu.memory_space<vmem>>
      %dma_wait3A_86 = tpu.memref_squeeze %dma_wait3A_85 : memref<1x128x64xf32, #tpu.memory_space<vmem>> -> memref<128x64xf32, #tpu.memory_space<vmem>>
      tpu.wait_dma2 semaphore(%run_scoped3A_64 : memref<!tpu.dma_semaphore, #tpu.memory_space<semaphore_mem>>) src(%dma_wait3A_86 : memref<128x64xf32, #tpu.memory_space<vmem>>) dst(%dma_wait3A_82 : memref<128x64xf32, #tpu.memory_space<vmem_shared>>)
      tpu.yield
    }) : () -> ()
    %barrier3A = arith.constant 0 : index
    tpu.barrier barrier_id(%barrier3A)
    %scan3A_22 = arith.constant 0 : i32
    %scan3A_23 = arith.constant 0 : i32
    %scan3A_24 = arith.constant 10 : i32
    %scan3A_25 = arith.addi %scan3A_23, %scan3A_24 : i32
    %scan3A_26 = arith.constant 1 : i32
    scf.for %scan3A_64 = %scan3A_23 to %scan3A_25 step %scan3A_26  : i32 {
      %mul3A_65 = arith.constant 80 : i32
      %mul3A_66 = arith.muli %add3A, %mul3A_65 : i32
      %mul3A_67 = arith.constant 8 : i32
      %mul3A_68 = arith.muli %scan3A_64, %mul3A_67 : i32
      %add3A_69 = arith.addi %mul3A_66, %mul3A_68 : i32
      "tpu.region"() ({
        %run_scoped3A_276 = tpu.sem_alloc : memref<!tpu.dma_semaphore, #tpu.memory_space<semaphore_mem>>
        %dma_start3A_277 = arith.constant 0 : i32
        %dma_start3A_278 = tpu.memref_slice %arg3[%add3A_69, %dma_start3A_277] : memref<2560x128xi32, #tpu.memory_space<hbm>> -> memref<8x128xi32, #tpu.memory_space<hbm>>
        %dma_start3A_279 = arith.constant 0 : i32
        %dma_start3A_280 = tpu.memref_slice %arg3[%add3A_69, %dma_start3A_279] : memref<2560x128xi32, #tpu.memory_space<hbm>> -> memref<8x128xi32, #tpu.memory_space<hbm>>
        tpu.enqueue_dma source(%dma_start3A_280 : memref<8x128xi32, #tpu.memory_space<hbm>>) target(%arg6 : memref<8x128xi32, #tpu.memory_space<vmem>>) target_semaphore(%run_scoped3A_276 : memref<!tpu.dma_semaphore, #tpu.memory_space<semaphore_mem>>)
        %dma_wait3A_281 = arith.constant 0 : i32
        %dma_wait3A_282 = tpu.memref_slice %arg3[%add3A_69, %dma_wait3A_281] : memref<2560x128xi32, #tpu.memory_space<hbm>> -> memref<8x128xi32, #tpu.memory_space<hbm>>
        %dma_wait3A_283 = arith.constant 0 : i32
        %dma_wait3A_284 = tpu.memref_slice %arg3[%add3A_69, %dma_wait3A_283] : memref<2560x128xi32, #tpu.memory_space<hbm>> -> memref<8x128xi32, #tpu.memory_space<hbm>>
        tpu.wait_dma2 semaphore(%run_scoped3A_276 : memref<!tpu.dma_semaphore, #tpu.memory_space<semaphore_mem>>) src(%dma_wait3A_284 : memref<8x128xi32, #tpu.memory_space<hbm>>) dst(%arg6 : memref<8x128xi32, #tpu.memory_space<vmem>>)
        tpu.yield
      }) : () -> ()
      "tpu.region"() ({
        %run_scoped3A_276 = tpu.sem_alloc : memref<!tpu.dma_semaphore, #tpu.memory_space<semaphore_mem>>
        %dma_start3A_277 = arith.constant 0 : i32
        %dma_start3A_278 = tpu.memref_slice %arg4[%add3A_69, %dma_start3A_277] : memref<2560x128xi32, #tpu.memory_space<hbm>> -> memref<8x128xi32, #tpu.memory_space<hbm>>
        %dma_start3A_279 = arith.constant 0 : i32
        %dma_start3A_280 = tpu.memref_slice %arg4[%add3A_69, %dma_start3A_279] : memref<2560x128xi32, #tpu.memory_space<hbm>> -> memref<8x128xi32, #tpu.memory_space<hbm>>
        tpu.enqueue_dma source(%dma_start3A_280 : memref<8x128xi32, #tpu.memory_space<hbm>>) target(%arg7 : memref<8x128xi32, #tpu.memory_space<vmem>>) target_semaphore(%run_scoped3A_276 : memref<!tpu.dma_semaphore, #tpu.memory_space<semaphore_mem>>)
        %dma_wait3A_281 = arith.constant 0 : i32
        %dma_wait3A_282 = tpu.memref_slice %arg4[%add3A_69, %dma_wait3A_281] : memref<2560x128xi32, #tpu.memory_space<hbm>> -> memref<8x128xi32, #tpu.memory_space<hbm>>
        %dma_wait3A_283 = arith.constant 0 : i32
        %dma_wait3A_284 = tpu.memref_slice %arg4[%add3A_69, %dma_wait3A_283] : memref<2560x128xi32, #tpu.memory_space<hbm>> -> memref<8x128xi32, #tpu.memory_space<hbm>>
        tpu.wait_dma2 semaphore(%run_scoped3A_276 : memref<!tpu.dma_semaphore, #tpu.memory_space<semaphore_mem>>) src(%dma_wait3A_284 : memref<8x128xi32, #tpu.memory_space<hbm>>) dst(%arg7 : memref<8x128xi32, #tpu.memory_space<vmem>>)
        tpu.yield
      }) : () -> ()
      %dma_start3A = arith.constant 0 : i32
      %dma_start3A_70 = arith.constant 0 : i32
      %dma_start3A_71 = arith.constant 0 : i32
      %dma_start3A_72 = arith.constant 0 : i32
      %dma_start3A_73 = tpu.memref_slice %arg8[%dma_start3A_70, %dma_start3A_71, %dma_start3A_72] : memref<8x128x64xf32, #tpu.memory_space<vmem>> -> memref<1x128x64xf32, #tpu.memory_space<vmem>>
      %dma_start3A_74 = tpu.memref_squeeze %dma_start3A_73 : memref<1x128x64xf32, #tpu.memory_space<vmem>> -> memref<128x64xf32, #tpu.memory_space<vmem>>
      %dma_start3A_75 = arith.constant 0 : i32
      %dma_start3A_76 = tpu.memref_slice %arg6[%dma_start3A, %dma_start3A_75] : memref<8x128xi32, #tpu.memory_space<vmem>> -> memref<1x128xi32, #tpu.memory_space<vmem>>
      %dma_start3A_77 = tpu.memref_squeeze %dma_start3A_76 : memref<1x128xi32, #tpu.memory_space<vmem>> -> memref<128xi32, #tpu.memory_space<vmem>>
      %dma_start3A_78 = arith.constant 0 : i32
      %dma_start3A_79 = arith.constant 0 : i32
      %dma_start3A_80 = tpu.memref_slice %arg2[%dma_start3A_78, %dma_start3A_79] : memref<10240x64xf32, #tpu.memory_space<hbm>> -> memref<10240x64xf32, #tpu.memory_space<hbm>>
      tpu.enqueue_indirect_dma source(%dma_start3A_80 : memref<10240x64xf32, #tpu.memory_space<hbm>>) target(%dma_start3A_74 : memref<128x64xf32, #tpu.memory_space<vmem>>) offsets(%dma_start3A_77 : memref<128xi32, #tpu.memory_space<vmem>>) semaphore(%arg10 : memref<!tpu.dma_semaphore, #tpu.memory_space<semaphore_mem>>)
      %dma_start3A_81 = arith.constant 1 : i32
      %dma_start3A_82 = arith.constant 1 : i32
      %dma_start3A_83 = arith.constant 0 : i32
      %dma_start3A_84 = arith.constant 0 : i32
      %dma_start3A_85 = tpu.memref_slice %arg8[%dma_start3A_82, %dma_start3A_83, %dma_start3A_84] : memref<8x128x64xf32, #tpu.memory_space<vmem>> -> memref<1x128x64xf32, #tpu.memory_space<vmem>>
      %dma_start3A_86 = tpu.memref_squeeze %dma_start3A_85 : memref<1x128x64xf32, #tpu.memory_space<vmem>> -> memref<128x64xf32, #tpu.memory_space<vmem>>
      %dma_start3A_87 = arith.constant 0 : i32
      %dma_start3A_88 = tpu.memref_slice %arg6[%dma_start3A_81, %dma_start3A_87] : memref<8x128xi32, #tpu.memory_space<vmem>> -> memref<1x128xi32, #tpu.memory_space<vmem>>
      %dma_start3A_89 = tpu.memref_squeeze %dma_start3A_88 : memref<1x128xi32, #tpu.memory_space<vmem>> -> memref<128xi32, #tpu.memory_space<vmem>>
      %dma_start3A_90 = arith.constant 0 : i32
      %dma_start3A_91 = arith.constant 0 : i32
      %dma_start3A_92 = tpu.memref_slice %arg2[%dma_start3A_90, %dma_start3A_91] : memref<10240x64xf32, #tpu.memory_space<hbm>> -> memref<10240x64xf32, #tpu.memory_space<hbm>>
      tpu.enqueue_indirect_dma source(%dma_start3A_92 : memref<10240x64xf32, #tpu.memory_space<hbm>>) target(%dma_start3A_86 : memref<128x64xf32, #tpu.memory_space<vmem>>) offsets(%dma_start3A_89 : memref<128xi32, #tpu.memory_space<vmem>>) semaphore(%arg10 : memref<!tpu.dma_semaphore, #tpu.memory_space<semaphore_mem>>)
      %dma_start3A_93 = arith.constant 2 : i32
      %dma_start3A_94 = arith.constant 2 : i32
      %dma_start3A_95 = arith.constant 0 : i32
      %dma_start3A_96 = arith.constant 0 : i32
      %dma_start3A_97 = tpu.memref_slice %arg8[%dma_start3A_94, %dma_start3A_95, %dma_start3A_96] : memref<8x128x64xf32, #tpu.memory_space<vmem>> -> memref<1x128x64xf32, #tpu.memory_space<vmem>>
      %dma_start3A_98 = tpu.memref_squeeze %dma_start3A_97 : memref<1x128x64xf32, #tpu.memory_space<vmem>> -> memref<128x64xf32, #tpu.memory_space<vmem>>
      %dma_start3A_99 = arith.constant 0 : i32
      %dma_start3A_100 = tpu.memref_slice %arg6[%dma_start3A_93, %dma_start3A_99] : memref<8x128xi32, #tpu.memory_space<vmem>> -> memref<1x128xi32, #tpu.memory_space<vmem>>
      %dma_start3A_101 = tpu.memref_squeeze %dma_start3A_100 : memref<1x128xi32, #tpu.memory_space<vmem>> -> memref<128xi32, #tpu.memory_space<vmem>>
      %dma_start3A_102 = arith.constant 0 : i32
      %dma_start3A_103 = arith.constant 0 : i32
      %dma_start3A_104 = tpu.memref_slice %arg2[%dma_start3A_102, %dma_start3A_103] : memref<10240x64xf32, #tpu.memory_space<hbm>> -> memref<10240x64xf32, #tpu.memory_space<hbm>>
      tpu.enqueue_indirect_dma source(%dma_start3A_104 : memref<10240x64xf32, #tpu.memory_space<hbm>>) target(%dma_start3A_98 : memref<128x64xf32, #tpu.memory_space<vmem>>) offsets(%dma_start3A_101 : memref<128xi32, #tpu.memory_space<vmem>>) semaphore(%arg10 : memref<!tpu.dma_semaphore, #tpu.memory_space<semaphore_mem>>)
      %dma_start3A_105 = arith.constant 3 : i32
      %dma_start3A_106 = arith.constant 3 : i32
      %dma_start3A_107 = arith.constant 0 : i32
      %dma_start3A_108 = arith.constant 0 : i32
      %dma_start3A_109 = tpu.memref_slice %arg8[%dma_start3A_106, %dma_start3A_107, %dma_start3A_108] : memref<8x128x64xf32, #tpu.memory_space<vmem>> -> memref<1x128x64xf32, #tpu.memory_space<vmem>>
      %dma_start3A_110 = tpu.memref_squeeze %dma_start3A_109 : memref<1x128x64xf32, #tpu.memory_space<vmem>> -> memref<128x64xf32, #tpu.memory_space<vmem>>
      %dma_start3A_111 = arith.constant 0 : i32
      %dma_start3A_112 = tpu.memref_slice %arg6[%dma_start3A_105, %dma_start3A_111] : memref<8x128xi32, #tpu.memory_space<vmem>> -> memref<1x128xi32, #tpu.memory_space<vmem>>
      %dma_start3A_113 = tpu.memref_squeeze %dma_start3A_112 : memref<1x128xi32, #tpu.memory_space<vmem>> -> memref<128xi32, #tpu.memory_space<vmem>>
      %dma_start3A_114 = arith.constant 0 : i32
      %dma_start3A_115 = arith.constant 0 : i32
      %dma_start3A_116 = tpu.memref_slice %arg2[%dma_start3A_114, %dma_start3A_115] : memref<10240x64xf32, #tpu.memory_space<hbm>> -> memref<10240x64xf32, #tpu.memory_space<hbm>>
      tpu.enqueue_indirect_dma source(%dma_start3A_116 : memref<10240x64xf32, #tpu.memory_space<hbm>>) target(%dma_start3A_110 : memref<128x64xf32, #tpu.memory_space<vmem>>) offsets(%dma_start3A_113 : memref<128xi32, #tpu.memory_space<vmem>>) semaphore(%arg10 : memref<!tpu.dma_semaphore, #tpu.memory_space<semaphore_mem>>)
      %dma_start3A_117 = arith.constant 4 : i32
      %dma_start3A_118 = arith.constant 4 : i32
      %dma_start3A_119 = arith.constant 0 : i32
      %dma_start3A_120 = arith.constant 0 : i32
      %dma_start3A_121 = tpu.memref_slice %arg8[%dma_start3A_118, %dma_start3A_119, %dma_start3A_120] : memref<8x128x64xf32, #tpu.memory_space<vmem>> -> memref<1x128x64xf32, #tpu.memory_space<vmem>>
      %dma_start3A_122 = tpu.memref_squeeze %dma_start3A_121 : memref<1x128x64xf32, #tpu.memory_space<vmem>> -> memref<128x64xf32, #tpu.memory_space<vmem>>
      %dma_start3A_123 = arith.constant 0 : i32
      %dma_start3A_124 = tpu.memref_slice %arg6[%dma_start3A_117, %dma_start3A_123] : memref<8x128xi32, #tpu.memory_space<vmem>> -> memref<1x128xi32, #tpu.memory_space<vmem>>
      %dma_start3A_125 = tpu.memref_squeeze %dma_start3A_124 : memref<1x128xi32, #tpu.memory_space<vmem>> -> memref<128xi32, #tpu.memory_space<vmem>>
      %dma_start3A_126 = arith.constant 0 : i32
      %dma_start3A_127 = arith.constant 0 : i32
      %dma_start3A_128 = tpu.memref_slice %arg2[%dma_start3A_126, %dma_start3A_127] : memref<10240x64xf32, #tpu.memory_space<hbm>> -> memref<10240x64xf32, #tpu.memory_space<hbm>>
      tpu.enqueue_indirect_dma source(%dma_start3A_128 : memref<10240x64xf32, #tpu.memory_space<hbm>>) target(%dma_start3A_122 : memref<128x64xf32, #tpu.memory_space<vmem>>) offsets(%dma_start3A_125 : memref<128xi32, #tpu.memory_space<vmem>>) semaphore(%arg10 : memref<!tpu.dma_semaphore, #tpu.memory_space<semaphore_mem>>)
      %dma_start3A_129 = arith.constant 5 : i32
      %dma_start3A_130 = arith.constant 5 : i32
      %dma_start3A_131 = arith.constant 0 : i32
      %dma_start3A_132 = arith.constant 0 : i32
      %dma_start3A_133 = tpu.memref_slice %arg8[%dma_start3A_130, %dma_start3A_131, %dma_start3A_132] : memref<8x128x64xf32, #tpu.memory_space<vmem>> -> memref<1x128x64xf32, #tpu.memory_space<vmem>>
      %dma_start3A_134 = tpu.memref_squeeze %dma_start3A_133 : memref<1x128x64xf32, #tpu.memory_space<vmem>> -> memref<128x64xf32, #tpu.memory_space<vmem>>
      %dma_start3A_135 = arith.constant 0 : i32
      %dma_start3A_136 = tpu.memref_slice %arg6[%dma_start3A_129, %dma_start3A_135] : memref<8x128xi32, #tpu.memory_space<vmem>> -> memref<1x128xi32, #tpu.memory_space<vmem>>
      %dma_start3A_137 = tpu.memref_squeeze %dma_start3A_136 : memref<1x128xi32, #tpu.memory_space<vmem>> -> memref<128xi32, #tpu.memory_space<vmem>>
      %dma_start3A_138 = arith.constant 0 : i32
      %dma_start3A_139 = arith.constant 0 : i32
      %dma_start3A_140 = tpu.memref_slice %arg2[%dma_start3A_138, %dma_start3A_139] : memref<10240x64xf32, #tpu.memory_space<hbm>> -> memref<10240x64xf32, #tpu.memory_space<hbm>>
      tpu.enqueue_indirect_dma source(%dma_start3A_140 : memref<10240x64xf32, #tpu.memory_space<hbm>>) target(%dma_start3A_134 : memref<128x64xf32, #tpu.memory_space<vmem>>) offsets(%dma_start3A_137 : memref<128xi32, #tpu.memory_space<vmem>>) semaphore(%arg10 : memref<!tpu.dma_semaphore, #tpu.memory_space<semaphore_mem>>)
      %dma_start3A_141 = arith.constant 6 : i32
      %dma_start3A_142 = arith.constant 6 : i32
      %dma_start3A_143 = arith.constant 0 : i32
      %dma_start3A_144 = arith.constant 0 : i32
      %dma_start3A_145 = tpu.memref_slice %arg8[%dma_start3A_142, %dma_start3A_143, %dma_start3A_144] : memref<8x128x64xf32, #tpu.memory_space<vmem>> -> memref<1x128x64xf32, #tpu.memory_space<vmem>>
      %dma_start3A_146 = tpu.memref_squeeze %dma_start3A_145 : memref<1x128x64xf32, #tpu.memory_space<vmem>> -> memref<128x64xf32, #tpu.memory_space<vmem>>
      %dma_start3A_147 = arith.constant 0 : i32
      %dma_start3A_148 = tpu.memref_slice %arg6[%dma_start3A_141, %dma_start3A_147] : memref<8x128xi32, #tpu.memory_space<vmem>> -> memref<1x128xi32, #tpu.memory_space<vmem>>
      %dma_start3A_149 = tpu.memref_squeeze %dma_start3A_148 : memref<1x128xi32, #tpu.memory_space<vmem>> -> memref<128xi32, #tpu.memory_space<vmem>>
      %dma_start3A_150 = arith.constant 0 : i32
      %dma_start3A_151 = arith.constant 0 : i32
      %dma_start3A_152 = tpu.memref_slice %arg2[%dma_start3A_150, %dma_start3A_151] : memref<10240x64xf32, #tpu.memory_space<hbm>> -> memref<10240x64xf32, #tpu.memory_space<hbm>>
      tpu.enqueue_indirect_dma source(%dma_start3A_152 : memref<10240x64xf32, #tpu.memory_space<hbm>>) target(%dma_start3A_146 : memref<128x64xf32, #tpu.memory_space<vmem>>) offsets(%dma_start3A_149 : memref<128xi32, #tpu.memory_space<vmem>>) semaphore(%arg10 : memref<!tpu.dma_semaphore, #tpu.memory_space<semaphore_mem>>)
      %dma_start3A_153 = arith.constant 7 : i32
      %dma_start3A_154 = arith.constant 7 : i32
      %dma_start3A_155 = arith.constant 0 : i32
      %dma_start3A_156 = arith.constant 0 : i32
      %dma_start3A_157 = tpu.memref_slice %arg8[%dma_start3A_154, %dma_start3A_155, %dma_start3A_156] : memref<8x128x64xf32, #tpu.memory_space<vmem>> -> memref<1x128x64xf32, #tpu.memory_space<vmem>>
      %dma_start3A_158 = tpu.memref_squeeze %dma_start3A_157 : memref<1x128x64xf32, #tpu.memory_space<vmem>> -> memref<128x64xf32, #tpu.memory_space<vmem>>
      %dma_start3A_159 = arith.constant 0 : i32
      %dma_start3A_160 = tpu.memref_slice %arg6[%dma_start3A_153, %dma_start3A_159] : memref<8x128xi32, #tpu.memory_space<vmem>> -> memref<1x128xi32, #tpu.memory_space<vmem>>
      %dma_start3A_161 = tpu.memref_squeeze %dma_start3A_160 : memref<1x128xi32, #tpu.memory_space<vmem>> -> memref<128xi32, #tpu.memory_space<vmem>>
      %dma_start3A_162 = arith.constant 0 : i32
      %dma_start3A_163 = arith.constant 0 : i32
      %dma_start3A_164 = tpu.memref_slice %arg2[%dma_start3A_162, %dma_start3A_163] : memref<10240x64xf32, #tpu.memory_space<hbm>> -> memref<10240x64xf32, #tpu.memory_space<hbm>>
      tpu.enqueue_indirect_dma source(%dma_start3A_164 : memref<10240x64xf32, #tpu.memory_space<hbm>>) target(%dma_start3A_158 : memref<128x64xf32, #tpu.memory_space<vmem>>) offsets(%dma_start3A_161 : memref<128xi32, #tpu.memory_space<vmem>>) semaphore(%arg10 : memref<!tpu.dma_semaphore, #tpu.memory_space<semaphore_mem>>)
      %dma_wait3A = arith.constant 0 : i32
      %dma_wait3A_165 = arith.constant 0 : i32
      %dma_wait3A_166 = arith.constant 0 : i32
      %dma_wait3A_167 = arith.constant 0 : i32
      %dma_wait3A_168 = tpu.memref_slice %arg8[%dma_wait3A_165, %dma_wait3A_166, %dma_wait3A_167] : memref<8x128x64xf32, #tpu.memory_space<vmem>> -> memref<1x128x64xf32, #tpu.memory_space<vmem>>
      %dma_wait3A_169 = tpu.memref_squeeze %dma_wait3A_168 : memref<1x128x64xf32, #tpu.memory_space<vmem>> -> memref<128x64xf32, #tpu.memory_space<vmem>>
      %dma_wait3A_170 = arith.constant 0 : i32
      %dma_wait3A_171 = tpu.memref_slice %arg6[%dma_wait3A, %dma_wait3A_170] : memref<8x128xi32, #tpu.memory_space<vmem>> -> memref<1x128xi32, #tpu.memory_space<vmem>>
      %dma_wait3A_172 = tpu.memref_squeeze %dma_wait3A_171 : memref<1x128xi32, #tpu.memory_space<vmem>> -> memref<128xi32, #tpu.memory_space<vmem>>
      %dma_wait3A_173 = arith.constant 0 : i32
      %dma_wait3A_174 = arith.constant 0 : i32
      %dma_wait3A_175 = tpu.memref_slice %arg2[%dma_wait3A_173, %dma_wait3A_174] : memref<10240x64xf32, #tpu.memory_space<hbm>> -> memref<10240x64xf32, #tpu.memory_space<hbm>>
      tpu.wait_indirect_dma semaphore(%arg10 : memref<!tpu.dma_semaphore, #tpu.memory_space<semaphore_mem>>) src(%dma_wait3A_175 : memref<10240x64xf32, #tpu.memory_space<hbm>>) dst(%dma_wait3A_169 : memref<128x64xf32, #tpu.memory_space<vmem>>)
      %dma_wait3A_176 = arith.constant 1 : i32
      %dma_wait3A_177 = arith.constant 1 : i32
      %dma_wait3A_178 = arith.constant 0 : i32
      %dma_wait3A_179 = arith.constant 0 : i32
      %dma_wait3A_180 = tpu.memref_slice %arg8[%dma_wait3A_177, %dma_wait3A_178, %dma_wait3A_179] : memref<8x128x64xf32, #tpu.memory_space<vmem>> -> memref<1x128x64xf32, #tpu.memory_space<vmem>>
      %dma_wait3A_181 = tpu.memref_squeeze %dma_wait3A_180 : memref<1x128x64xf32, #tpu.memory_space<vmem>> -> memref<128x64xf32, #tpu.memory_space<vmem>>
      %dma_wait3A_182 = arith.constant 0 : i32
      %dma_wait3A_183 = tpu.memref_slice %arg6[%dma_wait3A_176, %dma_wait3A_182] : memref<8x128xi32, #tpu.memory_space<vmem>> -> memref<1x128xi32, #tpu.memory_space<vmem>>
      %dma_wait3A_184 = tpu.memref_squeeze %dma_wait3A_183 : memref<1x128xi32, #tpu.memory_space<vmem>> -> memref<128xi32, #tpu.memory_space<vmem>>
      %dma_wait3A_185 = arith.constant 0 : i32
      %dma_wait3A_186 = arith.constant 0 : i32
      %dma_wait3A_187 = tpu.memref_slice %arg2[%dma_wait3A_185, %dma_wait3A_186] : memref<10240x64xf32, #tpu.memory_space<hbm>> -> memref<10240x64xf32, #tpu.memory_space<hbm>>
      tpu.wait_indirect_dma semaphore(%arg10 : memref<!tpu.dma_semaphore, #tpu.memory_space<semaphore_mem>>) src(%dma_wait3A_187 : memref<10240x64xf32, #tpu.memory_space<hbm>>) dst(%dma_wait3A_181 : memref<128x64xf32, #tpu.memory_space<vmem>>)
      %dma_wait3A_188 = arith.constant 2 : i32
      %dma_wait3A_189 = arith.constant 2 : i32
      %dma_wait3A_190 = arith.constant 0 : i32
      %dma_wait3A_191 = arith.constant 0 : i32
      %dma_wait3A_192 = tpu.memref_slice %arg8[%dma_wait3A_189, %dma_wait3A_190, %dma_wait3A_191] : memref<8x128x64xf32, #tpu.memory_space<vmem>> -> memref<1x128x64xf32, #tpu.memory_space<vmem>>
      %dma_wait3A_193 = tpu.memref_squeeze %dma_wait3A_192 : memref<1x128x64xf32, #tpu.memory_space<vmem>> -> memref<128x64xf32, #tpu.memory_space<vmem>>
      %dma_wait3A_194 = arith.constant 0 : i32
      %dma_wait3A_195 = tpu.memref_slice %arg6[%dma_wait3A_188, %dma_wait3A_194] : memref<8x128xi32, #tpu.memory_space<vmem>> -> memref<1x128xi32, #tpu.memory_space<vmem>>
      %dma_wait3A_196 = tpu.memref_squeeze %dma_wait3A_195 : memref<1x128xi32, #tpu.memory_space<vmem>> -> memref<128xi32, #tpu.memory_space<vmem>>
      %dma_wait3A_197 = arith.constant 0 : i32
      %dma_wait3A_198 = arith.constant 0 : i32
      %dma_wait3A_199 = tpu.memref_slice %arg2[%dma_wait3A_197, %dma_wait3A_198] : memref<10240x64xf32, #tpu.memory_space<hbm>> -> memref<10240x64xf32, #tpu.memory_space<hbm>>
      tpu.wait_indirect_dma semaphore(%arg10 : memref<!tpu.dma_semaphore, #tpu.memory_space<semaphore_mem>>) src(%dma_wait3A_199 : memref<10240x64xf32, #tpu.memory_space<hbm>>) dst(%dma_wait3A_193 : memref<128x64xf32, #tpu.memory_space<vmem>>)
      %dma_wait3A_200 = arith.constant 3 : i32
      %dma_wait3A_201 = arith.constant 3 : i32
      %dma_wait3A_202 = arith.constant 0 : i32
      %dma_wait3A_203 = arith.constant 0 : i32
      %dma_wait3A_204 = tpu.memref_slice %arg8[%dma_wait3A_201, %dma_wait3A_202, %dma_wait3A_203] : memref<8x128x64xf32, #tpu.memory_space<vmem>> -> memref<1x128x64xf32, #tpu.memory_space<vmem>>
      %dma_wait3A_205 = tpu.memref_squeeze %dma_wait3A_204 : memref<1x128x64xf32, #tpu.memory_space<vmem>> -> memref<128x64xf32, #tpu.memory_space<vmem>>
      %dma_wait3A_206 = arith.constant 0 : i32
      %dma_wait3A_207 = tpu.memref_slice %arg6[%dma_wait3A_200, %dma_wait3A_206] : memref<8x128xi32, #tpu.memory_space<vmem>> -> memref<1x128xi32, #tpu.memory_space<vmem>>
      %dma_wait3A_208 = tpu.memref_squeeze %dma_wait3A_207 : memref<1x128xi32, #tpu.memory_space<vmem>> -> memref<128xi32, #tpu.memory_space<vmem>>
      %dma_wait3A_209 = arith.constant 0 : i32
      %dma_wait3A_210 = arith.constant 0 : i32
      %dma_wait3A_211 = tpu.memref_slice %arg2[%dma_wait3A_209, %dma_wait3A_210] : memref<10240x64xf32, #tpu.memory_space<hbm>> -> memref<10240x64xf32, #tpu.memory_space<hbm>>
      tpu.wait_indirect_dma semaphore(%arg10 : memref<!tpu.dma_semaphore, #tpu.memory_space<semaphore_mem>>) src(%dma_wait3A_211 : memref<10240x64xf32, #tpu.memory_space<hbm>>) dst(%dma_wait3A_205 : memref<128x64xf32, #tpu.memory_space<vmem>>)
      %dma_wait3A_212 = arith.constant 4 : i32
      %dma_wait3A_213 = arith.constant 4 : i32
      %dma_wait3A_214 = arith.constant 0 : i32
      %dma_wait3A_215 = arith.constant 0 : i32
      %dma_wait3A_216 = tpu.memref_slice %arg8[%dma_wait3A_213, %dma_wait3A_214, %dma_wait3A_215] : memref<8x128x64xf32, #tpu.memory_space<vmem>> -> memref<1x128x64xf32, #tpu.memory_space<vmem>>
      %dma_wait3A_217 = tpu.memref_squeeze %dma_wait3A_216 : memref<1x128x64xf32, #tpu.memory_space<vmem>> -> memref<128x64xf32, #tpu.memory_space<vmem>>
      %dma_wait3A_218 = arith.constant 0 : i32
      %dma_wait3A_219 = tpu.memref_slice %arg6[%dma_wait3A_212, %dma_wait3A_218] : memref<8x128xi32, #tpu.memory_space<vmem>> -> memref<1x128xi32, #tpu.memory_space<vmem>>
      %dma_wait3A_220 = tpu.memref_squeeze %dma_wait3A_219 : memref<1x128xi32, #tpu.memory_space<vmem>> -> memref<128xi32, #tpu.memory_space<vmem>>
      %dma_wait3A_221 = arith.constant 0 : i32
      %dma_wait3A_222 = arith.constant 0 : i32
      %dma_wait3A_223 = tpu.memref_slice %arg2[%dma_wait3A_221, %dma_wait3A_222] : memref<10240x64xf32, #tpu.memory_space<hbm>> -> memref<10240x64xf32, #tpu.memory_space<hbm>>
      tpu.wait_indirect_dma semaphore(%arg10 : memref<!tpu.dma_semaphore, #tpu.memory_space<semaphore_mem>>) src(%dma_wait3A_223 : memref<10240x64xf32, #tpu.memory_space<hbm>>) dst(%dma_wait3A_217 : memref<128x64xf32, #tpu.memory_space<vmem>>)
      %dma_wait3A_224 = arith.constant 5 : i32
      %dma_wait3A_225 = arith.constant 5 : i32
      %dma_wait3A_226 = arith.constant 0 : i32
      %dma_wait3A_227 = arith.constant 0 : i32
      %dma_wait3A_228 = tpu.memref_slice %arg8[%dma_wait3A_225, %dma_wait3A_226, %dma_wait3A_227] : memref<8x128x64xf32, #tpu.memory_space<vmem>> -> memref<1x128x64xf32, #tpu.memory_space<vmem>>
      %dma_wait3A_229 = tpu.memref_squeeze %dma_wait3A_228 : memref<1x128x64xf32, #tpu.memory_space<vmem>> -> memref<128x64xf32, #tpu.memory_space<vmem>>
      %dma_wait3A_230 = arith.constant 0 : i32
      %dma_wait3A_231 = tpu.memref_slice %arg6[%dma_wait3A_224, %dma_wait3A_230] : memref<8x128xi32, #tpu.memory_space<vmem>> -> memref<1x128xi32, #tpu.memory_space<vmem>>
      %dma_wait3A_232 = tpu.memref_squeeze %dma_wait3A_231 : memref<1x128xi32, #tpu.memory_space<vmem>> -> memref<128xi32, #tpu.memory_space<vmem>>
      %dma_wait3A_233 = arith.constant 0 : i32
      %dma_wait3A_234 = arith.constant 0 : i32
      %dma_wait3A_235 = tpu.memref_slice %arg2[%dma_wait3A_233, %dma_wait3A_234] : memref<10240x64xf32, #tpu.memory_space<hbm>> -> memref<10240x64xf32, #tpu.memory_space<hbm>>
      tpu.wait_indirect_dma semaphore(%arg10 : memref<!tpu.dma_semaphore, #tpu.memory_space<semaphore_mem>>) src(%dma_wait3A_235 : memref<10240x64xf32, #tpu.memory_space<hbm>>) dst(%dma_wait3A_229 : memref<128x64xf32, #tpu.memory_space<vmem>>)
      %dma_wait3A_236 = arith.constant 6 : i32
      %dma_wait3A_237 = arith.constant 6 : i32
      %dma_wait3A_238 = arith.constant 0 : i32
      %dma_wait3A_239 = arith.constant 0 : i32
      %dma_wait3A_240 = tpu.memref_slice %arg8[%dma_wait3A_237, %dma_wait3A_238, %dma_wait3A_239] : memref<8x128x64xf32, #tpu.memory_space<vmem>> -> memref<1x128x64xf32, #tpu.memory_space<vmem>>
      %dma_wait3A_241 = tpu.memref_squeeze %dma_wait3A_240 : memref<1x128x64xf32, #tpu.memory_space<vmem>> -> memref<128x64xf32, #tpu.memory_space<vmem>>
      %dma_wait3A_242 = arith.constant 0 : i32
      %dma_wait3A_243 = tpu.memref_slice %arg6[%dma_wait3A_236, %dma_wait3A_242] : memref<8x128xi32, #tpu.memory_space<vmem>> -> memref<1x128xi32, #tpu.memory_space<vmem>>
      %dma_wait3A_244 = tpu.memref_squeeze %dma_wait3A_243 : memref<1x128xi32, #tpu.memory_space<vmem>> -> memref<128xi32, #tpu.memory_space<vmem>>
      %dma_wait3A_245 = arith.constant 0 : i32
      %dma_wait3A_246 = arith.constant 0 : i32
      %dma_wait3A_247 = tpu.memref_slice %arg2[%dma_wait3A_245, %dma_wait3A_246] : memref<10240x64xf32, #tpu.memory_space<hbm>> -> memref<10240x64xf32, #tpu.memory_space<hbm>>
      tpu.wait_indirect_dma semaphore(%arg10 : memref<!tpu.dma_semaphore, #tpu.memory_space<semaphore_mem>>) src(%dma_wait3A_247 : memref<10240x64xf32, #tpu.memory_space<hbm>>) dst(%dma_wait3A_241 : memref<128x64xf32, #tpu.memory_space<vmem>>)
      %dma_wait3A_248 = arith.constant 7 : i32
      %dma_wait3A_249 = arith.constant 7 : i32
      %dma_wait3A_250 = arith.constant 0 : i32
      %dma_wait3A_251 = arith.constant 0 : i32
      %dma_wait3A_252 = tpu.memref_slice %arg8[%dma_wait3A_249, %dma_wait3A_250, %dma_wait3A_251] : memref<8x128x64xf32, #tpu.memory_space<vmem>> -> memref<1x128x64xf32, #tpu.memory_space<vmem>>
      %dma_wait3A_253 = tpu.memref_squeeze %dma_wait3A_252 : memref<1x128x64xf32, #tpu.memory_space<vmem>> -> memref<128x64xf32, #tpu.memory_space<vmem>>
      %dma_wait3A_254 = arith.constant 0 : i32
      %dma_wait3A_255 = tpu.memref_slice %arg6[%dma_wait3A_248, %dma_wait3A_254] : memref<8x128xi32, #tpu.memory_space<vmem>> -> memref<1x128xi32, #tpu.memory_space<vmem>>
      %dma_wait3A_256 = tpu.memref_squeeze %dma_wait3A_255 : memref<1x128xi32, #tpu.memory_space<vmem>> -> memref<128xi32, #tpu.memory_space<vmem>>
      %dma_wait3A_257 = arith.constant 0 : i32
      %dma_wait3A_258 = arith.constant 0 : i32
      %dma_wait3A_259 = tpu.memref_slice %arg2[%dma_wait3A_257, %dma_wait3A_258] : memref<10240x64xf32, #tpu.memory_space<hbm>> -> memref<10240x64xf32, #tpu.memory_space<hbm>>
      tpu.wait_indirect_dma semaphore(%arg10 : memref<!tpu.dma_semaphore, #tpu.memory_space<semaphore_mem>>) src(%dma_wait3A_259 : memref<10240x64xf32, #tpu.memory_space<hbm>>) dst(%dma_wait3A_253 : memref<128x64xf32, #tpu.memory_space<vmem>>)
      %run_scoped3A_260 = arith.constant 0 : i32
      %run_scoped3A_261 = arith.constant 0 : i32
      "tpu.region"() ({
        %run_scoped3A_276 = tpu.sem_alloc : memref<!tpu.dma_semaphore, #tpu.memory_space<semaphore_mem>>
        %dma_start3A_277 = arith.constant 0 : i32
        %dma_start3A_278 = arith.constant 0 : i32
        %dma_start3A_279 = tpu.memref_slice %arg8[%run_scoped3A_260, %dma_start3A_277, %dma_start3A_278] : memref<8x128x64xf32, #tpu.memory_space<vmem>> -> memref<1x128x64xf32, #tpu.memory_space<vmem>>
        %dma_start3A_280 = tpu.memref_squeeze %dma_start3A_279 : memref<1x128x64xf32, #tpu.memory_space<vmem>> -> memref<128x64xf32, #tpu.memory_space<vmem>>
        %dma_start3A_281 = arith.constant 0 : i32
        %dma_start3A_282 = tpu.memref_slice %arg7[%run_scoped3A_261, %dma_start3A_281] : memref<8x128xi32, #tpu.memory_space<vmem>> -> memref<1x128xi32, #tpu.memory_space<vmem>>
        %dma_start3A_283 = tpu.memref_squeeze %dma_start3A_282 : memref<1x128xi32, #tpu.memory_space<vmem>> -> memref<128xi32, #tpu.memory_space<vmem>>
        %dma_start3A_284 = arith.constant 0 : i32
        %dma_start3A_285 = arith.constant 0 : i32
        %dma_start3A_286 = tpu.memref_slice %arg9[%dma_start3A_284, %dma_start3A_285] : memref<10240x64xf32, #tpu.memory_space<vmem_shared>> -> memref<10240x64xf32, #tpu.memory_space<vmem_shared>>
        tpu.enqueue_indirect_dma source(%dma_start3A_280 : memref<128x64xf32, #tpu.memory_space<vmem>>) target(%dma_start3A_286 : memref<10240x64xf32, #tpu.memory_space<vmem_shared>>) offsets(%dma_start3A_283 : memref<128xi32, #tpu.memory_space<vmem>>) semaphore(%run_scoped3A_276 : memref<!tpu.dma_semaphore, #tpu.memory_space<semaphore_mem>>) {add = true}
        %dma_wait3A_287 = arith.constant 0 : i32
        %dma_wait3A_288 = arith.constant 0 : i32
        %dma_wait3A_289 = tpu.memref_slice %arg8[%run_scoped3A_260, %dma_wait3A_287, %dma_wait3A_288] : memref<8x128x64xf32, #tpu.memory_space<vmem>> -> memref<1x128x64xf32, #tpu.memory_space<vmem>>
        %dma_wait3A_290 = tpu.memref_squeeze %dma_wait3A_289 : memref<1x128x64xf32, #tpu.memory_space<vmem>> -> memref<128x64xf32, #tpu.memory_space<vmem>>
        %dma_wait3A_291 = arith.constant 0 : i32
        %dma_wait3A_292 = tpu.memref_slice %arg7[%run_scoped3A_261, %dma_wait3A_291] : memref<8x128xi32, #tpu.memory_space<vmem>> -> memref<1x128xi32, #tpu.memory_space<vmem>>
        %dma_wait3A_293 = tpu.memref_squeeze %dma_wait3A_292 : memref<1x128xi32, #tpu.memory_space<vmem>> -> memref<128xi32, #tpu.memory_space<vmem>>
        %dma_wait3A_294 = arith.constant 0 : i32
        %dma_wait3A_295 = arith.constant 0 : i32
        %dma_wait3A_296 = tpu.memref_slice %arg9[%dma_wait3A_294, %dma_wait3A_295] : memref<10240x64xf32, #tpu.memory_space<vmem_shared>> -> memref<10240x64xf32, #tpu.memory_space<vmem_shared>>
        tpu.wait_indirect_dma semaphore(%run_scoped3A_276 : memref<!tpu.dma_semaphore, #tpu.memory_space<semaphore_mem>>) src(%dma_wait3A_290 : memref<128x64xf32, #tpu.memory_space<vmem>>) dst(%dma_wait3A_296 : memref<10240x64xf32, #tpu.memory_space<vmem_shared>>)
        tpu.yield
      }) : () -> ()
      %run_scoped3A_262 = arith.constant 1 : i32
      %run_scoped3A_263 = arith.constant 1 : i32
      "tpu.region"() ({
        %run_scoped3A_276 = tpu.sem_alloc : memref<!tpu.dma_semaphore, #tpu.memory_space<semaphore_mem>>
        %dma_start3A_277 = arith.constant 0 : i32
        %dma_start3A_278 = arith.constant 0 : i32
        %dma_start3A_279 = tpu.memref_slice %arg8[%run_scoped3A_262, %dma_start3A_277, %dma_start3A_278] : memref<8x128x64xf32, #tpu.memory_space<vmem>> -> memref<1x128x64xf32, #tpu.memory_space<vmem>>
        %dma_start3A_280 = tpu.memref_squeeze %dma_start3A_279 : memref<1x128x64xf32, #tpu.memory_space<vmem>> -> memref<128x64xf32, #tpu.memory_space<vmem>>
        %dma_start3A_281 = arith.constant 0 : i32
        %dma_start3A_282 = tpu.memref_slice %arg7[%run_scoped3A_263, %dma_start3A_281] : memref<8x128xi32, #tpu.memory_space<vmem>> -> memref<1x128xi32, #tpu.memory_space<vmem>>
        %dma_start3A_283 = tpu.memref_squeeze %dma_start3A_282 : memref<1x128xi32, #tpu.memory_space<vmem>> -> memref<128xi32, #tpu.memory_space<vmem>>
        %dma_start3A_284 = arith.constant 0 : i32
        %dma_start3A_285 = arith.constant 0 : i32
        %dma_start3A_286 = tpu.memref_slice %arg9[%dma_start3A_284, %dma_start3A_285] : memref<10240x64xf32, #tpu.memory_space<vmem_shared>> -> memref<10240x64xf32, #tpu.memory_space<vmem_shared>>
        tpu.enqueue_indirect_dma source(%dma_start3A_280 : memref<128x64xf32, #tpu.memory_space<vmem>>) target(%dma_start3A_286 : memref<10240x64xf32, #tpu.memory_space<vmem_shared>>) offsets(%dma_start3A_283 : memref<128xi32, #tpu.memory_space<vmem>>) semaphore(%run_scoped3A_276 : memref<!tpu.dma_semaphore, #tpu.memory_space<semaphore_mem>>) {add = true}
        %dma_wait3A_287 = arith.constant 0 : i32
        %dma_wait3A_288 = arith.constant 0 : i32
        %dma_wait3A_289 = tpu.memref_slice %arg8[%run_scoped3A_262, %dma_wait3A_287, %dma_wait3A_288] : memref<8x128x64xf32, #tpu.memory_space<vmem>> -> memref<1x128x64xf32, #tpu.memory_space<vmem>>
        %dma_wait3A_290 = tpu.memref_squeeze %dma_wait3A_289 : memref<1x128x64xf32, #tpu.memory_space<vmem>> -> memref<128x64xf32, #tpu.memory_space<vmem>>
        %dma_wait3A_291 = arith.constant 0 : i32
        %dma_wait3A_292 = tpu.memref_slice %arg7[%run_scoped3A_263, %dma_wait3A_291] : memref<8x128xi32, #tpu.memory_space<vmem>> -> memref<1x128xi32, #tpu.memory_space<vmem>>
        %dma_wait3A_293 = tpu.memref_squeeze %dma_wait3A_292 : memref<1x128xi32, #tpu.memory_space<vmem>> -> memref<128xi32, #tpu.memory_space<vmem>>
        %dma_wait3A_294 = arith.constant 0 : i32
        %dma_wait3A_295 = arith.constant 0 : i32
        %dma_wait3A_296 = tpu.memref_slice %arg9[%dma_wait3A_294, %dma_wait3A_295] : memref<10240x64xf32, #tpu.memory_space<vmem_shared>> -> memref<10240x64xf32, #tpu.memory_space<vmem_shared>>
        tpu.wait_indirect_dma semaphore(%run_scoped3A_276 : memref<!tpu.dma_semaphore, #tpu.memory_space<semaphore_mem>>) src(%dma_wait3A_290 : memref<128x64xf32, #tpu.memory_space<vmem>>) dst(%dma_wait3A_296 : memref<10240x64xf32, #tpu.memory_space<vmem_shared>>)
        tpu.yield
      }) : () -> ()
      %run_scoped3A_264 = arith.constant 2 : i32
      %run_scoped3A_265 = arith.constant 2 : i32
      "tpu.region"() ({
        %run_scoped3A_276 = tpu.sem_alloc : memref<!tpu.dma_semaphore, #tpu.memory_space<semaphore_mem>>
        %dma_start3A_277 = arith.constant 0 : i32
        %dma_start3A_278 = arith.constant 0 : i32
        %dma_start3A_279 = tpu.memref_slice %arg8[%run_scoped3A_264, %dma_start3A_277, %dma_start3A_278] : memref<8x128x64xf32, #tpu.memory_space<vmem>> -> memref<1x128x64xf32, #tpu.memory_space<vmem>>
        %dma_start3A_280 = tpu.memref_squeeze %dma_start3A_279 : memref<1x128x64xf32, #tpu.memory_space<vmem>> -> memref<128x64xf32, #tpu.memory_space<vmem>>
        %dma_start3A_281 = arith.constant 0 : i32
        %dma_start3A_282 = tpu.memref_slice %arg7[%run_scoped3A_265, %dma_start3A_281] : memref<8x128xi32, #tpu.memory_space<vmem>> -> memref<1x128xi32, #tpu.memory_space<vmem>>
        %dma_start3A_283 = tpu.memref_squeeze %dma_start3A_282 : memref<1x128xi32, #tpu.memory_space<vmem>> -> memref<128xi32, #tpu.memory_space<vmem>>
        %dma_start3A_284 = arith.constant 0 : i32
        %dma_start3A_285 = arith.constant 0 : i32
        %dma_start3A_286 = tpu.memref_slice %arg9[%dma_start3A_284, %dma_start3A_285] : memref<10240x64xf32, #tpu.memory_space<vmem_shared>> -> memref<10240x64xf32, #tpu.memory_space<vmem_shared>>
        tpu.enqueue_indirect_dma source(%dma_start3A_280 : memref<128x64xf32, #tpu.memory_space<vmem>>) target(%dma_start3A_286 : memref<10240x64xf32, #tpu.memory_space<vmem_shared>>) offsets(%dma_start3A_283 : memref<128xi32, #tpu.memory_space<vmem>>) semaphore(%run_scoped3A_276 : memref<!tpu.dma_semaphore, #tpu.memory_space<semaphore_mem>>) {add = true}
        %dma_wait3A_287 = arith.constant 0 : i32
        %dma_wait3A_288 = arith.constant 0 : i32
        %dma_wait3A_289 = tpu.memref_slice %arg8[%run_scoped3A_264, %dma_wait3A_287, %dma_wait3A_288] : memref<8x128x64xf32, #tpu.memory_space<vmem>> -> memref<1x128x64xf32, #tpu.memory_space<vmem>>
        %dma_wait3A_290 = tpu.memref_squeeze %dma_wait3A_289 : memref<1x128x64xf32, #tpu.memory_space<vmem>> -> memref<128x64xf32, #tpu.memory_space<vmem>>
        %dma_wait3A_291 = arith.constant 0 : i32
        %dma_wait3A_292 = tpu.memref_slice %arg7[%run_scoped3A_265, %dma_wait3A_291] : memref<8x128xi32, #tpu.memory_space<vmem>> -> memref<1x128xi32, #tpu.memory_space<vmem>>
        %dma_wait3A_293 = tpu.memref_squeeze %dma_wait3A_292 : memref<1x128xi32, #tpu.memory_space<vmem>> -> memref<128xi32, #tpu.memory_space<vmem>>
        %dma_wait3A_294 = arith.constant 0 : i32
        %dma_wait3A_295 = arith.constant 0 : i32
        %dma_wait3A_296 = tpu.memref_slice %arg9[%dma_wait3A_294, %dma_wait3A_295] : memref<10240x64xf32, #tpu.memory_space<vmem_shared>> -> memref<10240x64xf32, #tpu.memory_space<vmem_shared>>
        tpu.wait_indirect_dma semaphore(%run_scoped3A_276 : memref<!tpu.dma_semaphore, #tpu.memory_space<semaphore_mem>>) src(%dma_wait3A_290 : memref<128x64xf32, #tpu.memory_space<vmem>>) dst(%dma_wait3A_296 : memref<10240x64xf32, #tpu.memory_space<vmem_shared>>)
        tpu.yield
      }) : () -> ()
      %run_scoped3A_266 = arith.constant 3 : i32
      %run_scoped3A_267 = arith.constant 3 : i32
      "tpu.region"() ({
        %run_scoped3A_276 = tpu.sem_alloc : memref<!tpu.dma_semaphore, #tpu.memory_space<semaphore_mem>>
        %dma_start3A_277 = arith.constant 0 : i32
        %dma_start3A_278 = arith.constant 0 : i32
        %dma_start3A_279 = tpu.memref_slice %arg8[%run_scoped3A_266, %dma_start3A_277, %dma_start3A_278] : memref<8x128x64xf32, #tpu.memory_space<vmem>> -> memref<1x128x64xf32, #tpu.memory_space<vmem>>
        %dma_start3A_280 = tpu.memref_squeeze %dma_start3A_279 : memref<1x128x64xf32, #tpu.memory_space<vmem>> -> memref<128x64xf32, #tpu.memory_space<vmem>>
        %dma_start3A_281 = arith.constant 0 : i32
        %dma_start3A_282 = tpu.memref_slice %arg7[%run_scoped3A_267, %dma_start3A_281] : memref<8x128xi32, #tpu.memory_space<vmem>> -> memref<1x128xi32, #tpu.memory_space<vmem>>
        %dma_start3A_283 = tpu.memref_squeeze %dma_start3A_282 : memref<1x128xi32, #tpu.memory_space<vmem>> -> memref<128xi32, #tpu.memory_space<vmem>>
        %dma_start3A_284 = arith.constant 0 : i32
        %dma_start3A_285 = arith.constant 0 : i32
        %dma_start3A_286 = tpu.memref_slice %arg9[%dma_start3A_284, %dma_start3A_285] : memref<10240x64xf32, #tpu.memory_space<vmem_shared>> -> memref<10240x64xf32, #tpu.memory_space<vmem_shared>>
        tpu.enqueue_indirect_dma source(%dma_start3A_280 : memref<128x64xf32, #tpu.memory_space<vmem>>) target(%dma_start3A_286 : memref<10240x64xf32, #tpu.memory_space<vmem_shared>>) offsets(%dma_start3A_283 : memref<128xi32, #tpu.memory_space<vmem>>) semaphore(%run_scoped3A_276 : memref<!tpu.dma_semaphore, #tpu.memory_space<semaphore_mem>>) {add = true}
        %dma_wait3A_287 = arith.constant 0 : i32
        %dma_wait3A_288 = arith.constant 0 : i32
        %dma_wait3A_289 = tpu.memref_slice %arg8[%run_scoped3A_266, %dma_wait3A_287, %dma_wait3A_288] : memref<8x128x64xf32, #tpu.memory_space<vmem>> -> memref<1x128x64xf32, #tpu.memory_space<vmem>>
        %dma_wait3A_290 = tpu.memref_squeeze %dma_wait3A_289 : memref<1x128x64xf32, #tpu.memory_space<vmem>> -> memref<128x64xf32, #tpu.memory_space<vmem>>
        %dma_wait3A_291 = arith.constant 0 : i32
        %dma_wait3A_292 = tpu.memref_slice %arg7[%run_scoped3A_267, %dma_wait3A_291] : memref<8x128xi32, #tpu.memory_space<vmem>> -> memref<1x128xi32, #tpu.memory_space<vmem>>
        %dma_wait3A_293 = tpu.memref_squeeze %dma_wait3A_292 : memref<1x128xi32, #tpu.memory_space<vmem>> -> memref<128xi32, #tpu.memory_space<vmem>>
        %dma_wait3A_294 = arith.constant 0 : i32
        %dma_wait3A_295 = arith.constant 0 : i32
        %dma_wait3A_296 = tpu.memref_slice %arg9[%dma_wait3A_294, %dma_wait3A_295] : memref<10240x64xf32, #tpu.memory_space<vmem_shared>> -> memref<10240x64xf32, #tpu.memory_space<vmem_shared>>
        tpu.wait_indirect_dma semaphore(%run_scoped3A_276 : memref<!tpu.dma_semaphore, #tpu.memory_space<semaphore_mem>>) src(%dma_wait3A_290 : memref<128x64xf32, #tpu.memory_space<vmem>>) dst(%dma_wait3A_296 : memref<10240x64xf32, #tpu.memory_space<vmem_shared>>)
        tpu.yield
      }) : () -> ()
      %run_scoped3A_268 = arith.constant 4 : i32
      %run_scoped3A_269 = arith.constant 4 : i32
      "tpu.region"() ({
        %run_scoped3A_276 = tpu.sem_alloc : memref<!tpu.dma_semaphore, #tpu.memory_space<semaphore_mem>>
        %dma_start3A_277 = arith.constant 0 : i32
        %dma_start3A_278 = arith.constant 0 : i32
        %dma_start3A_279 = tpu.memref_slice %arg8[%run_scoped3A_268, %dma_start3A_277, %dma_start3A_278] : memref<8x128x64xf32, #tpu.memory_space<vmem>> -> memref<1x128x64xf32, #tpu.memory_space<vmem>>
        %dma_start3A_280 = tpu.memref_squeeze %dma_start3A_279 : memref<1x128x64xf32, #tpu.memory_space<vmem>> -> memref<128x64xf32, #tpu.memory_space<vmem>>
        %dma_start3A_281 = arith.constant 0 : i32
        %dma_start3A_282 = tpu.memref_slice %arg7[%run_scoped3A_269, %dma_start3A_281] : memref<8x128xi32, #tpu.memory_space<vmem>> -> memref<1x128xi32, #tpu.memory_space<vmem>>
        %dma_start3A_283 = tpu.memref_squeeze %dma_start3A_282 : memref<1x128xi32, #tpu.memory_space<vmem>> -> memref<128xi32, #tpu.memory_space<vmem>>
        %dma_start3A_284 = arith.constant 0 : i32
        %dma_start3A_285 = arith.constant 0 : i32
        %dma_start3A_286 = tpu.memref_slice %arg9[%dma_start3A_284, %dma_start3A_285] : memref<10240x64xf32, #tpu.memory_space<vmem_shared>> -> memref<10240x64xf32, #tpu.memory_space<vmem_shared>>
        tpu.enqueue_indirect_dma source(%dma_start3A_280 : memref<128x64xf32, #tpu.memory_space<vmem>>) target(%dma_start3A_286 : memref<10240x64xf32, #tpu.memory_space<vmem_shared>>) offsets(%dma_start3A_283 : memref<128xi32, #tpu.memory_space<vmem>>) semaphore(%run_scoped3A_276 : memref<!tpu.dma_semaphore, #tpu.memory_space<semaphore_mem>>) {add = true}
        %dma_wait3A_287 = arith.constant 0 : i32
        %dma_wait3A_288 = arith.constant 0 : i32
        %dma_wait3A_289 = tpu.memref_slice %arg8[%run_scoped3A_268, %dma_wait3A_287, %dma_wait3A_288] : memref<8x128x64xf32, #tpu.memory_space<vmem>> -> memref<1x128x64xf32, #tpu.memory_space<vmem>>
        %dma_wait3A_290 = tpu.memref_squeeze %dma_wait3A_289 : memref<1x128x64xf32, #tpu.memory_space<vmem>> -> memref<128x64xf32, #tpu.memory_space<vmem>>
        %dma_wait3A_291 = arith.constant 0 : i32
        %dma_wait3A_292 = tpu.memref_slice %arg7[%run_scoped3A_269, %dma_wait3A_291] : memref<8x128xi32, #tpu.memory_space<vmem>> -> memref<1x128xi32, #tpu.memory_space<vmem>>
        %dma_wait3A_293 = tpu.memref_squeeze %dma_wait3A_292 : memref<1x128xi32, #tpu.memory_space<vmem>> -> memref<128xi32, #tpu.memory_space<vmem>>
        %dma_wait3A_294 = arith.constant 0 : i32
        %dma_wait3A_295 = arith.constant 0 : i32
        %dma_wait3A_296 = tpu.memref_slice %arg9[%dma_wait3A_294, %dma_wait3A_295] : memref<10240x64xf32, #tpu.memory_space<vmem_shared>> -> memref<10240x64xf32, #tpu.memory_space<vmem_shared>>
        tpu.wait_indirect_dma semaphore(%run_scoped3A_276 : memref<!tpu.dma_semaphore, #tpu.memory_space<semaphore_mem>>) src(%dma_wait3A_290 : memref<128x64xf32, #tpu.memory_space<vmem>>) dst(%dma_wait3A_296 : memref<10240x64xf32, #tpu.memory_space<vmem_shared>>)
        tpu.yield
      }) : () -> ()
      %run_scoped3A_270 = arith.constant 5 : i32
      %run_scoped3A_271 = arith.constant 5 : i32
      "tpu.region"() ({
        %run_scoped3A_276 = tpu.sem_alloc : memref<!tpu.dma_semaphore, #tpu.memory_space<semaphore_mem>>
        %dma_start3A_277 = arith.constant 0 : i32
        %dma_start3A_278 = arith.constant 0 : i32
        %dma_start3A_279 = tpu.memref_slice %arg8[%run_scoped3A_270, %dma_start3A_277, %dma_start3A_278] : memref<8x128x64xf32, #tpu.memory_space<vmem>> -> memref<1x128x64xf32, #tpu.memory_space<vmem>>
        %dma_start3A_280 = tpu.memref_squeeze %dma_start3A_279 : memref<1x128x64xf32, #tpu.memory_space<vmem>> -> memref<128x64xf32, #tpu.memory_space<vmem>>
        %dma_start3A_281 = arith.constant 0 : i32
        %dma_start3A_282 = tpu.memref_slice %arg7[%run_scoped3A_271, %dma_start3A_281] : memref<8x128xi32, #tpu.memory_space<vmem>> -> memref<1x128xi32, #tpu.memory_space<vmem>>
        %dma_start3A_283 = tpu.memref_squeeze %dma_start3A_282 : memref<1x128xi32, #tpu.memory_space<vmem>> -> memref<128xi32, #tpu.memory_space<vmem>>
        %dma_start3A_284 = arith.constant 0 : i32
        %dma_start3A_285 = arith.constant 0 : i32
        %dma_start3A_286 = tpu.memref_slice %arg9[%dma_start3A_284, %dma_start3A_285] : memref<10240x64xf32, #tpu.memory_space<vmem_shared>> -> memref<10240x64xf32, #tpu.memory_space<vmem_shared>>
        tpu.enqueue_indirect_dma source(%dma_start3A_280 : memref<128x64xf32, #tpu.memory_space<vmem>>) target(%dma_start3A_286 : memref<10240x64xf32, #tpu.memory_space<vmem_shared>>) offsets(%dma_start3A_283 : memref<128xi32, #tpu.memory_space<vmem>>) semaphore(%run_scoped3A_276 : memref<!tpu.dma_semaphore, #tpu.memory_space<semaphore_mem>>) {add = true}
        %dma_wait3A_287 = arith.constant 0 : i32
        %dma_wait3A_288 = arith.constant 0 : i32
        %dma_wait3A_289 = tpu.memref_slice %arg8[%run_scoped3A_270, %dma_wait3A_287, %dma_wait3A_288] : memref<8x128x64xf32, #tpu.memory_space<vmem>> -> memref<1x128x64xf32, #tpu.memory_space<vmem>>
        %dma_wait3A_290 = tpu.memref_squeeze %dma_wait3A_289 : memref<1x128x64xf32, #tpu.memory_space<vmem>> -> memref<128x64xf32, #tpu.memory_space<vmem>>
        %dma_wait3A_291 = arith.constant 0 : i32
        %dma_wait3A_292 = tpu.memref_slice %arg7[%run_scoped3A_271, %dma_wait3A_291] : memref<8x128xi32, #tpu.memory_space<vmem>> -> memref<1x128xi32, #tpu.memory_space<vmem>>
        %dma_wait3A_293 = tpu.memref_squeeze %dma_wait3A_292 : memref<1x128xi32, #tpu.memory_space<vmem>> -> memref<128xi32, #tpu.memory_space<vmem>>
        %dma_wait3A_294 = arith.constant 0 : i32
        %dma_wait3A_295 = arith.constant 0 : i32
        %dma_wait3A_296 = tpu.memref_slice %arg9[%dma_wait3A_294, %dma_wait3A_295] : memref<10240x64xf32, #tpu.memory_space<vmem_shared>> -> memref<10240x64xf32, #tpu.memory_space<vmem_shared>>
        tpu.wait_indirect_dma semaphore(%run_scoped3A_276 : memref<!tpu.dma_semaphore, #tpu.memory_space<semaphore_mem>>) src(%dma_wait3A_290 : memref<128x64xf32, #tpu.memory_space<vmem>>) dst(%dma_wait3A_296 : memref<10240x64xf32, #tpu.memory_space<vmem_shared>>)
        tpu.yield
      }) : () -> ()
      %run_scoped3A_272 = arith.constant 6 : i32
      %run_scoped3A_273 = arith.constant 6 : i32
      "tpu.region"() ({
        %run_scoped3A_276 = tpu.sem_alloc : memref<!tpu.dma_semaphore, #tpu.memory_space<semaphore_mem>>
        %dma_start3A_277 = arith.constant 0 : i32
        %dma_start3A_278 = arith.constant 0 : i32
        %dma_start3A_279 = tpu.memref_slice %arg8[%run_scoped3A_272, %dma_start3A_277, %dma_start3A_278] : memref<8x128x64xf32, #tpu.memory_space<vmem>> -> memref<1x128x64xf32, #tpu.memory_space<vmem>>
        %dma_start3A_280 = tpu.memref_squeeze %dma_start3A_279 : memref<1x128x64xf32, #tpu.memory_space<vmem>> -> memref<128x64xf32, #tpu.memory_space<vmem>>
        %dma_start3A_281 = arith.constant 0 : i32
        %dma_start3A_282 = tpu.memref_slice %arg7[%run_scoped3A_273, %dma_start3A_281] : memref<8x128xi32, #tpu.memory_space<vmem>> -> memref<1x128xi32, #tpu.memory_space<vmem>>
        %dma_start3A_283 = tpu.memref_squeeze %dma_start3A_282 : memref<1x128xi32, #tpu.memory_space<vmem>> -> memref<128xi32, #tpu.memory_space<vmem>>
        %dma_start3A_284 = arith.constant 0 : i32
        %dma_start3A_285 = arith.constant 0 : i32
        %dma_start3A_286 = tpu.memref_slice %arg9[%dma_start3A_284, %dma_start3A_285] : memref<10240x64xf32, #tpu.memory_space<vmem_shared>> -> memref<10240x64xf32, #tpu.memory_space<vmem_shared>>
        tpu.enqueue_indirect_dma source(%dma_start3A_280 : memref<128x64xf32, #tpu.memory_space<vmem>>) target(%dma_start3A_286 : memref<10240x64xf32, #tpu.memory_space<vmem_shared>>) offsets(%dma_start3A_283 : memref<128xi32, #tpu.memory_space<vmem>>) semaphore(%run_scoped3A_276 : memref<!tpu.dma_semaphore, #tpu.memory_space<semaphore_mem>>) {add = true}
        %dma_wait3A_287 = arith.constant 0 : i32
        %dma_wait3A_288 = arith.constant 0 : i32
        %dma_wait3A_289 = tpu.memref_slice %arg8[%run_scoped3A_272, %dma_wait3A_287, %dma_wait3A_288] : memref<8x128x64xf32, #tpu.memory_space<vmem>> -> memref<1x128x64xf32, #tpu.memory_space<vmem>>
        %dma_wait3A_290 = tpu.memref_squeeze %dma_wait3A_289 : memref<1x128x64xf32, #tpu.memory_space<vmem>> -> memref<128x64xf32, #tpu.memory_space<vmem>>
        %dma_wait3A_291 = arith.constant 0 : i32
        %dma_wait3A_292 = tpu.memref_slice %arg7[%run_scoped3A_273, %dma_wait3A_291] : memref<8x128xi32, #tpu.memory_space<vmem>> -> memref<1x128xi32, #tpu.memory_space<vmem>>
        %dma_wait3A_293 = tpu.memref_squeeze %dma_wait3A_292 : memref<1x128xi32, #tpu.memory_space<vmem>> -> memref<128xi32, #tpu.memory_space<vmem>>
        %dma_wait3A_294 = arith.constant 0 : i32
        %dma_wait3A_295 = arith.constant 0 : i32
        %dma_wait3A_296 = tpu.memref_slice %arg9[%dma_wait3A_294, %dma_wait3A_295] : memref<10240x64xf32, #tpu.memory_space<vmem_shared>> -> memref<10240x64xf32, #tpu.memory_space<vmem_shared>>
        tpu.wait_indirect_dma semaphore(%run_scoped3A_276 : memref<!tpu.dma_semaphore, #tpu.memory_space<semaphore_mem>>) src(%dma_wait3A_290 : memref<128x64xf32, #tpu.memory_space<vmem>>) dst(%dma_wait3A_296 : memref<10240x64xf32, #tpu.memory_space<vmem_shared>>)
        tpu.yield
      }) : () -> ()
      %run_scoped3A_274 = arith.constant 7 : i32
      %run_scoped3A_275 = arith.constant 7 : i32
      "tpu.region"() ({
        %run_scoped3A_276 = tpu.sem_alloc : memref<!tpu.dma_semaphore, #tpu.memory_space<semaphore_mem>>
        %dma_start3A_277 = arith.constant 0 : i32
        %dma_start3A_278 = arith.constant 0 : i32
        %dma_start3A_279 = tpu.memref_slice %arg8[%run_scoped3A_274, %dma_start3A_277, %dma_start3A_278] : memref<8x128x64xf32, #tpu.memory_space<vmem>> -> memref<1x128x64xf32, #tpu.memory_space<vmem>>
        %dma_start3A_280 = tpu.memref_squeeze %dma_start3A_279 : memref<1x128x64xf32, #tpu.memory_space<vmem>> -> memref<128x64xf32, #tpu.memory_space<vmem>>
        %dma_start3A_281 = arith.constant 0 : i32
        %dma_start3A_282 = tpu.memref_slice %arg7[%run_scoped3A_275, %dma_start3A_281] : memref<8x128xi32, #tpu.memory_space<vmem>> -> memref<1x128xi32, #tpu.memory_space<vmem>>
        %dma_start3A_283 = tpu.memref_squeeze %dma_start3A_282 : memref<1x128xi32, #tpu.memory_space<vmem>> -> memref<128xi32, #tpu.memory_space<vmem>>
        %dma_start3A_284 = arith.constant 0 : i32
        %dma_start3A_285 = arith.constant 0 : i32
        %dma_start3A_286 = tpu.memref_slice %arg9[%dma_start3A_284, %dma_start3A_285] : memref<10240x64xf32, #tpu.memory_space<vmem_shared>> -> memref<10240x64xf32, #tpu.memory_space<vmem_shared>>
        tpu.enqueue_indirect_dma source(%dma_start3A_280 : memref<128x64xf32, #tpu.memory_space<vmem>>) target(%dma_start3A_286 : memref<10240x64xf32, #tpu.memory_space<vmem_shared>>) offsets(%dma_start3A_283 : memref<128xi32, #tpu.memory_space<vmem>>) semaphore(%run_scoped3A_276 : memref<!tpu.dma_semaphore, #tpu.memory_space<semaphore_mem>>) {add = true}
        %dma_wait3A_287 = arith.constant 0 : i32
        %dma_wait3A_288 = arith.constant 0 : i32
        %dma_wait3A_289 = tpu.memref_slice %arg8[%run_scoped3A_274, %dma_wait3A_287, %dma_wait3A_288] : memref<8x128x64xf32, #tpu.memory_space<vmem>> -> memref<1x128x64xf32, #tpu.memory_space<vmem>>
        %dma_wait3A_290 = tpu.memref_squeeze %dma_wait3A_289 : memref<1x128x64xf32, #tpu.memory_space<vmem>> -> memref<128x64xf32, #tpu.memory_space<vmem>>
        %dma_wait3A_291 = arith.constant 0 : i32
        %dma_wait3A_292 = tpu.memref_slice %arg7[%run_scoped3A_275, %dma_wait3A_291] : memref<8x128xi32, #tpu.memory_space<vmem>> -> memref<1x128xi32, #tpu.memory_space<vmem>>
        %dma_wait3A_293 = tpu.memref_squeeze %dma_wait3A_292 : memref<1x128xi32, #tpu.memory_space<vmem>> -> memref<128xi32, #tpu.memory_space<vmem>>
        %dma_wait3A_294 = arith.constant 0 : i32
        %dma_wait3A_295 = arith.constant 0 : i32
        %dma_wait3A_296 = tpu.memref_slice %arg9[%dma_wait3A_294, %dma_wait3A_295] : memref<10240x64xf32, #tpu.memory_space<vmem_shared>> -> memref<10240x64xf32, #tpu.memory_space<vmem_shared>>
        tpu.wait_indirect_dma semaphore(%run_scoped3A_276 : memref<!tpu.dma_semaphore, #tpu.memory_space<semaphore_mem>>) src(%dma_wait3A_290 : memref<128x64xf32, #tpu.memory_space<vmem>>) dst(%dma_wait3A_296 : memref<10240x64xf32, #tpu.memory_space<vmem_shared>>)
        tpu.yield
      }) : () -> ()
    }
    %scan3A_27 = arith.constant 10 : i32
    %barrier3A_28 = arith.constant 0 : index
    tpu.barrier barrier_id(%barrier3A_28)
    %mul3A_29 = arith.constant 640 : i32
    %mul3A_30 = arith.muli %arg1, %mul3A_29 : i32
    %add3A_31 = arith.constant 0 : i32
    %add3A_32 = arith.addi %mul3A_30, %add3A_31 : i32
    %mul3A_33 = arith.constant 10240 : i32
    %mul3A_34 = arith.muli %arg0, %mul3A_33 : i32
    %add3A_35 = arith.addi %mul3A_34, %add3A_32 : i32
    "tpu.region"() ({
      %run_scoped3A_64 = tpu.sem_alloc : memref<!tpu.dma_semaphore, #tpu.memory_space<semaphore_mem>>
      %dma_start3A = arith.constant 0 : i32
      %dma_start3A_65 = tpu.memref_slice %arg5[%add3A_35, %dma_start3A] : memref<20480x64xf32, #tpu.memory_space<hbm>> -> memref<128x64xf32, #tpu.memory_space<hbm>>
      %dma_start3A_66 = arith.constant 0 : i32
      %dma_start3A_67 = tpu.memref_slice %arg9[%add3A_32, %dma_start3A_66] : memref<10240x64xf32, #tpu.memory_space<vmem_shared>> -> memref<128x64xf32, #tpu.memory_space<vmem_shared>>
      tpu.enqueue_dma source(%dma_start3A_67 : memref<128x64xf32, #tpu.memory_space<vmem_shared>>) target(%dma_start3A_65 : memref<128x64xf32, #tpu.memory_space<hbm>>) target_semaphore(%run_scoped3A_64 : memref<!tpu.dma_semaphore, #tpu.memory_space<semaphore_mem>>)
      %dma_wait3A = arith.constant 0 : i32
      %dma_wait3A_68 = tpu.memref_slice %arg5[%add3A_35, %dma_wait3A] : memref<20480x64xf32, #tpu.memory_space<hbm>> -> memref<128x64xf32, #tpu.memory_space<hbm>>
      %dma_wait3A_69 = arith.constant 0 : i32
      %dma_wait3A_70 = tpu.memref_slice %arg9[%add3A_32, %dma_wait3A_69] : memref<10240x64xf32, #tpu.memory_space<vmem_shared>> -> memref<128x64xf32, #tpu.memory_space<vmem_shared>>
      tpu.wait_dma2 semaphore(%run_scoped3A_64 : memref<!tpu.dma_semaphore, #tpu.memory_space<semaphore_mem>>) src(%dma_wait3A_70 : memref<128x64xf32, #tpu.memory_space<vmem_shared>>) dst(%dma_wait3A_68 : memref<128x64xf32, #tpu.memory_space<hbm>>)
      tpu.yield
    }) : () -> ()
    %mul3A_36 = arith.constant 640 : i32
    %mul3A_37 = arith.muli %arg1, %mul3A_36 : i32
    %add3A_38 = arith.constant 128 : i32
    %add3A_39 = arith.addi %mul3A_37, %add3A_38 : i32
    %mul3A_40 = arith.constant 10240 : i32
    %mul3A_41 = arith.muli %arg0, %mul3A_40 : i32
    %add3A_42 = arith.addi %mul3A_41, %add3A_39 : i32
    "tpu.region"() ({
      %run_scoped3A_64 = tpu.sem_alloc : memref<!tpu.dma_semaphore, #tpu.memory_space<semaphore_mem>>
      %dma_start3A = arith.constant 0 : i32
      %dma_start3A_65 = tpu.memref_slice %arg5[%add3A_42, %dma_start3A] : memref<20480x64xf32, #tpu.memory_space<hbm>> -> memref<128x64xf32, #tpu.memory_space<hbm>>
      %dma_start3A_66 = arith.constant 0 : i32
      %dma_start3A_67 = tpu.memref_slice %arg9[%add3A_39, %dma_start3A_66] : memref<10240x64xf32, #tpu.memory_space<vmem_shared>> -> memref<128x64xf32, #tpu.memory_space<vmem_shared>>
      tpu.enqueue_dma source(%dma_start3A_67 : memref<128x64xf32, #tpu.memory_space<vmem_shared>>) target(%dma_start3A_65 : memref<128x64xf32, #tpu.memory_space<hbm>>) target_semaphore(%run_scoped3A_64 : memref<!tpu.dma_semaphore, #tpu.memory_space<semaphore_mem>>)
      %dma_wait3A = arith.constant 0 : i32
      %dma_wait3A_68 = tpu.memref_slice %arg5[%add3A_42, %dma_wait3A] : memref<20480x64xf32, #tpu.memory_space<hbm>> -> memref<128x64xf32, #tpu.memory_space<hbm>>
      %dma_wait3A_69 = arith.constant 0 : i32
      %dma_wait3A_70 = tpu.memref_slice %arg9[%add3A_39, %dma_wait3A_69] : memref<10240x64xf32, #tpu.memory_space<vmem_shared>> -> memref<128x64xf32, #tpu.memory_space<vmem_shared>>
      tpu.wait_dma2 semaphore(%run_scoped3A_64 : memref<!tpu.dma_semaphore, #tpu.memory_space<semaphore_mem>>) src(%dma_wait3A_70 : memref<128x64xf32, #tpu.memory_space<vmem_shared>>) dst(%dma_wait3A_68 : memref<128x64xf32, #tpu.memory_space<hbm>>)
      tpu.yield
    }) : () -> ()
    %mul3A_43 = arith.constant 640 : i32
    %mul3A_44 = arith.muli %arg1, %mul3A_43 : i32
    %add3A_45 = arith.constant 256 : i32
    %add3A_46 = arith.addi %mul3A_44, %add3A_45 : i32
    %mul3A_47 = arith.constant 10240 : i32
    %mul3A_48 = arith.muli %arg0, %mul3A_47 : i32
    %add3A_49 = arith.addi %mul3A_48, %add3A_46 : i32
    "tpu.region"() ({
      %run_scoped3A_64 = tpu.sem_alloc : memref<!tpu.dma_semaphore, #tpu.memory_space<semaphore_mem>>
      %dma_start3A = arith.constant 0 : i32
      %dma_start3A_65 = tpu.memref_slice %arg5[%add3A_49, %dma_start3A] : memref<20480x64xf32, #tpu.memory_space<hbm>> -> memref<128x64xf32, #tpu.memory_space<hbm>>
      %dma_start3A_66 = arith.constant 0 : i32
      %dma_start3A_67 = tpu.memref_slice %arg9[%add3A_46, %dma_start3A_66] : memref<10240x64xf32, #tpu.memory_space<vmem_shared>> -> memref<128x64xf32, #tpu.memory_space<vmem_shared>>
      tpu.enqueue_dma source(%dma_start3A_67 : memref<128x64xf32, #tpu.memory_space<vmem_shared>>) target(%dma_start3A_65 : memref<128x64xf32, #tpu.memory_space<hbm>>) target_semaphore(%run_scoped3A_64 : memref<!tpu.dma_semaphore, #tpu.memory_space<semaphore_mem>>)
      %dma_wait3A = arith.constant 0 : i32
      %dma_wait3A_68 = tpu.memref_slice %arg5[%add3A_49, %dma_wait3A] : memref<20480x64xf32, #tpu.memory_space<hbm>> -> memref<128x64xf32, #tpu.memory_space<hbm>>
      %dma_wait3A_69 = arith.constant 0 : i32
      %dma_wait3A_70 = tpu.memref_slice %arg9[%add3A_46, %dma_wait3A_69] : memref<10240x64xf32, #tpu.memory_space<vmem_shared>> -> memref<128x64xf32, #tpu.memory_space<vmem_shared>>
      tpu.wait_dma2 semaphore(%run_scoped3A_64 : memref<!tpu.dma_semaphore, #tpu.memory_space<semaphore_mem>>) src(%dma_wait3A_70 : memref<128x64xf32, #tpu.memory_space<vmem_shared>>) dst(%dma_wait3A_68 : memref<128x64xf32, #tpu.memory_space<hbm>>)
      tpu.yield
    }) : () -> ()
    %mul3A_50 = arith.constant 640 : i32
    %mul3A_51 = arith.muli %arg1, %mul3A_50 : i32
    %add3A_52 = arith.constant 384 : i32
    %add3A_53 = arith.addi %mul3A_51, %add3A_52 : i32
    %mul3A_54 = arith.constant 10240 : i32
    %mul3A_55 = arith.muli %arg0, %mul3A_54 : i32
    %add3A_56 = arith.addi %mul3A_55, %add3A_53 : i32
    "tpu.region"() ({
      %run_scoped3A_64 = tpu.sem_alloc : memref<!tpu.dma_semaphore, #tpu.memory_space<semaphore_mem>>
      %dma_start3A = arith.constant 0 : i32
      %dma_start3A_65 = tpu.memref_slice %arg5[%add3A_56, %dma_start3A] : memref<20480x64xf32, #tpu.memory_space<hbm>> -> memref<128x64xf32, #tpu.memory_space<hbm>>
      %dma_start3A_66 = arith.constant 0 : i32
      %dma_start3A_67 = tpu.memref_slice %arg9[%add3A_53, %dma_start3A_66] : memref<10240x64xf32, #tpu.memory_space<vmem_shared>> -> memref<128x64xf32, #tpu.memory_space<vmem_shared>>
      tpu.enqueue_dma source(%dma_start3A_67 : memref<128x64xf32, #tpu.memory_space<vmem_shared>>) target(%dma_start3A_65 : memref<128x64xf32, #tpu.memory_space<hbm>>) target_semaphore(%run_scoped3A_64 : memref<!tpu.dma_semaphore, #tpu.memory_space<semaphore_mem>>)
      %dma_wait3A = arith.constant 0 : i32
      %dma_wait3A_68 = tpu.memref_slice %arg5[%add3A_56, %dma_wait3A] : memref<20480x64xf32, #tpu.memory_space<hbm>> -> memref<128x64xf32, #tpu.memory_space<hbm>>
      %dma_wait3A_69 = arith.constant 0 : i32
      %dma_wait3A_70 = tpu.memref_slice %arg9[%add3A_53, %dma_wait3A_69] : memref<10240x64xf32, #tpu.memory_space<vmem_shared>> -> memref<128x64xf32, #tpu.memory_space<vmem_shared>>
      tpu.wait_dma2 semaphore(%run_scoped3A_64 : memref<!tpu.dma_semaphore, #tpu.memory_space<semaphore_mem>>) src(%dma_wait3A_70 : memref<128x64xf32, #tpu.memory_space<vmem_shared>>) dst(%dma_wait3A_68 : memref<128x64xf32, #tpu.memory_space<hbm>>)
      tpu.yield
    }) : () -> ()
    %mul3A_57 = arith.constant 640 : i32
    %mul3A_58 = arith.muli %arg1, %mul3A_57 : i32
    %add3A_59 = arith.constant 512 : i32
    %add3A_60 = arith.addi %mul3A_58, %add3A_59 : i32
    %mul3A_61 = arith.constant 10240 : i32
    %mul3A_62 = arith.muli %arg0, %mul3A_61 : i32
    %add3A_63 = arith.addi %mul3A_62, %add3A_60 : i32
    "tpu.region"() ({
      %run_scoped3A_64 = tpu.sem_alloc : memref<!tpu.dma_semaphore, #tpu.memory_space<semaphore_mem>>
      %dma_start3A = arith.constant 0 : i32
      %dma_start3A_65 = tpu.memref_slice %arg5[%add3A_63, %dma_start3A] : memref<20480x64xf32, #tpu.memory_space<hbm>> -> memref<128x64xf32, #tpu.memory_space<hbm>>
      %dma_start3A_66 = arith.constant 0 : i32
      %dma_start3A_67 = tpu.memref_slice %arg9[%add3A_60, %dma_start3A_66] : memref<10240x64xf32, #tpu.memory_space<vmem_shared>> -> memref<128x64xf32, #tpu.memory_space<vmem_shared>>
      tpu.enqueue_dma source(%dma_start3A_67 : memref<128x64xf32, #tpu.memory_space<vmem_shared>>) target(%dma_start3A_65 : memref<128x64xf32, #tpu.memory_space<hbm>>) target_semaphore(%run_scoped3A_64 : memref<!tpu.dma_semaphore, #tpu.memory_space<semaphore_mem>>)
      %dma_wait3A = arith.constant 0 : i32
      %dma_wait3A_68 = tpu.memref_slice %arg5[%add3A_63, %dma_wait3A] : memref<20480x64xf32, #tpu.memory_space<hbm>> -> memref<128x64xf32, #tpu.memory_space<hbm>>
      %dma_wait3A_69 = arith.constant 0 : i32
      %dma_wait3A_70 = tpu.memref_slice %arg9[%add3A_60, %dma_wait3A_69] : memref<10240x64xf32, #tpu.memory_space<vmem_shared>> -> memref<128x64xf32, #tpu.memory_space<vmem_shared>>
      tpu.wait_dma2 semaphore(%run_scoped3A_64 : memref<!tpu.dma_semaphore, #tpu.memory_space<semaphore_mem>>) src(%dma_wait3A_70 : memref<128x64xf32, #tpu.memory_space<vmem_shared>>) dst(%dma_wait3A_68 : memref<128x64xf32, #tpu.memory_space<hbm>>)
      tpu.yield
    }) : () -> ()
    return
  }
}

#map = affine_map<(d0, d1) -> (0, 0)>
module attributes {stable_mosaic.version = 14 : i64} {
  func.func @seg(%arg0: i32, %arg1: i32, %arg2: memref<10240x16xf32, #tpu.memory_space<hbm>>, %arg3: memref<2560x128xi32, #tpu.memory_space<hbm>>, %arg4: memref<2560x128xi32, #tpu.memory_space<hbm>>, %arg5: memref<20480x16xf32, #tpu.memory_space<hbm>>, %arg6: memref<8x128xi32, #tpu.memory_space<vmem>>, %arg7: memref<8x128xi32, #tpu.memory_space<vmem>>, %arg8: memref<8x128x16xf32, #tpu.memory_space<vmem>>, %arg9: memref<10240x16xf32, #tpu.memory_space<vmem_shared>>, %arg10: memref<!tpu.dma_semaphore, #tpu.memory_space<semaphore_mem>>) attributes {dimension_semantics = [#tpu.dimension_semantics<core_parallel>, #tpu.dimension_semantics<subcore_parallel>], iteration_bounds = array<i64: 2, 16>, scalar_prefetch = 0 : i64, scratch_operands = 5 : i64, tpu.core_type = #tpu.core_type<sc_vector_subcore>, window_params = [{transform_indices = #map}, {transform_indices = #map}, {transform_indices = #map}, {transform_indices = #map}]} {
    %mul3A = arith.constant 16 : i32
    %mul3A_0 = arith.muli %arg0, %mul3A : i32
    %add3A = arith.addi %mul3A_0, %arg1 : i32
    %scan3A = arith.constant 0 : i32
    %scan3A_1 = arith.constant 0 : i32
    %scan3A_2 = arith.constant 128 : i32
    %scan3A_3 = arith.addi %scan3A_1, %scan3A_2 : i32
    %scan3A_4 = arith.constant 1 : i32
    scf.for %scan3A_64 = %scan3A_1 to %scan3A_3 step %scan3A_4  : i32 {
      %broadcast_in_dim3A = arith.constant 0.000000e+00 : f32
      %broadcast_in_dim3A_65 = vector.broadcast %broadcast_in_dim3A : f32 to vector<16xf32>
      %swap3A = arith.constant 0 : i32
      %swap3A_66 = arith.index_cast %swap3A : i32 to index
      %swap3A_67 = arith.index_cast %scan3A_64 : i32 to index
      %swap3A_68 = arith.constant 0 : index
      %swap3A_69 = tpu.vector_load %arg8[%swap3A_66, %swap3A_67, %swap3A_68] {strides = array<i32>} : memref<8x128x16xf32, #tpu.memory_space<vmem>>, vector<1x1x16xf32>,
      %swap3A_70 = vector.shape_cast %swap3A_69 : vector<1x1x16xf32> to vector<16xf32>
      %swap3A_71 = vector.shape_cast %broadcast_in_dim3A_65 : vector<16xf32> to vector<1x1x16xf32>
      tpu.vector_store %arg8[%swap3A_66, %swap3A_67, %swap3A_68], %swap3A_71 {strides = array<i32>} : memref<8x128x16xf32, #tpu.memory_space<vmem>>, vector<1x1x16xf32>,
    }
    %scan3A_5 = arith.constant 128 : i32
    %mul3A_6 = arith.constant 640 : i32
    %mul3A_7 = arith.muli %arg1, %mul3A_6 : i32
    %add3A_8 = arith.constant 0 : i32
    %add3A_9 = arith.addi %mul3A_7, %add3A_8 : i32
    %run_scoped3A = arith.constant 0 : i32
    "tpu.region"() ({
      %run_scoped3A_64 = tpu.sem_alloc : memref<!tpu.dma_semaphore, #tpu.memory_space<semaphore_mem>>
      %dma_start3A = arith.constant 0 : i32
      %dma_start3A_65 = arith.constant 0 : i32
      %dma_start3A_66 = tpu.memref_slice %arg8[%run_scoped3A, %dma_start3A, %dma_start3A_65] : memref<8x128x16xf32, #tpu.memory_space<vmem>> -> memref<1x128x16xf32, #tpu.memory_space<vmem>>
      %dma_start3A_67 = tpu.memref_squeeze %dma_start3A_66 : memref<1x128x16xf32, #tpu.memory_space<vmem>> -> memref<128x16xf32, #tpu.memory_space<vmem>>
      %dma_start3A_68 = arith.constant 0 : i32
      %dma_start3A_69 = tpu.memref_slice %arg9[%add3A_9, %dma_start3A_68] : memref<10240x16xf32, #tpu.memory_space<vmem_shared>> -> memref<128x16xf32, #tpu.memory_space<vmem_shared>>
      %dma_start3A_70 = arith.constant 0 : i32
      %dma_start3A_71 = tpu.memref_slice %arg9[%add3A_9, %dma_start3A_70] : memref<10240x16xf32, #tpu.memory_space<vmem_shared>> -> memref<128x16xf32, #tpu.memory_space<vmem_shared>>
      %dma_start3A_72 = arith.constant 0 : i32
      %dma_start3A_73 = arith.constant 0 : i32
      %dma_start3A_74 = tpu.memref_slice %arg8[%run_scoped3A, %dma_start3A_72, %dma_start3A_73] : memref<8x128x16xf32, #tpu.memory_space<vmem>> -> memref<1x128x16xf32, #tpu.memory_space<vmem>>
      %dma_start3A_75 = tpu.memref_squeeze %dma_start3A_74 : memref<1x128x16xf32, #tpu.memory_space<vmem>> -> memref<128x16xf32, #tpu.memory_space<vmem>>
      tpu.enqueue_dma source(%dma_start3A_75 : memref<128x16xf32, #tpu.memory_space<vmem>>) target(%dma_start3A_71 : memref<128x16xf32, #tpu.memory_space<vmem_shared>>) target_semaphore(%run_scoped3A_64 : memref<!tpu.dma_semaphore, #tpu.memory_space<semaphore_mem>>)
      %dma_wait3A = arith.constant 0 : i32
      %dma_wait3A_76 = arith.constant 0 : i32
      %dma_wait3A_77 = tpu.memref_slice %arg8[%run_scoped3A, %dma_wait3A, %dma_wait3A_76] : memref<8x128x16xf32, #tpu.memory_space<vmem>> -> memref<1x128x16xf32, #tpu.memory_space<vmem>>
      %dma_wait3A_78 = tpu.memref_squeeze %dma_wait3A_77 : memref<1x128x16xf32, #tpu.memory_space<vmem>> -> memref<128x16xf32, #tpu.memory_space<vmem>>
      %dma_wait3A_79 = arith.constant 0 : i32
      %dma_wait3A_80 = tpu.memref_slice %arg9[%add3A_9, %dma_wait3A_79] : memref<10240x16xf32, #tpu.memory_space<vmem_shared>> -> memref<128x16xf32, #tpu.memory_space<vmem_shared>>
      %dma_wait3A_81 = arith.constant 0 : i32
      %dma_wait3A_82 = tpu.memref_slice %arg9[%add3A_9, %dma_wait3A_81] : memref<10240x16xf32, #tpu.memory_space<vmem_shared>> -> memref<128x16xf32, #tpu.memory_space<vmem_shared>>
      %dma_wait3A_83 = arith.constant 0 : i32
      %dma_wait3A_84 = arith.constant 0 : i32
      %dma_wait3A_85 = tpu.memref_slice %arg8[%run_scoped3A, %dma_wait3A_83, %dma_wait3A_84] : memref<8x128x16xf32, #tpu.memory_space<vmem>> -> memref<1x128x16xf32, #tpu.memory_space<vmem>>
      %dma_wait3A_86 = tpu.memref_squeeze %dma_wait3A_85 : memref<1x128x16xf32, #tpu.memory_space<vmem>> -> memref<128x16xf32, #tpu.memory_space<vmem>>
      tpu.wait_dma2 semaphore(%run_scoped3A_64 : memref<!tpu.dma_semaphore, #tpu.memory_space<semaphore_mem>>) src(%dma_wait3A_86 : memref<128x16xf32, #tpu.memory_space<vmem>>) dst(%dma_wait3A_82 : memref<128x16xf32, #tpu.memory_space<vmem_shared>>)
      tpu.yield
    }) : () -> ()
    %add3A_10 = arith.constant 128 : i32
    %add3A_11 = arith.addi %mul3A_7, %add3A_10 : i32
    %run_scoped3A_12 = arith.constant 0 : i32
    "tpu.region"() ({
      %run_scoped3A_64 = tpu.sem_alloc : memref<!tpu.dma_semaphore, #tpu.memory_space<semaphore_mem>>
      %dma_start3A = arith.constant 0 : i32
      %dma_start3A_65 = arith.constant 0 : i32
      %dma_start3A_66 = tpu.memref_slice %arg8[%run_scoped3A_12, %dma_start3A, %dma_start3A_65] : memref<8x128x16xf32, #tpu.memory_space<vmem>> -> memref<1x128x16xf32, #tpu.memory_space<vmem>>
      %dma_start3A_67 = tpu.memref_squeeze %dma_start3A_66 : memref<1x128x16xf32, #tpu.memory_space<vmem>> -> memref<128x16xf32, #tpu.memory_space<vmem>>
      %dma_start3A_68 = arith.constant 0 : i32
      %dma_start3A_69 = tpu.memref_slice %arg9[%add3A_11, %dma_start3A_68] : memref<10240x16xf32, #tpu.memory_space<vmem_shared>> -> memref<128x16xf32, #tpu.memory_space<vmem_shared>>
      %dma_start3A_70 = arith.constant 0 : i32
      %dma_start3A_71 = tpu.memref_slice %arg9[%add3A_11, %dma_start3A_70] : memref<10240x16xf32, #tpu.memory_space<vmem_shared>> -> memref<128x16xf32, #tpu.memory_space<vmem_shared>>
      %dma_start3A_72 = arith.constant 0 : i32
      %dma_start3A_73 = arith.constant 0 : i32
      %dma_start3A_74 = tpu.memref_slice %arg8[%run_scoped3A_12, %dma_start3A_72, %dma_start3A_73] : memref<8x128x16xf32, #tpu.memory_space<vmem>> -> memref<1x128x16xf32, #tpu.memory_space<vmem>>
      %dma_start3A_75 = tpu.memref_squeeze %dma_start3A_74 : memref<1x128x16xf32, #tpu.memory_space<vmem>> -> memref<128x16xf32, #tpu.memory_space<vmem>>
      tpu.enqueue_dma source(%dma_start3A_75 : memref<128x16xf32, #tpu.memory_space<vmem>>) target(%dma_start3A_71 : memref<128x16xf32, #tpu.memory_space<vmem_shared>>) target_semaphore(%run_scoped3A_64 : memref<!tpu.dma_semaphore, #tpu.memory_space<semaphore_mem>>)
      %dma_wait3A = arith.constant 0 : i32
      %dma_wait3A_76 = arith.constant 0 : i32
      %dma_wait3A_77 = tpu.memref_slice %arg8[%run_scoped3A_12, %dma_wait3A, %dma_wait3A_76] : memref<8x128x16xf32, #tpu.memory_space<vmem>> -> memref<1x128x16xf32, #tpu.memory_space<vmem>>
      %dma_wait3A_78 = tpu.memref_squeeze %dma_wait3A_77 : memref<1x128x16xf32, #tpu.memory_space<vmem>> -> memref<128x16xf32, #tpu.memory_space<vmem>>
      %dma_wait3A_79 = arith.constant 0 : i32
      %dma_wait3A_80 = tpu.memref_slice %arg9[%add3A_11, %dma_wait3A_79] : memref<10240x16xf32, #tpu.memory_space<vmem_shared>> -> memref<128x16xf32, #tpu.memory_space<vmem_shared>>
      %dma_wait3A_81 = arith.constant 0 : i32
      %dma_wait3A_82 = tpu.memref_slice %arg9[%add3A_11, %dma_wait3A_81] : memref<10240x16xf32, #tpu.memory_space<vmem_shared>> -> memref<128x16xf32, #tpu.memory_space<vmem_shared>>
      %dma_wait3A_83 = arith.constant 0 : i32
      %dma_wait3A_84 = arith.constant 0 : i32
      %dma_wait3A_85 = tpu.memref_slice %arg8[%run_scoped3A_12, %dma_wait3A_83, %dma_wait3A_84] : memref<8x128x16xf32, #tpu.memory_space<vmem>> -> memref<1x128x16xf32, #tpu.memory_space<vmem>>
      %dma_wait3A_86 = tpu.memref_squeeze %dma_wait3A_85 : memref<1x128x16xf32, #tpu.memory_space<vmem>> -> memref<128x16xf32, #tpu.memory_space<vmem>>
      tpu.wait_dma2 semaphore(%run_scoped3A_64 : memref<!tpu.dma_semaphore, #tpu.memory_space<semaphore_mem>>) src(%dma_wait3A_86 : memref<128x16xf32, #tpu.memory_space<vmem>>) dst(%dma_wait3A_82 : memref<128x16xf32, #tpu.memory_space<vmem_shared>>)
      tpu.yield
    }) : () -> ()
    %add3A_13 = arith.constant 256 : i32
    %add3A_14 = arith.addi %mul3A_7, %add3A_13 : i32
    %run_scoped3A_15 = arith.constant 0 : i32
    "tpu.region"() ({
      %run_scoped3A_64 = tpu.sem_alloc : memref<!tpu.dma_semaphore, #tpu.memory_space<semaphore_mem>>
      %dma_start3A = arith.constant 0 : i32
      %dma_start3A_65 = arith.constant 0 : i32
      %dma_start3A_66 = tpu.memref_slice %arg8[%run_scoped3A_15, %dma_start3A, %dma_start3A_65] : memref<8x128x16xf32, #tpu.memory_space<vmem>> -> memref<1x128x16xf32, #tpu.memory_space<vmem>>
      %dma_start3A_67 = tpu.memref_squeeze %dma_start3A_66 : memref<1x128x16xf32, #tpu.memory_space<vmem>> -> memref<128x16xf32, #tpu.memory_space<vmem>>
      %dma_start3A_68 = arith.constant 0 : i32
      %dma_start3A_69 = tpu.memref_slice %arg9[%add3A_14, %dma_start3A_68] : memref<10240x16xf32, #tpu.memory_space<vmem_shared>> -> memref<128x16xf32, #tpu.memory_space<vmem_shared>>
      %dma_start3A_70 = arith.constant 0 : i32
      %dma_start3A_71 = tpu.memref_slice %arg9[%add3A_14, %dma_start3A_70] : memref<10240x16xf32, #tpu.memory_space<vmem_shared>> -> memref<128x16xf32, #tpu.memory_space<vmem_shared>>
      %dma_start3A_72 = arith.constant 0 : i32
      %dma_start3A_73 = arith.constant 0 : i32
      %dma_start3A_74 = tpu.memref_slice %arg8[%run_scoped3A_15, %dma_start3A_72, %dma_start3A_73] : memref<8x128x16xf32, #tpu.memory_space<vmem>> -> memref<1x128x16xf32, #tpu.memory_space<vmem>>
      %dma_start3A_75 = tpu.memref_squeeze %dma_start3A_74 : memref<1x128x16xf32, #tpu.memory_space<vmem>> -> memref<128x16xf32, #tpu.memory_space<vmem>>
      tpu.enqueue_dma source(%dma_start3A_75 : memref<128x16xf32, #tpu.memory_space<vmem>>) target(%dma_start3A_71 : memref<128x16xf32, #tpu.memory_space<vmem_shared>>) target_semaphore(%run_scoped3A_64 : memref<!tpu.dma_semaphore, #tpu.memory_space<semaphore_mem>>)
      %dma_wait3A = arith.constant 0 : i32
      %dma_wait3A_76 = arith.constant 0 : i32
      %dma_wait3A_77 = tpu.memref_slice %arg8[%run_scoped3A_15, %dma_wait3A, %dma_wait3A_76] : memref<8x128x16xf32, #tpu.memory_space<vmem>> -> memref<1x128x16xf32, #tpu.memory_space<vmem>>
      %dma_wait3A_78 = tpu.memref_squeeze %dma_wait3A_77 : memref<1x128x16xf32, #tpu.memory_space<vmem>> -> memref<128x16xf32, #tpu.memory_space<vmem>>
      %dma_wait3A_79 = arith.constant 0 : i32
      %dma_wait3A_80 = tpu.memref_slice %arg9[%add3A_14, %dma_wait3A_79] : memref<10240x16xf32, #tpu.memory_space<vmem_shared>> -> memref<128x16xf32, #tpu.memory_space<vmem_shared>>
      %dma_wait3A_81 = arith.constant 0 : i32
      %dma_wait3A_82 = tpu.memref_slice %arg9[%add3A_14, %dma_wait3A_81] : memref<10240x16xf32, #tpu.memory_space<vmem_shared>> -> memref<128x16xf32, #tpu.memory_space<vmem_shared>>
      %dma_wait3A_83 = arith.constant 0 : i32
      %dma_wait3A_84 = arith.constant 0 : i32
      %dma_wait3A_85 = tpu.memref_slice %arg8[%run_scoped3A_15, %dma_wait3A_83, %dma_wait3A_84] : memref<8x128x16xf32, #tpu.memory_space<vmem>> -> memref<1x128x16xf32, #tpu.memory_space<vmem>>
      %dma_wait3A_86 = tpu.memref_squeeze %dma_wait3A_85 : memref<1x128x16xf32, #tpu.memory_space<vmem>> -> memref<128x16xf32, #tpu.memory_space<vmem>>
      tpu.wait_dma2 semaphore(%run_scoped3A_64 : memref<!tpu.dma_semaphore, #tpu.memory_space<semaphore_mem>>) src(%dma_wait3A_86 : memref<128x16xf32, #tpu.memory_space<vmem>>) dst(%dma_wait3A_82 : memref<128x16xf32, #tpu.memory_space<vmem_shared>>)
      tpu.yield
    }) : () -> ()
    %add3A_16 = arith.constant 384 : i32
    %add3A_17 = arith.addi %mul3A_7, %add3A_16 : i32
    %run_scoped3A_18 = arith.constant 0 : i32
    "tpu.region"() ({
      %run_scoped3A_64 = tpu.sem_alloc : memref<!tpu.dma_semaphore, #tpu.memory_space<semaphore_mem>>
      %dma_start3A = arith.constant 0 : i32
      %dma_start3A_65 = arith.constant 0 : i32
      %dma_start3A_66 = tpu.memref_slice %arg8[%run_scoped3A_18, %dma_start3A, %dma_start3A_65] : memref<8x128x16xf32, #tpu.memory_space<vmem>> -> memref<1x128x16xf32, #tpu.memory_space<vmem>>
      %dma_start3A_67 = tpu.memref_squeeze %dma_start3A_66 : memref<1x128x16xf32, #tpu.memory_space<vmem>> -> memref<128x16xf32, #tpu.memory_space<vmem>>
      %dma_start3A_68 = arith.constant 0 : i32
      %dma_start3A_69 = tpu.memref_slice %arg9[%add3A_17, %dma_start3A_68] : memref<10240x16xf32, #tpu.memory_space<vmem_shared>> -> memref<128x16xf32, #tpu.memory_space<vmem_shared>>
      %dma_start3A_70 = arith.constant 0 : i32
      %dma_start3A_71 = tpu.memref_slice %arg9[%add3A_17, %dma_start3A_70] : memref<10240x16xf32, #tpu.memory_space<vmem_shared>> -> memref<128x16xf32, #tpu.memory_space<vmem_shared>>
      %dma_start3A_72 = arith.constant 0 : i32
      %dma_start3A_73 = arith.constant 0 : i32
      %dma_start3A_74 = tpu.memref_slice %arg8[%run_scoped3A_18, %dma_start3A_72, %dma_start3A_73] : memref<8x128x16xf32, #tpu.memory_space<vmem>> -> memref<1x128x16xf32, #tpu.memory_space<vmem>>
      %dma_start3A_75 = tpu.memref_squeeze %dma_start3A_74 : memref<1x128x16xf32, #tpu.memory_space<vmem>> -> memref<128x16xf32, #tpu.memory_space<vmem>>
      tpu.enqueue_dma source(%dma_start3A_75 : memref<128x16xf32, #tpu.memory_space<vmem>>) target(%dma_start3A_71 : memref<128x16xf32, #tpu.memory_space<vmem_shared>>) target_semaphore(%run_scoped3A_64 : memref<!tpu.dma_semaphore, #tpu.memory_space<semaphore_mem>>)
      %dma_wait3A = arith.constant 0 : i32
      %dma_wait3A_76 = arith.constant 0 : i32
      %dma_wait3A_77 = tpu.memref_slice %arg8[%run_scoped3A_18, %dma_wait3A, %dma_wait3A_76] : memref<8x128x16xf32, #tpu.memory_space<vmem>> -> memref<1x128x16xf32, #tpu.memory_space<vmem>>
      %dma_wait3A_78 = tpu.memref_squeeze %dma_wait3A_77 : memref<1x128x16xf32, #tpu.memory_space<vmem>> -> memref<128x16xf32, #tpu.memory_space<vmem>>
      %dma_wait3A_79 = arith.constant 0 : i32
      %dma_wait3A_80 = tpu.memref_slice %arg9[%add3A_17, %dma_wait3A_79] : memref<10240x16xf32, #tpu.memory_space<vmem_shared>> -> memref<128x16xf32, #tpu.memory_space<vmem_shared>>
      %dma_wait3A_81 = arith.constant 0 : i32
      %dma_wait3A_82 = tpu.memref_slice %arg9[%add3A_17, %dma_wait3A_81] : memref<10240x16xf32, #tpu.memory_space<vmem_shared>> -> memref<128x16xf32, #tpu.memory_space<vmem_shared>>
      %dma_wait3A_83 = arith.constant 0 : i32
      %dma_wait3A_84 = arith.constant 0 : i32
      %dma_wait3A_85 = tpu.memref_slice %arg8[%run_scoped3A_18, %dma_wait3A_83, %dma_wait3A_84] : memref<8x128x16xf32, #tpu.memory_space<vmem>> -> memref<1x128x16xf32, #tpu.memory_space<vmem>>
      %dma_wait3A_86 = tpu.memref_squeeze %dma_wait3A_85 : memref<1x128x16xf32, #tpu.memory_space<vmem>> -> memref<128x16xf32, #tpu.memory_space<vmem>>
      tpu.wait_dma2 semaphore(%run_scoped3A_64 : memref<!tpu.dma_semaphore, #tpu.memory_space<semaphore_mem>>) src(%dma_wait3A_86 : memref<128x16xf32, #tpu.memory_space<vmem>>) dst(%dma_wait3A_82 : memref<128x16xf32, #tpu.memory_space<vmem_shared>>)
      tpu.yield
    }) : () -> ()
    %add3A_19 = arith.constant 512 : i32
    %add3A_20 = arith.addi %mul3A_7, %add3A_19 : i32
    %run_scoped3A_21 = arith.constant 0 : i32
    "tpu.region"() ({
      %run_scoped3A_64 = tpu.sem_alloc : memref<!tpu.dma_semaphore, #tpu.memory_space<semaphore_mem>>
      %dma_start3A = arith.constant 0 : i32
      %dma_start3A_65 = arith.constant 0 : i32
      %dma_start3A_66 = tpu.memref_slice %arg8[%run_scoped3A_21, %dma_start3A, %dma_start3A_65] : memref<8x128x16xf32, #tpu.memory_space<vmem>> -> memref<1x128x16xf32, #tpu.memory_space<vmem>>
      %dma_start3A_67 = tpu.memref_squeeze %dma_start3A_66 : memref<1x128x16xf32, #tpu.memory_space<vmem>> -> memref<128x16xf32, #tpu.memory_space<vmem>>
      %dma_start3A_68 = arith.constant 0 : i32
      %dma_start3A_69 = tpu.memref_slice %arg9[%add3A_20, %dma_start3A_68] : memref<10240x16xf32, #tpu.memory_space<vmem_shared>> -> memref<128x16xf32, #tpu.memory_space<vmem_shared>>
      %dma_start3A_70 = arith.constant 0 : i32
      %dma_start3A_71 = tpu.memref_slice %arg9[%add3A_20, %dma_start3A_70] : memref<10240x16xf32, #tpu.memory_space<vmem_shared>> -> memref<128x16xf32, #tpu.memory_space<vmem_shared>>
      %dma_start3A_72 = arith.constant 0 : i32
      %dma_start3A_73 = arith.constant 0 : i32
      %dma_start3A_74 = tpu.memref_slice %arg8[%run_scoped3A_21, %dma_start3A_72, %dma_start3A_73] : memref<8x128x16xf32, #tpu.memory_space<vmem>> -> memref<1x128x16xf32, #tpu.memory_space<vmem>>
      %dma_start3A_75 = tpu.memref_squeeze %dma_start3A_74 : memref<1x128x16xf32, #tpu.memory_space<vmem>> -> memref<128x16xf32, #tpu.memory_space<vmem>>
      tpu.enqueue_dma source(%dma_start3A_75 : memref<128x16xf32, #tpu.memory_space<vmem>>) target(%dma_start3A_71 : memref<128x16xf32, #tpu.memory_space<vmem_shared>>) target_semaphore(%run_scoped3A_64 : memref<!tpu.dma_semaphore, #tpu.memory_space<semaphore_mem>>)
      %dma_wait3A = arith.constant 0 : i32
      %dma_wait3A_76 = arith.constant 0 : i32
      %dma_wait3A_77 = tpu.memref_slice %arg8[%run_scoped3A_21, %dma_wait3A, %dma_wait3A_76] : memref<8x128x16xf32, #tpu.memory_space<vmem>> -> memref<1x128x16xf32, #tpu.memory_space<vmem>>
      %dma_wait3A_78 = tpu.memref_squeeze %dma_wait3A_77 : memref<1x128x16xf32, #tpu.memory_space<vmem>> -> memref<128x16xf32, #tpu.memory_space<vmem>>
      %dma_wait3A_79 = arith.constant 0 : i32
      %dma_wait3A_80 = tpu.memref_slice %arg9[%add3A_20, %dma_wait3A_79] : memref<10240x16xf32, #tpu.memory_space<vmem_shared>> -> memref<128x16xf32, #tpu.memory_space<vmem_shared>>
      %dma_wait3A_81 = arith.constant 0 : i32
      %dma_wait3A_82 = tpu.memref_slice %arg9[%add3A_20, %dma_wait3A_81] : memref<10240x16xf32, #tpu.memory_space<vmem_shared>> -> memref<128x16xf32, #tpu.memory_space<vmem_shared>>
      %dma_wait3A_83 = arith.constant 0 : i32
      %dma_wait3A_84 = arith.constant 0 : i32
      %dma_wait3A_85 = tpu.memref_slice %arg8[%run_scoped3A_21, %dma_wait3A_83, %dma_wait3A_84] : memref<8x128x16xf32, #tpu.memory_space<vmem>> -> memref<1x128x16xf32, #tpu.memory_space<vmem>>
      %dma_wait3A_86 = tpu.memref_squeeze %dma_wait3A_85 : memref<1x128x16xf32, #tpu.memory_space<vmem>> -> memref<128x16xf32, #tpu.memory_space<vmem>>
      tpu.wait_dma2 semaphore(%run_scoped3A_64 : memref<!tpu.dma_semaphore, #tpu.memory_space<semaphore_mem>>) src(%dma_wait3A_86 : memref<128x16xf32, #tpu.memory_space<vmem>>) dst(%dma_wait3A_82 : memref<128x16xf32, #tpu.memory_space<vmem_shared>>)
      tpu.yield
    }) : () -> ()
    %barrier3A = arith.constant 0 : index
    tpu.barrier barrier_id(%barrier3A)
    %scan3A_22 = arith.constant 0 : i32
    %scan3A_23 = arith.constant 0 : i32
    %scan3A_24 = arith.constant 10 : i32
    %scan3A_25 = arith.addi %scan3A_23, %scan3A_24 : i32
    %scan3A_26 = arith.constant 1 : i32
    scf.for %scan3A_64 = %scan3A_23 to %scan3A_25 step %scan3A_26  : i32 {
      %mul3A_65 = arith.constant 80 : i32
      %mul3A_66 = arith.muli %add3A, %mul3A_65 : i32
      %mul3A_67 = arith.constant 8 : i32
      %mul3A_68 = arith.muli %scan3A_64, %mul3A_67 : i32
      %add3A_69 = arith.addi %mul3A_66, %mul3A_68 : i32
      "tpu.region"() ({
        %run_scoped3A_276 = tpu.sem_alloc : memref<!tpu.dma_semaphore, #tpu.memory_space<semaphore_mem>>
        %dma_start3A_277 = arith.constant 0 : i32
        %dma_start3A_278 = tpu.memref_slice %arg3[%add3A_69, %dma_start3A_277] : memref<2560x128xi32, #tpu.memory_space<hbm>> -> memref<8x128xi32, #tpu.memory_space<hbm>>
        %dma_start3A_279 = arith.constant 0 : i32
        %dma_start3A_280 = tpu.memref_slice %arg3[%add3A_69, %dma_start3A_279] : memref<2560x128xi32, #tpu.memory_space<hbm>> -> memref<8x128xi32, #tpu.memory_space<hbm>>
        tpu.enqueue_dma source(%dma_start3A_280 : memref<8x128xi32, #tpu.memory_space<hbm>>) target(%arg6 : memref<8x128xi32, #tpu.memory_space<vmem>>) target_semaphore(%run_scoped3A_276 : memref<!tpu.dma_semaphore, #tpu.memory_space<semaphore_mem>>)
        %dma_wait3A_281 = arith.constant 0 : i32
        %dma_wait3A_282 = tpu.memref_slice %arg3[%add3A_69, %dma_wait3A_281] : memref<2560x128xi32, #tpu.memory_space<hbm>> -> memref<8x128xi32, #tpu.memory_space<hbm>>
        %dma_wait3A_283 = arith.constant 0 : i32
        %dma_wait3A_284 = tpu.memref_slice %arg3[%add3A_69, %dma_wait3A_283] : memref<2560x128xi32, #tpu.memory_space<hbm>> -> memref<8x128xi32, #tpu.memory_space<hbm>>
        tpu.wait_dma2 semaphore(%run_scoped3A_276 : memref<!tpu.dma_semaphore, #tpu.memory_space<semaphore_mem>>) src(%dma_wait3A_284 : memref<8x128xi32, #tpu.memory_space<hbm>>) dst(%arg6 : memref<8x128xi32, #tpu.memory_space<vmem>>)
        tpu.yield
      }) : () -> ()
      "tpu.region"() ({
        %run_scoped3A_276 = tpu.sem_alloc : memref<!tpu.dma_semaphore, #tpu.memory_space<semaphore_mem>>
        %dma_start3A_277 = arith.constant 0 : i32
        %dma_start3A_278 = tpu.memref_slice %arg4[%add3A_69, %dma_start3A_277] : memref<2560x128xi32, #tpu.memory_space<hbm>> -> memref<8x128xi32, #tpu.memory_space<hbm>>
        %dma_start3A_279 = arith.constant 0 : i32
        %dma_start3A_280 = tpu.memref_slice %arg4[%add3A_69, %dma_start3A_279] : memref<2560x128xi32, #tpu.memory_space<hbm>> -> memref<8x128xi32, #tpu.memory_space<hbm>>
        tpu.enqueue_dma source(%dma_start3A_280 : memref<8x128xi32, #tpu.memory_space<hbm>>) target(%arg7 : memref<8x128xi32, #tpu.memory_space<vmem>>) target_semaphore(%run_scoped3A_276 : memref<!tpu.dma_semaphore, #tpu.memory_space<semaphore_mem>>)
        %dma_wait3A_281 = arith.constant 0 : i32
        %dma_wait3A_282 = tpu.memref_slice %arg4[%add3A_69, %dma_wait3A_281] : memref<2560x128xi32, #tpu.memory_space<hbm>> -> memref<8x128xi32, #tpu.memory_space<hbm>>
        %dma_wait3A_283 = arith.constant 0 : i32
        %dma_wait3A_284 = tpu.memref_slice %arg4[%add3A_69, %dma_wait3A_283] : memref<2560x128xi32, #tpu.memory_space<hbm>> -> memref<8x128xi32, #tpu.memory_space<hbm>>
        tpu.wait_dma2 semaphore(%run_scoped3A_276 : memref<!tpu.dma_semaphore, #tpu.memory_space<semaphore_mem>>) src(%dma_wait3A_284 : memref<8x128xi32, #tpu.memory_space<hbm>>) dst(%arg7 : memref<8x128xi32, #tpu.memory_space<vmem>>)
        tpu.yield
      }) : () -> ()
      %dma_start3A = arith.constant 0 : i32
      %dma_start3A_70 = arith.constant 0 : i32
      %dma_start3A_71 = arith.constant 0 : i32
      %dma_start3A_72 = arith.constant 0 : i32
      %dma_start3A_73 = tpu.memref_slice %arg8[%dma_start3A_70, %dma_start3A_71, %dma_start3A_72] : memref<8x128x16xf32, #tpu.memory_space<vmem>> -> memref<1x128x16xf32, #tpu.memory_space<vmem>>
      %dma_start3A_74 = tpu.memref_squeeze %dma_start3A_73 : memref<1x128x16xf32, #tpu.memory_space<vmem>> -> memref<128x16xf32, #tpu.memory_space<vmem>>
      %dma_start3A_75 = arith.constant 0 : i32
      %dma_start3A_76 = tpu.memref_slice %arg6[%dma_start3A, %dma_start3A_75] : memref<8x128xi32, #tpu.memory_space<vmem>> -> memref<1x128xi32, #tpu.memory_space<vmem>>
      %dma_start3A_77 = tpu.memref_squeeze %dma_start3A_76 : memref<1x128xi32, #tpu.memory_space<vmem>> -> memref<128xi32, #tpu.memory_space<vmem>>
      %dma_start3A_78 = arith.constant 0 : i32
      %dma_start3A_79 = arith.constant 0 : i32
      %dma_start3A_80 = tpu.memref_slice %arg2[%dma_start3A_78, %dma_start3A_79] : memref<10240x16xf32, #tpu.memory_space<hbm>> -> memref<10240x16xf32, #tpu.memory_space<hbm>>
      tpu.enqueue_indirect_dma source(%dma_start3A_80 : memref<10240x16xf32, #tpu.memory_space<hbm>>) target(%dma_start3A_74 : memref<128x16xf32, #tpu.memory_space<vmem>>) offsets(%dma_start3A_77 : memref<128xi32, #tpu.memory_space<vmem>>) semaphore(%arg10 : memref<!tpu.dma_semaphore, #tpu.memory_space<semaphore_mem>>)
      %dma_start3A_81 = arith.constant 1 : i32
      %dma_start3A_82 = arith.constant 1 : i32
      %dma_start3A_83 = arith.constant 0 : i32
      %dma_start3A_84 = arith.constant 0 : i32
      %dma_start3A_85 = tpu.memref_slice %arg8[%dma_start3A_82, %dma_start3A_83, %dma_start3A_84] : memref<8x128x16xf32, #tpu.memory_space<vmem>> -> memref<1x128x16xf32, #tpu.memory_space<vmem>>
      %dma_start3A_86 = tpu.memref_squeeze %dma_start3A_85 : memref<1x128x16xf32, #tpu.memory_space<vmem>> -> memref<128x16xf32, #tpu.memory_space<vmem>>
      %dma_start3A_87 = arith.constant 0 : i32
      %dma_start3A_88 = tpu.memref_slice %arg6[%dma_start3A_81, %dma_start3A_87] : memref<8x128xi32, #tpu.memory_space<vmem>> -> memref<1x128xi32, #tpu.memory_space<vmem>>
      %dma_start3A_89 = tpu.memref_squeeze %dma_start3A_88 : memref<1x128xi32, #tpu.memory_space<vmem>> -> memref<128xi32, #tpu.memory_space<vmem>>
      %dma_start3A_90 = arith.constant 0 : i32
      %dma_start3A_91 = arith.constant 0 : i32
      %dma_start3A_92 = tpu.memref_slice %arg2[%dma_start3A_90, %dma_start3A_91] : memref<10240x16xf32, #tpu.memory_space<hbm>> -> memref<10240x16xf32, #tpu.memory_space<hbm>>
      tpu.enqueue_indirect_dma source(%dma_start3A_92 : memref<10240x16xf32, #tpu.memory_space<hbm>>) target(%dma_start3A_86 : memref<128x16xf32, #tpu.memory_space<vmem>>) offsets(%dma_start3A_89 : memref<128xi32, #tpu.memory_space<vmem>>) semaphore(%arg10 : memref<!tpu.dma_semaphore, #tpu.memory_space<semaphore_mem>>)
      %dma_start3A_93 = arith.constant 2 : i32
      %dma_start3A_94 = arith.constant 2 : i32
      %dma_start3A_95 = arith.constant 0 : i32
      %dma_start3A_96 = arith.constant 0 : i32
      %dma_start3A_97 = tpu.memref_slice %arg8[%dma_start3A_94, %dma_start3A_95, %dma_start3A_96] : memref<8x128x16xf32, #tpu.memory_space<vmem>> -> memref<1x128x16xf32, #tpu.memory_space<vmem>>
      %dma_start3A_98 = tpu.memref_squeeze %dma_start3A_97 : memref<1x128x16xf32, #tpu.memory_space<vmem>> -> memref<128x16xf32, #tpu.memory_space<vmem>>
      %dma_start3A_99 = arith.constant 0 : i32
      %dma_start3A_100 = tpu.memref_slice %arg6[%dma_start3A_93, %dma_start3A_99] : memref<8x128xi32, #tpu.memory_space<vmem>> -> memref<1x128xi32, #tpu.memory_space<vmem>>
      %dma_start3A_101 = tpu.memref_squeeze %dma_start3A_100 : memref<1x128xi32, #tpu.memory_space<vmem>> -> memref<128xi32, #tpu.memory_space<vmem>>
      %dma_start3A_102 = arith.constant 0 : i32
      %dma_start3A_103 = arith.constant 0 : i32
      %dma_start3A_104 = tpu.memref_slice %arg2[%dma_start3A_102, %dma_start3A_103] : memref<10240x16xf32, #tpu.memory_space<hbm>> -> memref<10240x16xf32, #tpu.memory_space<hbm>>
      tpu.enqueue_indirect_dma source(%dma_start3A_104 : memref<10240x16xf32, #tpu.memory_space<hbm>>) target(%dma_start3A_98 : memref<128x16xf32, #tpu.memory_space<vmem>>) offsets(%dma_start3A_101 : memref<128xi32, #tpu.memory_space<vmem>>) semaphore(%arg10 : memref<!tpu.dma_semaphore, #tpu.memory_space<semaphore_mem>>)
      %dma_start3A_105 = arith.constant 3 : i32
      %dma_start3A_106 = arith.constant 3 : i32
      %dma_start3A_107 = arith.constant 0 : i32
      %dma_start3A_108 = arith.constant 0 : i32
      %dma_start3A_109 = tpu.memref_slice %arg8[%dma_start3A_106, %dma_start3A_107, %dma_start3A_108] : memref<8x128x16xf32, #tpu.memory_space<vmem>> -> memref<1x128x16xf32, #tpu.memory_space<vmem>>
      %dma_start3A_110 = tpu.memref_squeeze %dma_start3A_109 : memref<1x128x16xf32, #tpu.memory_space<vmem>> -> memref<128x16xf32, #tpu.memory_space<vmem>>
      %dma_start3A_111 = arith.constant 0 : i32
      %dma_start3A_112 = tpu.memref_slice %arg6[%dma_start3A_105, %dma_start3A_111] : memref<8x128xi32, #tpu.memory_space<vmem>> -> memref<1x128xi32, #tpu.memory_space<vmem>>
      %dma_start3A_113 = tpu.memref_squeeze %dma_start3A_112 : memref<1x128xi32, #tpu.memory_space<vmem>> -> memref<128xi32, #tpu.memory_space<vmem>>
      %dma_start3A_114 = arith.constant 0 : i32
      %dma_start3A_115 = arith.constant 0 : i32
      %dma_start3A_116 = tpu.memref_slice %arg2[%dma_start3A_114, %dma_start3A_115] : memref<10240x16xf32, #tpu.memory_space<hbm>> -> memref<10240x16xf32, #tpu.memory_space<hbm>>
      tpu.enqueue_indirect_dma source(%dma_start3A_116 : memref<10240x16xf32, #tpu.memory_space<hbm>>) target(%dma_start3A_110 : memref<128x16xf32, #tpu.memory_space<vmem>>) offsets(%dma_start3A_113 : memref<128xi32, #tpu.memory_space<vmem>>) semaphore(%arg10 : memref<!tpu.dma_semaphore, #tpu.memory_space<semaphore_mem>>)
      %dma_start3A_117 = arith.constant 4 : i32
      %dma_start3A_118 = arith.constant 4 : i32
      %dma_start3A_119 = arith.constant 0 : i32
      %dma_start3A_120 = arith.constant 0 : i32
      %dma_start3A_121 = tpu.memref_slice %arg8[%dma_start3A_118, %dma_start3A_119, %dma_start3A_120] : memref<8x128x16xf32, #tpu.memory_space<vmem>> -> memref<1x128x16xf32, #tpu.memory_space<vmem>>
      %dma_start3A_122 = tpu.memref_squeeze %dma_start3A_121 : memref<1x128x16xf32, #tpu.memory_space<vmem>> -> memref<128x16xf32, #tpu.memory_space<vmem>>
      %dma_start3A_123 = arith.constant 0 : i32
      %dma_start3A_124 = tpu.memref_slice %arg6[%dma_start3A_117, %dma_start3A_123] : memref<8x128xi32, #tpu.memory_space<vmem>> -> memref<1x128xi32, #tpu.memory_space<vmem>>
      %dma_start3A_125 = tpu.memref_squeeze %dma_start3A_124 : memref<1x128xi32, #tpu.memory_space<vmem>> -> memref<128xi32, #tpu.memory_space<vmem>>
      %dma_start3A_126 = arith.constant 0 : i32
      %dma_start3A_127 = arith.constant 0 : i32
      %dma_start3A_128 = tpu.memref_slice %arg2[%dma_start3A_126, %dma_start3A_127] : memref<10240x16xf32, #tpu.memory_space<hbm>> -> memref<10240x16xf32, #tpu.memory_space<hbm>>
      tpu.enqueue_indirect_dma source(%dma_start3A_128 : memref<10240x16xf32, #tpu.memory_space<hbm>>) target(%dma_start3A_122 : memref<128x16xf32, #tpu.memory_space<vmem>>) offsets(%dma_start3A_125 : memref<128xi32, #tpu.memory_space<vmem>>) semaphore(%arg10 : memref<!tpu.dma_semaphore, #tpu.memory_space<semaphore_mem>>)
      %dma_start3A_129 = arith.constant 5 : i32
      %dma_start3A_130 = arith.constant 5 : i32
      %dma_start3A_131 = arith.constant 0 : i32
      %dma_start3A_132 = arith.constant 0 : i32
      %dma_start3A_133 = tpu.memref_slice %arg8[%dma_start3A_130, %dma_start3A_131, %dma_start3A_132] : memref<8x128x16xf32, #tpu.memory_space<vmem>> -> memref<1x128x16xf32, #tpu.memory_space<vmem>>
      %dma_start3A_134 = tpu.memref_squeeze %dma_start3A_133 : memref<1x128x16xf32, #tpu.memory_space<vmem>> -> memref<128x16xf32, #tpu.memory_space<vmem>>
      %dma_start3A_135 = arith.constant 0 : i32
      %dma_start3A_136 = tpu.memref_slice %arg6[%dma_start3A_129, %dma_start3A_135] : memref<8x128xi32, #tpu.memory_space<vmem>> -> memref<1x128xi32, #tpu.memory_space<vmem>>
      %dma_start3A_137 = tpu.memref_squeeze %dma_start3A_136 : memref<1x128xi32, #tpu.memory_space<vmem>> -> memref<128xi32, #tpu.memory_space<vmem>>
      %dma_start3A_138 = arith.constant 0 : i32
      %dma_start3A_139 = arith.constant 0 : i32
      %dma_start3A_140 = tpu.memref_slice %arg2[%dma_start3A_138, %dma_start3A_139] : memref<10240x16xf32, #tpu.memory_space<hbm>> -> memref<10240x16xf32, #tpu.memory_space<hbm>>
      tpu.enqueue_indirect_dma source(%dma_start3A_140 : memref<10240x16xf32, #tpu.memory_space<hbm>>) target(%dma_start3A_134 : memref<128x16xf32, #tpu.memory_space<vmem>>) offsets(%dma_start3A_137 : memref<128xi32, #tpu.memory_space<vmem>>) semaphore(%arg10 : memref<!tpu.dma_semaphore, #tpu.memory_space<semaphore_mem>>)
      %dma_start3A_141 = arith.constant 6 : i32
      %dma_start3A_142 = arith.constant 6 : i32
      %dma_start3A_143 = arith.constant 0 : i32
      %dma_start3A_144 = arith.constant 0 : i32
      %dma_start3A_145 = tpu.memref_slice %arg8[%dma_start3A_142, %dma_start3A_143, %dma_start3A_144] : memref<8x128x16xf32, #tpu.memory_space<vmem>> -> memref<1x128x16xf32, #tpu.memory_space<vmem>>
      %dma_start3A_146 = tpu.memref_squeeze %dma_start3A_145 : memref<1x128x16xf32, #tpu.memory_space<vmem>> -> memref<128x16xf32, #tpu.memory_space<vmem>>
      %dma_start3A_147 = arith.constant 0 : i32
      %dma_start3A_148 = tpu.memref_slice %arg6[%dma_start3A_141, %dma_start3A_147] : memref<8x128xi32, #tpu.memory_space<vmem>> -> memref<1x128xi32, #tpu.memory_space<vmem>>
      %dma_start3A_149 = tpu.memref_squeeze %dma_start3A_148 : memref<1x128xi32, #tpu.memory_space<vmem>> -> memref<128xi32, #tpu.memory_space<vmem>>
      %dma_start3A_150 = arith.constant 0 : i32
      %dma_start3A_151 = arith.constant 0 : i32
      %dma_start3A_152 = tpu.memref_slice %arg2[%dma_start3A_150, %dma_start3A_151] : memref<10240x16xf32, #tpu.memory_space<hbm>> -> memref<10240x16xf32, #tpu.memory_space<hbm>>
      tpu.enqueue_indirect_dma source(%dma_start3A_152 : memref<10240x16xf32, #tpu.memory_space<hbm>>) target(%dma_start3A_146 : memref<128x16xf32, #tpu.memory_space<vmem>>) offsets(%dma_start3A_149 : memref<128xi32, #tpu.memory_space<vmem>>) semaphore(%arg10 : memref<!tpu.dma_semaphore, #tpu.memory_space<semaphore_mem>>)
      %dma_start3A_153 = arith.constant 7 : i32
      %dma_start3A_154 = arith.constant 7 : i32
      %dma_start3A_155 = arith.constant 0 : i32
      %dma_start3A_156 = arith.constant 0 : i32
      %dma_start3A_157 = tpu.memref_slice %arg8[%dma_start3A_154, %dma_start3A_155, %dma_start3A_156] : memref<8x128x16xf32, #tpu.memory_space<vmem>> -> memref<1x128x16xf32, #tpu.memory_space<vmem>>
      %dma_start3A_158 = tpu.memref_squeeze %dma_start3A_157 : memref<1x128x16xf32, #tpu.memory_space<vmem>> -> memref<128x16xf32, #tpu.memory_space<vmem>>
      %dma_start3A_159 = arith.constant 0 : i32
      %dma_start3A_160 = tpu.memref_slice %arg6[%dma_start3A_153, %dma_start3A_159] : memref<8x128xi32, #tpu.memory_space<vmem>> -> memref<1x128xi32, #tpu.memory_space<vmem>>
      %dma_start3A_161 = tpu.memref_squeeze %dma_start3A_160 : memref<1x128xi32, #tpu.memory_space<vmem>> -> memref<128xi32, #tpu.memory_space<vmem>>
      %dma_start3A_162 = arith.constant 0 : i32
      %dma_start3A_163 = arith.constant 0 : i32
      %dma_start3A_164 = tpu.memref_slice %arg2[%dma_start3A_162, %dma_start3A_163] : memref<10240x16xf32, #tpu.memory_space<hbm>> -> memref<10240x16xf32, #tpu.memory_space<hbm>>
      tpu.enqueue_indirect_dma source(%dma_start3A_164 : memref<10240x16xf32, #tpu.memory_space<hbm>>) target(%dma_start3A_158 : memref<128x16xf32, #tpu.memory_space<vmem>>) offsets(%dma_start3A_161 : memref<128xi32, #tpu.memory_space<vmem>>) semaphore(%arg10 : memref<!tpu.dma_semaphore, #tpu.memory_space<semaphore_mem>>)
      %dma_wait3A = arith.constant 0 : i32
      %dma_wait3A_165 = arith.constant 0 : i32
      %dma_wait3A_166 = arith.constant 0 : i32
      %dma_wait3A_167 = arith.constant 0 : i32
      %dma_wait3A_168 = tpu.memref_slice %arg8[%dma_wait3A_165, %dma_wait3A_166, %dma_wait3A_167] : memref<8x128x16xf32, #tpu.memory_space<vmem>> -> memref<1x128x16xf32, #tpu.memory_space<vmem>>
      %dma_wait3A_169 = tpu.memref_squeeze %dma_wait3A_168 : memref<1x128x16xf32, #tpu.memory_space<vmem>> -> memref<128x16xf32, #tpu.memory_space<vmem>>
      %dma_wait3A_170 = arith.constant 0 : i32
      %dma_wait3A_171 = tpu.memref_slice %arg6[%dma_wait3A, %dma_wait3A_170] : memref<8x128xi32, #tpu.memory_space<vmem>> -> memref<1x128xi32, #tpu.memory_space<vmem>>
      %dma_wait3A_172 = tpu.memref_squeeze %dma_wait3A_171 : memref<1x128xi32, #tpu.memory_space<vmem>> -> memref<128xi32, #tpu.memory_space<vmem>>
      %dma_wait3A_173 = arith.constant 0 : i32
      %dma_wait3A_174 = arith.constant 0 : i32
      %dma_wait3A_175 = tpu.memref_slice %arg2[%dma_wait3A_173, %dma_wait3A_174] : memref<10240x16xf32, #tpu.memory_space<hbm>> -> memref<10240x16xf32, #tpu.memory_space<hbm>>
      tpu.wait_indirect_dma semaphore(%arg10 : memref<!tpu.dma_semaphore, #tpu.memory_space<semaphore_mem>>) src(%dma_wait3A_175 : memref<10240x16xf32, #tpu.memory_space<hbm>>) dst(%dma_wait3A_169 : memref<128x16xf32, #tpu.memory_space<vmem>>)
      %dma_wait3A_176 = arith.constant 1 : i32
      %dma_wait3A_177 = arith.constant 1 : i32
      %dma_wait3A_178 = arith.constant 0 : i32
      %dma_wait3A_179 = arith.constant 0 : i32
      %dma_wait3A_180 = tpu.memref_slice %arg8[%dma_wait3A_177, %dma_wait3A_178, %dma_wait3A_179] : memref<8x128x16xf32, #tpu.memory_space<vmem>> -> memref<1x128x16xf32, #tpu.memory_space<vmem>>
      %dma_wait3A_181 = tpu.memref_squeeze %dma_wait3A_180 : memref<1x128x16xf32, #tpu.memory_space<vmem>> -> memref<128x16xf32, #tpu.memory_space<vmem>>
      %dma_wait3A_182 = arith.constant 0 : i32
      %dma_wait3A_183 = tpu.memref_slice %arg6[%dma_wait3A_176, %dma_wait3A_182] : memref<8x128xi32, #tpu.memory_space<vmem>> -> memref<1x128xi32, #tpu.memory_space<vmem>>
      %dma_wait3A_184 = tpu.memref_squeeze %dma_wait3A_183 : memref<1x128xi32, #tpu.memory_space<vmem>> -> memref<128xi32, #tpu.memory_space<vmem>>
      %dma_wait3A_185 = arith.constant 0 : i32
      %dma_wait3A_186 = arith.constant 0 : i32
      %dma_wait3A_187 = tpu.memref_slice %arg2[%dma_wait3A_185, %dma_wait3A_186] : memref<10240x16xf32, #tpu.memory_space<hbm>> -> memref<10240x16xf32, #tpu.memory_space<hbm>>
      tpu.wait_indirect_dma semaphore(%arg10 : memref<!tpu.dma_semaphore, #tpu.memory_space<semaphore_mem>>) src(%dma_wait3A_187 : memref<10240x16xf32, #tpu.memory_space<hbm>>) dst(%dma_wait3A_181 : memref<128x16xf32, #tpu.memory_space<vmem>>)
      %dma_wait3A_188 = arith.constant 2 : i32
      %dma_wait3A_189 = arith.constant 2 : i32
      %dma_wait3A_190 = arith.constant 0 : i32
      %dma_wait3A_191 = arith.constant 0 : i32
      %dma_wait3A_192 = tpu.memref_slice %arg8[%dma_wait3A_189, %dma_wait3A_190, %dma_wait3A_191] : memref<8x128x16xf32, #tpu.memory_space<vmem>> -> memref<1x128x16xf32, #tpu.memory_space<vmem>>
      %dma_wait3A_193 = tpu.memref_squeeze %dma_wait3A_192 : memref<1x128x16xf32, #tpu.memory_space<vmem>> -> memref<128x16xf32, #tpu.memory_space<vmem>>
      %dma_wait3A_194 = arith.constant 0 : i32
      %dma_wait3A_195 = tpu.memref_slice %arg6[%dma_wait3A_188, %dma_wait3A_194] : memref<8x128xi32, #tpu.memory_space<vmem>> -> memref<1x128xi32, #tpu.memory_space<vmem>>
      %dma_wait3A_196 = tpu.memref_squeeze %dma_wait3A_195 : memref<1x128xi32, #tpu.memory_space<vmem>> -> memref<128xi32, #tpu.memory_space<vmem>>
      %dma_wait3A_197 = arith.constant 0 : i32
      %dma_wait3A_198 = arith.constant 0 : i32
      %dma_wait3A_199 = tpu.memref_slice %arg2[%dma_wait3A_197, %dma_wait3A_198] : memref<10240x16xf32, #tpu.memory_space<hbm>> -> memref<10240x16xf32, #tpu.memory_space<hbm>>
      tpu.wait_indirect_dma semaphore(%arg10 : memref<!tpu.dma_semaphore, #tpu.memory_space<semaphore_mem>>) src(%dma_wait3A_199 : memref<10240x16xf32, #tpu.memory_space<hbm>>) dst(%dma_wait3A_193 : memref<128x16xf32, #tpu.memory_space<vmem>>)
      %dma_wait3A_200 = arith.constant 3 : i32
      %dma_wait3A_201 = arith.constant 3 : i32
      %dma_wait3A_202 = arith.constant 0 : i32
      %dma_wait3A_203 = arith.constant 0 : i32
      %dma_wait3A_204 = tpu.memref_slice %arg8[%dma_wait3A_201, %dma_wait3A_202, %dma_wait3A_203] : memref<8x128x16xf32, #tpu.memory_space<vmem>> -> memref<1x128x16xf32, #tpu.memory_space<vmem>>
      %dma_wait3A_205 = tpu.memref_squeeze %dma_wait3A_204 : memref<1x128x16xf32, #tpu.memory_space<vmem>> -> memref<128x16xf32, #tpu.memory_space<vmem>>
      %dma_wait3A_206 = arith.constant 0 : i32
      %dma_wait3A_207 = tpu.memref_slice %arg6[%dma_wait3A_200, %dma_wait3A_206] : memref<8x128xi32, #tpu.memory_space<vmem>> -> memref<1x128xi32, #tpu.memory_space<vmem>>
      %dma_wait3A_208 = tpu.memref_squeeze %dma_wait3A_207 : memref<1x128xi32, #tpu.memory_space<vmem>> -> memref<128xi32, #tpu.memory_space<vmem>>
      %dma_wait3A_209 = arith.constant 0 : i32
      %dma_wait3A_210 = arith.constant 0 : i32
      %dma_wait3A_211 = tpu.memref_slice %arg2[%dma_wait3A_209, %dma_wait3A_210] : memref<10240x16xf32, #tpu.memory_space<hbm>> -> memref<10240x16xf32, #tpu.memory_space<hbm>>
      tpu.wait_indirect_dma semaphore(%arg10 : memref<!tpu.dma_semaphore, #tpu.memory_space<semaphore_mem>>) src(%dma_wait3A_211 : memref<10240x16xf32, #tpu.memory_space<hbm>>) dst(%dma_wait3A_205 : memref<128x16xf32, #tpu.memory_space<vmem>>)
      %dma_wait3A_212 = arith.constant 4 : i32
      %dma_wait3A_213 = arith.constant 4 : i32
      %dma_wait3A_214 = arith.constant 0 : i32
      %dma_wait3A_215 = arith.constant 0 : i32
      %dma_wait3A_216 = tpu.memref_slice %arg8[%dma_wait3A_213, %dma_wait3A_214, %dma_wait3A_215] : memref<8x128x16xf32, #tpu.memory_space<vmem>> -> memref<1x128x16xf32, #tpu.memory_space<vmem>>
      %dma_wait3A_217 = tpu.memref_squeeze %dma_wait3A_216 : memref<1x128x16xf32, #tpu.memory_space<vmem>> -> memref<128x16xf32, #tpu.memory_space<vmem>>
      %dma_wait3A_218 = arith.constant 0 : i32
      %dma_wait3A_219 = tpu.memref_slice %arg6[%dma_wait3A_212, %dma_wait3A_218] : memref<8x128xi32, #tpu.memory_space<vmem>> -> memref<1x128xi32, #tpu.memory_space<vmem>>
      %dma_wait3A_220 = tpu.memref_squeeze %dma_wait3A_219 : memref<1x128xi32, #tpu.memory_space<vmem>> -> memref<128xi32, #tpu.memory_space<vmem>>
      %dma_wait3A_221 = arith.constant 0 : i32
      %dma_wait3A_222 = arith.constant 0 : i32
      %dma_wait3A_223 = tpu.memref_slice %arg2[%dma_wait3A_221, %dma_wait3A_222] : memref<10240x16xf32, #tpu.memory_space<hbm>> -> memref<10240x16xf32, #tpu.memory_space<hbm>>
      tpu.wait_indirect_dma semaphore(%arg10 : memref<!tpu.dma_semaphore, #tpu.memory_space<semaphore_mem>>) src(%dma_wait3A_223 : memref<10240x16xf32, #tpu.memory_space<hbm>>) dst(%dma_wait3A_217 : memref<128x16xf32, #tpu.memory_space<vmem>>)
      %dma_wait3A_224 = arith.constant 5 : i32
      %dma_wait3A_225 = arith.constant 5 : i32
      %dma_wait3A_226 = arith.constant 0 : i32
      %dma_wait3A_227 = arith.constant 0 : i32
      %dma_wait3A_228 = tpu.memref_slice %arg8[%dma_wait3A_225, %dma_wait3A_226, %dma_wait3A_227] : memref<8x128x16xf32, #tpu.memory_space<vmem>> -> memref<1x128x16xf32, #tpu.memory_space<vmem>>
      %dma_wait3A_229 = tpu.memref_squeeze %dma_wait3A_228 : memref<1x128x16xf32, #tpu.memory_space<vmem>> -> memref<128x16xf32, #tpu.memory_space<vmem>>
      %dma_wait3A_230 = arith.constant 0 : i32
      %dma_wait3A_231 = tpu.memref_slice %arg6[%dma_wait3A_224, %dma_wait3A_230] : memref<8x128xi32, #tpu.memory_space<vmem>> -> memref<1x128xi32, #tpu.memory_space<vmem>>
      %dma_wait3A_232 = tpu.memref_squeeze %dma_wait3A_231 : memref<1x128xi32, #tpu.memory_space<vmem>> -> memref<128xi32, #tpu.memory_space<vmem>>
      %dma_wait3A_233 = arith.constant 0 : i32
      %dma_wait3A_234 = arith.constant 0 : i32
      %dma_wait3A_235 = tpu.memref_slice %arg2[%dma_wait3A_233, %dma_wait3A_234] : memref<10240x16xf32, #tpu.memory_space<hbm>> -> memref<10240x16xf32, #tpu.memory_space<hbm>>
      tpu.wait_indirect_dma semaphore(%arg10 : memref<!tpu.dma_semaphore, #tpu.memory_space<semaphore_mem>>) src(%dma_wait3A_235 : memref<10240x16xf32, #tpu.memory_space<hbm>>) dst(%dma_wait3A_229 : memref<128x16xf32, #tpu.memory_space<vmem>>)
      %dma_wait3A_236 = arith.constant 6 : i32
      %dma_wait3A_237 = arith.constant 6 : i32
      %dma_wait3A_238 = arith.constant 0 : i32
      %dma_wait3A_239 = arith.constant 0 : i32
      %dma_wait3A_240 = tpu.memref_slice %arg8[%dma_wait3A_237, %dma_wait3A_238, %dma_wait3A_239] : memref<8x128x16xf32, #tpu.memory_space<vmem>> -> memref<1x128x16xf32, #tpu.memory_space<vmem>>
      %dma_wait3A_241 = tpu.memref_squeeze %dma_wait3A_240 : memref<1x128x16xf32, #tpu.memory_space<vmem>> -> memref<128x16xf32, #tpu.memory_space<vmem>>
      %dma_wait3A_242 = arith.constant 0 : i32
      %dma_wait3A_243 = tpu.memref_slice %arg6[%dma_wait3A_236, %dma_wait3A_242] : memref<8x128xi32, #tpu.memory_space<vmem>> -> memref<1x128xi32, #tpu.memory_space<vmem>>
      %dma_wait3A_244 = tpu.memref_squeeze %dma_wait3A_243 : memref<1x128xi32, #tpu.memory_space<vmem>> -> memref<128xi32, #tpu.memory_space<vmem>>
      %dma_wait3A_245 = arith.constant 0 : i32
      %dma_wait3A_246 = arith.constant 0 : i32
      %dma_wait3A_247 = tpu.memref_slice %arg2[%dma_wait3A_245, %dma_wait3A_246] : memref<10240x16xf32, #tpu.memory_space<hbm>> -> memref<10240x16xf32, #tpu.memory_space<hbm>>
      tpu.wait_indirect_dma semaphore(%arg10 : memref<!tpu.dma_semaphore, #tpu.memory_space<semaphore_mem>>) src(%dma_wait3A_247 : memref<10240x16xf32, #tpu.memory_space<hbm>>) dst(%dma_wait3A_241 : memref<128x16xf32, #tpu.memory_space<vmem>>)
      %dma_wait3A_248 = arith.constant 7 : i32
      %dma_wait3A_249 = arith.constant 7 : i32
      %dma_wait3A_250 = arith.constant 0 : i32
      %dma_wait3A_251 = arith.constant 0 : i32
      %dma_wait3A_252 = tpu.memref_slice %arg8[%dma_wait3A_249, %dma_wait3A_250, %dma_wait3A_251] : memref<8x128x16xf32, #tpu.memory_space<vmem>> -> memref<1x128x16xf32, #tpu.memory_space<vmem>>
      %dma_wait3A_253 = tpu.memref_squeeze %dma_wait3A_252 : memref<1x128x16xf32, #tpu.memory_space<vmem>> -> memref<128x16xf32, #tpu.memory_space<vmem>>
      %dma_wait3A_254 = arith.constant 0 : i32
      %dma_wait3A_255 = tpu.memref_slice %arg6[%dma_wait3A_248, %dma_wait3A_254] : memref<8x128xi32, #tpu.memory_space<vmem>> -> memref<1x128xi32, #tpu.memory_space<vmem>>
      %dma_wait3A_256 = tpu.memref_squeeze %dma_wait3A_255 : memref<1x128xi32, #tpu.memory_space<vmem>> -> memref<128xi32, #tpu.memory_space<vmem>>
      %dma_wait3A_257 = arith.constant 0 : i32
      %dma_wait3A_258 = arith.constant 0 : i32
      %dma_wait3A_259 = tpu.memref_slice %arg2[%dma_wait3A_257, %dma_wait3A_258] : memref<10240x16xf32, #tpu.memory_space<hbm>> -> memref<10240x16xf32, #tpu.memory_space<hbm>>
      tpu.wait_indirect_dma semaphore(%arg10 : memref<!tpu.dma_semaphore, #tpu.memory_space<semaphore_mem>>) src(%dma_wait3A_259 : memref<10240x16xf32, #tpu.memory_space<hbm>>) dst(%dma_wait3A_253 : memref<128x16xf32, #tpu.memory_space<vmem>>)
      %run_scoped3A_260 = arith.constant 0 : i32
      %run_scoped3A_261 = arith.constant 0 : i32
      "tpu.region"() ({
        %run_scoped3A_276 = tpu.sem_alloc : memref<!tpu.dma_semaphore, #tpu.memory_space<semaphore_mem>>
        %dma_start3A_277 = arith.constant 0 : i32
        %dma_start3A_278 = arith.constant 0 : i32
        %dma_start3A_279 = tpu.memref_slice %arg8[%run_scoped3A_260, %dma_start3A_277, %dma_start3A_278] : memref<8x128x16xf32, #tpu.memory_space<vmem>> -> memref<1x128x16xf32, #tpu.memory_space<vmem>>
        %dma_start3A_280 = tpu.memref_squeeze %dma_start3A_279 : memref<1x128x16xf32, #tpu.memory_space<vmem>> -> memref<128x16xf32, #tpu.memory_space<vmem>>
        %dma_start3A_281 = arith.constant 0 : i32
        %dma_start3A_282 = tpu.memref_slice %arg7[%run_scoped3A_261, %dma_start3A_281] : memref<8x128xi32, #tpu.memory_space<vmem>> -> memref<1x128xi32, #tpu.memory_space<vmem>>
        %dma_start3A_283 = tpu.memref_squeeze %dma_start3A_282 : memref<1x128xi32, #tpu.memory_space<vmem>> -> memref<128xi32, #tpu.memory_space<vmem>>
        %dma_start3A_284 = arith.constant 0 : i32
        %dma_start3A_285 = arith.constant 0 : i32
        %dma_start3A_286 = tpu.memref_slice %arg9[%dma_start3A_284, %dma_start3A_285] : memref<10240x16xf32, #tpu.memory_space<vmem_shared>> -> memref<10240x16xf32, #tpu.memory_space<vmem_shared>>
        tpu.enqueue_indirect_dma source(%dma_start3A_280 : memref<128x16xf32, #tpu.memory_space<vmem>>) target(%dma_start3A_286 : memref<10240x16xf32, #tpu.memory_space<vmem_shared>>) offsets(%dma_start3A_283 : memref<128xi32, #tpu.memory_space<vmem>>) semaphore(%run_scoped3A_276 : memref<!tpu.dma_semaphore, #tpu.memory_space<semaphore_mem>>) {add = true}
        %dma_wait3A_287 = arith.constant 0 : i32
        %dma_wait3A_288 = arith.constant 0 : i32
        %dma_wait3A_289 = tpu.memref_slice %arg8[%run_scoped3A_260, %dma_wait3A_287, %dma_wait3A_288] : memref<8x128x16xf32, #tpu.memory_space<vmem>> -> memref<1x128x16xf32, #tpu.memory_space<vmem>>
        %dma_wait3A_290 = tpu.memref_squeeze %dma_wait3A_289 : memref<1x128x16xf32, #tpu.memory_space<vmem>> -> memref<128x16xf32, #tpu.memory_space<vmem>>
        %dma_wait3A_291 = arith.constant 0 : i32
        %dma_wait3A_292 = tpu.memref_slice %arg7[%run_scoped3A_261, %dma_wait3A_291] : memref<8x128xi32, #tpu.memory_space<vmem>> -> memref<1x128xi32, #tpu.memory_space<vmem>>
        %dma_wait3A_293 = tpu.memref_squeeze %dma_wait3A_292 : memref<1x128xi32, #tpu.memory_space<vmem>> -> memref<128xi32, #tpu.memory_space<vmem>>
        %dma_wait3A_294 = arith.constant 0 : i32
        %dma_wait3A_295 = arith.constant 0 : i32
        %dma_wait3A_296 = tpu.memref_slice %arg9[%dma_wait3A_294, %dma_wait3A_295] : memref<10240x16xf32, #tpu.memory_space<vmem_shared>> -> memref<10240x16xf32, #tpu.memory_space<vmem_shared>>
        tpu.wait_indirect_dma semaphore(%run_scoped3A_276 : memref<!tpu.dma_semaphore, #tpu.memory_space<semaphore_mem>>) src(%dma_wait3A_290 : memref<128x16xf32, #tpu.memory_space<vmem>>) dst(%dma_wait3A_296 : memref<10240x16xf32, #tpu.memory_space<vmem_shared>>)
        tpu.yield
      }) : () -> ()
      %run_scoped3A_262 = arith.constant 1 : i32
      %run_scoped3A_263 = arith.constant 1 : i32
      "tpu.region"() ({
        %run_scoped3A_276 = tpu.sem_alloc : memref<!tpu.dma_semaphore, #tpu.memory_space<semaphore_mem>>
        %dma_start3A_277 = arith.constant 0 : i32
        %dma_start3A_278 = arith.constant 0 : i32
        %dma_start3A_279 = tpu.memref_slice %arg8[%run_scoped3A_262, %dma_start3A_277, %dma_start3A_278] : memref<8x128x16xf32, #tpu.memory_space<vmem>> -> memref<1x128x16xf32, #tpu.memory_space<vmem>>
        %dma_start3A_280 = tpu.memref_squeeze %dma_start3A_279 : memref<1x128x16xf32, #tpu.memory_space<vmem>> -> memref<128x16xf32, #tpu.memory_space<vmem>>
        %dma_start3A_281 = arith.constant 0 : i32
        %dma_start3A_282 = tpu.memref_slice %arg7[%run_scoped3A_263, %dma_start3A_281] : memref<8x128xi32, #tpu.memory_space<vmem>> -> memref<1x128xi32, #tpu.memory_space<vmem>>
        %dma_start3A_283 = tpu.memref_squeeze %dma_start3A_282 : memref<1x128xi32, #tpu.memory_space<vmem>> -> memref<128xi32, #tpu.memory_space<vmem>>
        %dma_start3A_284 = arith.constant 0 : i32
        %dma_start3A_285 = arith.constant 0 : i32
        %dma_start3A_286 = tpu.memref_slice %arg9[%dma_start3A_284, %dma_start3A_285] : memref<10240x16xf32, #tpu.memory_space<vmem_shared>> -> memref<10240x16xf32, #tpu.memory_space<vmem_shared>>
        tpu.enqueue_indirect_dma source(%dma_start3A_280 : memref<128x16xf32, #tpu.memory_space<vmem>>) target(%dma_start3A_286 : memref<10240x16xf32, #tpu.memory_space<vmem_shared>>) offsets(%dma_start3A_283 : memref<128xi32, #tpu.memory_space<vmem>>) semaphore(%run_scoped3A_276 : memref<!tpu.dma_semaphore, #tpu.memory_space<semaphore_mem>>) {add = true}
        %dma_wait3A_287 = arith.constant 0 : i32
        %dma_wait3A_288 = arith.constant 0 : i32
        %dma_wait3A_289 = tpu.memref_slice %arg8[%run_scoped3A_262, %dma_wait3A_287, %dma_wait3A_288] : memref<8x128x16xf32, #tpu.memory_space<vmem>> -> memref<1x128x16xf32, #tpu.memory_space<vmem>>
        %dma_wait3A_290 = tpu.memref_squeeze %dma_wait3A_289 : memref<1x128x16xf32, #tpu.memory_space<vmem>> -> memref<128x16xf32, #tpu.memory_space<vmem>>
        %dma_wait3A_291 = arith.constant 0 : i32
        %dma_wait3A_292 = tpu.memref_slice %arg7[%run_scoped3A_263, %dma_wait3A_291] : memref<8x128xi32, #tpu.memory_space<vmem>> -> memref<1x128xi32, #tpu.memory_space<vmem>>
        %dma_wait3A_293 = tpu.memref_squeeze %dma_wait3A_292 : memref<1x128xi32, #tpu.memory_space<vmem>> -> memref<128xi32, #tpu.memory_space<vmem>>
        %dma_wait3A_294 = arith.constant 0 : i32
        %dma_wait3A_295 = arith.constant 0 : i32
        %dma_wait3A_296 = tpu.memref_slice %arg9[%dma_wait3A_294, %dma_wait3A_295] : memref<10240x16xf32, #tpu.memory_space<vmem_shared>> -> memref<10240x16xf32, #tpu.memory_space<vmem_shared>>
        tpu.wait_indirect_dma semaphore(%run_scoped3A_276 : memref<!tpu.dma_semaphore, #tpu.memory_space<semaphore_mem>>) src(%dma_wait3A_290 : memref<128x16xf32, #tpu.memory_space<vmem>>) dst(%dma_wait3A_296 : memref<10240x16xf32, #tpu.memory_space<vmem_shared>>)
        tpu.yield
      }) : () -> ()
      %run_scoped3A_264 = arith.constant 2 : i32
      %run_scoped3A_265 = arith.constant 2 : i32
      "tpu.region"() ({
        %run_scoped3A_276 = tpu.sem_alloc : memref<!tpu.dma_semaphore, #tpu.memory_space<semaphore_mem>>
        %dma_start3A_277 = arith.constant 0 : i32
        %dma_start3A_278 = arith.constant 0 : i32
        %dma_start3A_279 = tpu.memref_slice %arg8[%run_scoped3A_264, %dma_start3A_277, %dma_start3A_278] : memref<8x128x16xf32, #tpu.memory_space<vmem>> -> memref<1x128x16xf32, #tpu.memory_space<vmem>>
        %dma_start3A_280 = tpu.memref_squeeze %dma_start3A_279 : memref<1x128x16xf32, #tpu.memory_space<vmem>> -> memref<128x16xf32, #tpu.memory_space<vmem>>
        %dma_start3A_281 = arith.constant 0 : i32
        %dma_start3A_282 = tpu.memref_slice %arg7[%run_scoped3A_265, %dma_start3A_281] : memref<8x128xi32, #tpu.memory_space<vmem>> -> memref<1x128xi32, #tpu.memory_space<vmem>>
        %dma_start3A_283 = tpu.memref_squeeze %dma_start3A_282 : memref<1x128xi32, #tpu.memory_space<vmem>> -> memref<128xi32, #tpu.memory_space<vmem>>
        %dma_start3A_284 = arith.constant 0 : i32
        %dma_start3A_285 = arith.constant 0 : i32
        %dma_start3A_286 = tpu.memref_slice %arg9[%dma_start3A_284, %dma_start3A_285] : memref<10240x16xf32, #tpu.memory_space<vmem_shared>> -> memref<10240x16xf32, #tpu.memory_space<vmem_shared>>
        tpu.enqueue_indirect_dma source(%dma_start3A_280 : memref<128x16xf32, #tpu.memory_space<vmem>>) target(%dma_start3A_286 : memref<10240x16xf32, #tpu.memory_space<vmem_shared>>) offsets(%dma_start3A_283 : memref<128xi32, #tpu.memory_space<vmem>>) semaphore(%run_scoped3A_276 : memref<!tpu.dma_semaphore, #tpu.memory_space<semaphore_mem>>) {add = true}
        %dma_wait3A_287 = arith.constant 0 : i32
        %dma_wait3A_288 = arith.constant 0 : i32
        %dma_wait3A_289 = tpu.memref_slice %arg8[%run_scoped3A_264, %dma_wait3A_287, %dma_wait3A_288] : memref<8x128x16xf32, #tpu.memory_space<vmem>> -> memref<1x128x16xf32, #tpu.memory_space<vmem>>
        %dma_wait3A_290 = tpu.memref_squeeze %dma_wait3A_289 : memref<1x128x16xf32, #tpu.memory_space<vmem>> -> memref<128x16xf32, #tpu.memory_space<vmem>>
        %dma_wait3A_291 = arith.constant 0 : i32
        %dma_wait3A_292 = tpu.memref_slice %arg7[%run_scoped3A_265, %dma_wait3A_291] : memref<8x128xi32, #tpu.memory_space<vmem>> -> memref<1x128xi32, #tpu.memory_space<vmem>>
        %dma_wait3A_293 = tpu.memref_squeeze %dma_wait3A_292 : memref<1x128xi32, #tpu.memory_space<vmem>> -> memref<128xi32, #tpu.memory_space<vmem>>
        %dma_wait3A_294 = arith.constant 0 : i32
        %dma_wait3A_295 = arith.constant 0 : i32
        %dma_wait3A_296 = tpu.memref_slice %arg9[%dma_wait3A_294, %dma_wait3A_295] : memref<10240x16xf32, #tpu.memory_space<vmem_shared>> -> memref<10240x16xf32, #tpu.memory_space<vmem_shared>>
        tpu.wait_indirect_dma semaphore(%run_scoped3A_276 : memref<!tpu.dma_semaphore, #tpu.memory_space<semaphore_mem>>) src(%dma_wait3A_290 : memref<128x16xf32, #tpu.memory_space<vmem>>) dst(%dma_wait3A_296 : memref<10240x16xf32, #tpu.memory_space<vmem_shared>>)
        tpu.yield
      }) : () -> ()
      %run_scoped3A_266 = arith.constant 3 : i32
      %run_scoped3A_267 = arith.constant 3 : i32
      "tpu.region"() ({
        %run_scoped3A_276 = tpu.sem_alloc : memref<!tpu.dma_semaphore, #tpu.memory_space<semaphore_mem>>
        %dma_start3A_277 = arith.constant 0 : i32
        %dma_start3A_278 = arith.constant 0 : i32
        %dma_start3A_279 = tpu.memref_slice %arg8[%run_scoped3A_266, %dma_start3A_277, %dma_start3A_278] : memref<8x128x16xf32, #tpu.memory_space<vmem>> -> memref<1x128x16xf32, #tpu.memory_space<vmem>>
        %dma_start3A_280 = tpu.memref_squeeze %dma_start3A_279 : memref<1x128x16xf32, #tpu.memory_space<vmem>> -> memref<128x16xf32, #tpu.memory_space<vmem>>
        %dma_start3A_281 = arith.constant 0 : i32
        %dma_start3A_282 = tpu.memref_slice %arg7[%run_scoped3A_267, %dma_start3A_281] : memref<8x128xi32, #tpu.memory_space<vmem>> -> memref<1x128xi32, #tpu.memory_space<vmem>>
        %dma_start3A_283 = tpu.memref_squeeze %dma_start3A_282 : memref<1x128xi32, #tpu.memory_space<vmem>> -> memref<128xi32, #tpu.memory_space<vmem>>
        %dma_start3A_284 = arith.constant 0 : i32
        %dma_start3A_285 = arith.constant 0 : i32
        %dma_start3A_286 = tpu.memref_slice %arg9[%dma_start3A_284, %dma_start3A_285] : memref<10240x16xf32, #tpu.memory_space<vmem_shared>> -> memref<10240x16xf32, #tpu.memory_space<vmem_shared>>
        tpu.enqueue_indirect_dma source(%dma_start3A_280 : memref<128x16xf32, #tpu.memory_space<vmem>>) target(%dma_start3A_286 : memref<10240x16xf32, #tpu.memory_space<vmem_shared>>) offsets(%dma_start3A_283 : memref<128xi32, #tpu.memory_space<vmem>>) semaphore(%run_scoped3A_276 : memref<!tpu.dma_semaphore, #tpu.memory_space<semaphore_mem>>) {add = true}
        %dma_wait3A_287 = arith.constant 0 : i32
        %dma_wait3A_288 = arith.constant 0 : i32
        %dma_wait3A_289 = tpu.memref_slice %arg8[%run_scoped3A_266, %dma_wait3A_287, %dma_wait3A_288] : memref<8x128x16xf32, #tpu.memory_space<vmem>> -> memref<1x128x16xf32, #tpu.memory_space<vmem>>
        %dma_wait3A_290 = tpu.memref_squeeze %dma_wait3A_289 : memref<1x128x16xf32, #tpu.memory_space<vmem>> -> memref<128x16xf32, #tpu.memory_space<vmem>>
        %dma_wait3A_291 = arith.constant 0 : i32
        %dma_wait3A_292 = tpu.memref_slice %arg7[%run_scoped3A_267, %dma_wait3A_291] : memref<8x128xi32, #tpu.memory_space<vmem>> -> memref<1x128xi32, #tpu.memory_space<vmem>>
        %dma_wait3A_293 = tpu.memref_squeeze %dma_wait3A_292 : memref<1x128xi32, #tpu.memory_space<vmem>> -> memref<128xi32, #tpu.memory_space<vmem>>
        %dma_wait3A_294 = arith.constant 0 : i32
        %dma_wait3A_295 = arith.constant 0 : i32
        %dma_wait3A_296 = tpu.memref_slice %arg9[%dma_wait3A_294, %dma_wait3A_295] : memref<10240x16xf32, #tpu.memory_space<vmem_shared>> -> memref<10240x16xf32, #tpu.memory_space<vmem_shared>>
        tpu.wait_indirect_dma semaphore(%run_scoped3A_276 : memref<!tpu.dma_semaphore, #tpu.memory_space<semaphore_mem>>) src(%dma_wait3A_290 : memref<128x16xf32, #tpu.memory_space<vmem>>) dst(%dma_wait3A_296 : memref<10240x16xf32, #tpu.memory_space<vmem_shared>>)
        tpu.yield
      }) : () -> ()
      %run_scoped3A_268 = arith.constant 4 : i32
      %run_scoped3A_269 = arith.constant 4 : i32
      "tpu.region"() ({
        %run_scoped3A_276 = tpu.sem_alloc : memref<!tpu.dma_semaphore, #tpu.memory_space<semaphore_mem>>
        %dma_start3A_277 = arith.constant 0 : i32
        %dma_start3A_278 = arith.constant 0 : i32
        %dma_start3A_279 = tpu.memref_slice %arg8[%run_scoped3A_268, %dma_start3A_277, %dma_start3A_278] : memref<8x128x16xf32, #tpu.memory_space<vmem>> -> memref<1x128x16xf32, #tpu.memory_space<vmem>>
        %dma_start3A_280 = tpu.memref_squeeze %dma_start3A_279 : memref<1x128x16xf32, #tpu.memory_space<vmem>> -> memref<128x16xf32, #tpu.memory_space<vmem>>
        %dma_start3A_281 = arith.constant 0 : i32
        %dma_start3A_282 = tpu.memref_slice %arg7[%run_scoped3A_269, %dma_start3A_281] : memref<8x128xi32, #tpu.memory_space<vmem>> -> memref<1x128xi32, #tpu.memory_space<vmem>>
        %dma_start3A_283 = tpu.memref_squeeze %dma_start3A_282 : memref<1x128xi32, #tpu.memory_space<vmem>> -> memref<128xi32, #tpu.memory_space<vmem>>
        %dma_start3A_284 = arith.constant 0 : i32
        %dma_start3A_285 = arith.constant 0 : i32
        %dma_start3A_286 = tpu.memref_slice %arg9[%dma_start3A_284, %dma_start3A_285] : memref<10240x16xf32, #tpu.memory_space<vmem_shared>> -> memref<10240x16xf32, #tpu.memory_space<vmem_shared>>
        tpu.enqueue_indirect_dma source(%dma_start3A_280 : memref<128x16xf32, #tpu.memory_space<vmem>>) target(%dma_start3A_286 : memref<10240x16xf32, #tpu.memory_space<vmem_shared>>) offsets(%dma_start3A_283 : memref<128xi32, #tpu.memory_space<vmem>>) semaphore(%run_scoped3A_276 : memref<!tpu.dma_semaphore, #tpu.memory_space<semaphore_mem>>) {add = true}
        %dma_wait3A_287 = arith.constant 0 : i32
        %dma_wait3A_288 = arith.constant 0 : i32
        %dma_wait3A_289 = tpu.memref_slice %arg8[%run_scoped3A_268, %dma_wait3A_287, %dma_wait3A_288] : memref<8x128x16xf32, #tpu.memory_space<vmem>> -> memref<1x128x16xf32, #tpu.memory_space<vmem>>
        %dma_wait3A_290 = tpu.memref_squeeze %dma_wait3A_289 : memref<1x128x16xf32, #tpu.memory_space<vmem>> -> memref<128x16xf32, #tpu.memory_space<vmem>>
        %dma_wait3A_291 = arith.constant 0 : i32
        %dma_wait3A_292 = tpu.memref_slice %arg7[%run_scoped3A_269, %dma_wait3A_291] : memref<8x128xi32, #tpu.memory_space<vmem>> -> memref<1x128xi32, #tpu.memory_space<vmem>>
        %dma_wait3A_293 = tpu.memref_squeeze %dma_wait3A_292 : memref<1x128xi32, #tpu.memory_space<vmem>> -> memref<128xi32, #tpu.memory_space<vmem>>
        %dma_wait3A_294 = arith.constant 0 : i32
        %dma_wait3A_295 = arith.constant 0 : i32
        %dma_wait3A_296 = tpu.memref_slice %arg9[%dma_wait3A_294, %dma_wait3A_295] : memref<10240x16xf32, #tpu.memory_space<vmem_shared>> -> memref<10240x16xf32, #tpu.memory_space<vmem_shared>>
        tpu.wait_indirect_dma semaphore(%run_scoped3A_276 : memref<!tpu.dma_semaphore, #tpu.memory_space<semaphore_mem>>) src(%dma_wait3A_290 : memref<128x16xf32, #tpu.memory_space<vmem>>) dst(%dma_wait3A_296 : memref<10240x16xf32, #tpu.memory_space<vmem_shared>>)
        tpu.yield
      }) : () -> ()
      %run_scoped3A_270 = arith.constant 5 : i32
      %run_scoped3A_271 = arith.constant 5 : i32
      "tpu.region"() ({
        %run_scoped3A_276 = tpu.sem_alloc : memref<!tpu.dma_semaphore, #tpu.memory_space<semaphore_mem>>
        %dma_start3A_277 = arith.constant 0 : i32
        %dma_start3A_278 = arith.constant 0 : i32
        %dma_start3A_279 = tpu.memref_slice %arg8[%run_scoped3A_270, %dma_start3A_277, %dma_start3A_278] : memref<8x128x16xf32, #tpu.memory_space<vmem>> -> memref<1x128x16xf32, #tpu.memory_space<vmem>>
        %dma_start3A_280 = tpu.memref_squeeze %dma_start3A_279 : memref<1x128x16xf32, #tpu.memory_space<vmem>> -> memref<128x16xf32, #tpu.memory_space<vmem>>
        %dma_start3A_281 = arith.constant 0 : i32
        %dma_start3A_282 = tpu.memref_slice %arg7[%run_scoped3A_271, %dma_start3A_281] : memref<8x128xi32, #tpu.memory_space<vmem>> -> memref<1x128xi32, #tpu.memory_space<vmem>>
        %dma_start3A_283 = tpu.memref_squeeze %dma_start3A_282 : memref<1x128xi32, #tpu.memory_space<vmem>> -> memref<128xi32, #tpu.memory_space<vmem>>
        %dma_start3A_284 = arith.constant 0 : i32
        %dma_start3A_285 = arith.constant 0 : i32
        %dma_start3A_286 = tpu.memref_slice %arg9[%dma_start3A_284, %dma_start3A_285] : memref<10240x16xf32, #tpu.memory_space<vmem_shared>> -> memref<10240x16xf32, #tpu.memory_space<vmem_shared>>
        tpu.enqueue_indirect_dma source(%dma_start3A_280 : memref<128x16xf32, #tpu.memory_space<vmem>>) target(%dma_start3A_286 : memref<10240x16xf32, #tpu.memory_space<vmem_shared>>) offsets(%dma_start3A_283 : memref<128xi32, #tpu.memory_space<vmem>>) semaphore(%run_scoped3A_276 : memref<!tpu.dma_semaphore, #tpu.memory_space<semaphore_mem>>) {add = true}
        %dma_wait3A_287 = arith.constant 0 : i32
        %dma_wait3A_288 = arith.constant 0 : i32
        %dma_wait3A_289 = tpu.memref_slice %arg8[%run_scoped3A_270, %dma_wait3A_287, %dma_wait3A_288] : memref<8x128x16xf32, #tpu.memory_space<vmem>> -> memref<1x128x16xf32, #tpu.memory_space<vmem>>
        %dma_wait3A_290 = tpu.memref_squeeze %dma_wait3A_289 : memref<1x128x16xf32, #tpu.memory_space<vmem>> -> memref<128x16xf32, #tpu.memory_space<vmem>>
        %dma_wait3A_291 = arith.constant 0 : i32
        %dma_wait3A_292 = tpu.memref_slice %arg7[%run_scoped3A_271, %dma_wait3A_291] : memref<8x128xi32, #tpu.memory_space<vmem>> -> memref<1x128xi32, #tpu.memory_space<vmem>>
        %dma_wait3A_293 = tpu.memref_squeeze %dma_wait3A_292 : memref<1x128xi32, #tpu.memory_space<vmem>> -> memref<128xi32, #tpu.memory_space<vmem>>
        %dma_wait3A_294 = arith.constant 0 : i32
        %dma_wait3A_295 = arith.constant 0 : i32
        %dma_wait3A_296 = tpu.memref_slice %arg9[%dma_wait3A_294, %dma_wait3A_295] : memref<10240x16xf32, #tpu.memory_space<vmem_shared>> -> memref<10240x16xf32, #tpu.memory_space<vmem_shared>>
        tpu.wait_indirect_dma semaphore(%run_scoped3A_276 : memref<!tpu.dma_semaphore, #tpu.memory_space<semaphore_mem>>) src(%dma_wait3A_290 : memref<128x16xf32, #tpu.memory_space<vmem>>) dst(%dma_wait3A_296 : memref<10240x16xf32, #tpu.memory_space<vmem_shared>>)
        tpu.yield
      }) : () -> ()
      %run_scoped3A_272 = arith.constant 6 : i32
      %run_scoped3A_273 = arith.constant 6 : i32
      "tpu.region"() ({
        %run_scoped3A_276 = tpu.sem_alloc : memref<!tpu.dma_semaphore, #tpu.memory_space<semaphore_mem>>
        %dma_start3A_277 = arith.constant 0 : i32
        %dma_start3A_278 = arith.constant 0 : i32
        %dma_start3A_279 = tpu.memref_slice %arg8[%run_scoped3A_272, %dma_start3A_277, %dma_start3A_278] : memref<8x128x16xf32, #tpu.memory_space<vmem>> -> memref<1x128x16xf32, #tpu.memory_space<vmem>>
        %dma_start3A_280 = tpu.memref_squeeze %dma_start3A_279 : memref<1x128x16xf32, #tpu.memory_space<vmem>> -> memref<128x16xf32, #tpu.memory_space<vmem>>
        %dma_start3A_281 = arith.constant 0 : i32
        %dma_start3A_282 = tpu.memref_slice %arg7[%run_scoped3A_273, %dma_start3A_281] : memref<8x128xi32, #tpu.memory_space<vmem>> -> memref<1x128xi32, #tpu.memory_space<vmem>>
        %dma_start3A_283 = tpu.memref_squeeze %dma_start3A_282 : memref<1x128xi32, #tpu.memory_space<vmem>> -> memref<128xi32, #tpu.memory_space<vmem>>
        %dma_start3A_284 = arith.constant 0 : i32
        %dma_start3A_285 = arith.constant 0 : i32
        %dma_start3A_286 = tpu.memref_slice %arg9[%dma_start3A_284, %dma_start3A_285] : memref<10240x16xf32, #tpu.memory_space<vmem_shared>> -> memref<10240x16xf32, #tpu.memory_space<vmem_shared>>
        tpu.enqueue_indirect_dma source(%dma_start3A_280 : memref<128x16xf32, #tpu.memory_space<vmem>>) target(%dma_start3A_286 : memref<10240x16xf32, #tpu.memory_space<vmem_shared>>) offsets(%dma_start3A_283 : memref<128xi32, #tpu.memory_space<vmem>>) semaphore(%run_scoped3A_276 : memref<!tpu.dma_semaphore, #tpu.memory_space<semaphore_mem>>) {add = true}
        %dma_wait3A_287 = arith.constant 0 : i32
        %dma_wait3A_288 = arith.constant 0 : i32
        %dma_wait3A_289 = tpu.memref_slice %arg8[%run_scoped3A_272, %dma_wait3A_287, %dma_wait3A_288] : memref<8x128x16xf32, #tpu.memory_space<vmem>> -> memref<1x128x16xf32, #tpu.memory_space<vmem>>
        %dma_wait3A_290 = tpu.memref_squeeze %dma_wait3A_289 : memref<1x128x16xf32, #tpu.memory_space<vmem>> -> memref<128x16xf32, #tpu.memory_space<vmem>>
        %dma_wait3A_291 = arith.constant 0 : i32
        %dma_wait3A_292 = tpu.memref_slice %arg7[%run_scoped3A_273, %dma_wait3A_291] : memref<8x128xi32, #tpu.memory_space<vmem>> -> memref<1x128xi32, #tpu.memory_space<vmem>>
        %dma_wait3A_293 = tpu.memref_squeeze %dma_wait3A_292 : memref<1x128xi32, #tpu.memory_space<vmem>> -> memref<128xi32, #tpu.memory_space<vmem>>
        %dma_wait3A_294 = arith.constant 0 : i32
        %dma_wait3A_295 = arith.constant 0 : i32
        %dma_wait3A_296 = tpu.memref_slice %arg9[%dma_wait3A_294, %dma_wait3A_295] : memref<10240x16xf32, #tpu.memory_space<vmem_shared>> -> memref<10240x16xf32, #tpu.memory_space<vmem_shared>>
        tpu.wait_indirect_dma semaphore(%run_scoped3A_276 : memref<!tpu.dma_semaphore, #tpu.memory_space<semaphore_mem>>) src(%dma_wait3A_290 : memref<128x16xf32, #tpu.memory_space<vmem>>) dst(%dma_wait3A_296 : memref<10240x16xf32, #tpu.memory_space<vmem_shared>>)
        tpu.yield
      }) : () -> ()
      %run_scoped3A_274 = arith.constant 7 : i32
      %run_scoped3A_275 = arith.constant 7 : i32
      "tpu.region"() ({
        %run_scoped3A_276 = tpu.sem_alloc : memref<!tpu.dma_semaphore, #tpu.memory_space<semaphore_mem>>
        %dma_start3A_277 = arith.constant 0 : i32
        %dma_start3A_278 = arith.constant 0 : i32
        %dma_start3A_279 = tpu.memref_slice %arg8[%run_scoped3A_274, %dma_start3A_277, %dma_start3A_278] : memref<8x128x16xf32, #tpu.memory_space<vmem>> -> memref<1x128x16xf32, #tpu.memory_space<vmem>>
        %dma_start3A_280 = tpu.memref_squeeze %dma_start3A_279 : memref<1x128x16xf32, #tpu.memory_space<vmem>> -> memref<128x16xf32, #tpu.memory_space<vmem>>
        %dma_start3A_281 = arith.constant 0 : i32
        %dma_start3A_282 = tpu.memref_slice %arg7[%run_scoped3A_275, %dma_start3A_281] : memref<8x128xi32, #tpu.memory_space<vmem>> -> memref<1x128xi32, #tpu.memory_space<vmem>>
        %dma_start3A_283 = tpu.memref_squeeze %dma_start3A_282 : memref<1x128xi32, #tpu.memory_space<vmem>> -> memref<128xi32, #tpu.memory_space<vmem>>
        %dma_start3A_284 = arith.constant 0 : i32
        %dma_start3A_285 = arith.constant 0 : i32
        %dma_start3A_286 = tpu.memref_slice %arg9[%dma_start3A_284, %dma_start3A_285] : memref<10240x16xf32, #tpu.memory_space<vmem_shared>> -> memref<10240x16xf32, #tpu.memory_space<vmem_shared>>
        tpu.enqueue_indirect_dma source(%dma_start3A_280 : memref<128x16xf32, #tpu.memory_space<vmem>>) target(%dma_start3A_286 : memref<10240x16xf32, #tpu.memory_space<vmem_shared>>) offsets(%dma_start3A_283 : memref<128xi32, #tpu.memory_space<vmem>>) semaphore(%run_scoped3A_276 : memref<!tpu.dma_semaphore, #tpu.memory_space<semaphore_mem>>) {add = true}
        %dma_wait3A_287 = arith.constant 0 : i32
        %dma_wait3A_288 = arith.constant 0 : i32
        %dma_wait3A_289 = tpu.memref_slice %arg8[%run_scoped3A_274, %dma_wait3A_287, %dma_wait3A_288] : memref<8x128x16xf32, #tpu.memory_space<vmem>> -> memref<1x128x16xf32, #tpu.memory_space<vmem>>
        %dma_wait3A_290 = tpu.memref_squeeze %dma_wait3A_289 : memref<1x128x16xf32, #tpu.memory_space<vmem>> -> memref<128x16xf32, #tpu.memory_space<vmem>>
        %dma_wait3A_291 = arith.constant 0 : i32
        %dma_wait3A_292 = tpu.memref_slice %arg7[%run_scoped3A_275, %dma_wait3A_291] : memref<8x128xi32, #tpu.memory_space<vmem>> -> memref<1x128xi32, #tpu.memory_space<vmem>>
        %dma_wait3A_293 = tpu.memref_squeeze %dma_wait3A_292 : memref<1x128xi32, #tpu.memory_space<vmem>> -> memref<128xi32, #tpu.memory_space<vmem>>
        %dma_wait3A_294 = arith.constant 0 : i32
        %dma_wait3A_295 = arith.constant 0 : i32
        %dma_wait3A_296 = tpu.memref_slice %arg9[%dma_wait3A_294, %dma_wait3A_295] : memref<10240x16xf32, #tpu.memory_space<vmem_shared>> -> memref<10240x16xf32, #tpu.memory_space<vmem_shared>>
        tpu.wait_indirect_dma semaphore(%run_scoped3A_276 : memref<!tpu.dma_semaphore, #tpu.memory_space<semaphore_mem>>) src(%dma_wait3A_290 : memref<128x16xf32, #tpu.memory_space<vmem>>) dst(%dma_wait3A_296 : memref<10240x16xf32, #tpu.memory_space<vmem_shared>>)
        tpu.yield
      }) : () -> ()
    }
    %scan3A_27 = arith.constant 10 : i32
    %barrier3A_28 = arith.constant 0 : index
    tpu.barrier barrier_id(%barrier3A_28)
    %mul3A_29 = arith.constant 640 : i32
    %mul3A_30 = arith.muli %arg1, %mul3A_29 : i32
    %add3A_31 = arith.constant 0 : i32
    %add3A_32 = arith.addi %mul3A_30, %add3A_31 : i32
    %mul3A_33 = arith.constant 10240 : i32
    %mul3A_34 = arith.muli %arg0, %mul3A_33 : i32
    %add3A_35 = arith.addi %mul3A_34, %add3A_32 : i32
    "tpu.region"() ({
      %run_scoped3A_64 = tpu.sem_alloc : memref<!tpu.dma_semaphore, #tpu.memory_space<semaphore_mem>>
      %dma_start3A = arith.constant 0 : i32
      %dma_start3A_65 = tpu.memref_slice %arg5[%add3A_35, %dma_start3A] : memref<20480x16xf32, #tpu.memory_space<hbm>> -> memref<128x16xf32, #tpu.memory_space<hbm>>
      %dma_start3A_66 = arith.constant 0 : i32
      %dma_start3A_67 = tpu.memref_slice %arg9[%add3A_32, %dma_start3A_66] : memref<10240x16xf32, #tpu.memory_space<vmem_shared>> -> memref<128x16xf32, #tpu.memory_space<vmem_shared>>
      tpu.enqueue_dma source(%dma_start3A_67 : memref<128x16xf32, #tpu.memory_space<vmem_shared>>) target(%dma_start3A_65 : memref<128x16xf32, #tpu.memory_space<hbm>>) target_semaphore(%run_scoped3A_64 : memref<!tpu.dma_semaphore, #tpu.memory_space<semaphore_mem>>)
      %dma_wait3A = arith.constant 0 : i32
      %dma_wait3A_68 = tpu.memref_slice %arg5[%add3A_35, %dma_wait3A] : memref<20480x16xf32, #tpu.memory_space<hbm>> -> memref<128x16xf32, #tpu.memory_space<hbm>>
      %dma_wait3A_69 = arith.constant 0 : i32
      %dma_wait3A_70 = tpu.memref_slice %arg9[%add3A_32, %dma_wait3A_69] : memref<10240x16xf32, #tpu.memory_space<vmem_shared>> -> memref<128x16xf32, #tpu.memory_space<vmem_shared>>
      tpu.wait_dma2 semaphore(%run_scoped3A_64 : memref<!tpu.dma_semaphore, #tpu.memory_space<semaphore_mem>>) src(%dma_wait3A_70 : memref<128x16xf32, #tpu.memory_space<vmem_shared>>) dst(%dma_wait3A_68 : memref<128x16xf32, #tpu.memory_space<hbm>>)
      tpu.yield
    }) : () -> ()
    %mul3A_36 = arith.constant 640 : i32
    %mul3A_37 = arith.muli %arg1, %mul3A_36 : i32
    %add3A_38 = arith.constant 128 : i32
    %add3A_39 = arith.addi %mul3A_37, %add3A_38 : i32
    %mul3A_40 = arith.constant 10240 : i32
    %mul3A_41 = arith.muli %arg0, %mul3A_40 : i32
    %add3A_42 = arith.addi %mul3A_41, %add3A_39 : i32
    "tpu.region"() ({
      %run_scoped3A_64 = tpu.sem_alloc : memref<!tpu.dma_semaphore, #tpu.memory_space<semaphore_mem>>
      %dma_start3A = arith.constant 0 : i32
      %dma_start3A_65 = tpu.memref_slice %arg5[%add3A_42, %dma_start3A] : memref<20480x16xf32, #tpu.memory_space<hbm>> -> memref<128x16xf32, #tpu.memory_space<hbm>>
      %dma_start3A_66 = arith.constant 0 : i32
      %dma_start3A_67 = tpu.memref_slice %arg9[%add3A_39, %dma_start3A_66] : memref<10240x16xf32, #tpu.memory_space<vmem_shared>> -> memref<128x16xf32, #tpu.memory_space<vmem_shared>>
      tpu.enqueue_dma source(%dma_start3A_67 : memref<128x16xf32, #tpu.memory_space<vmem_shared>>) target(%dma_start3A_65 : memref<128x16xf32, #tpu.memory_space<hbm>>) target_semaphore(%run_scoped3A_64 : memref<!tpu.dma_semaphore, #tpu.memory_space<semaphore_mem>>)
      %dma_wait3A = arith.constant 0 : i32
      %dma_wait3A_68 = tpu.memref_slice %arg5[%add3A_42, %dma_wait3A] : memref<20480x16xf32, #tpu.memory_space<hbm>> -> memref<128x16xf32, #tpu.memory_space<hbm>>
      %dma_wait3A_69 = arith.constant 0 : i32
      %dma_wait3A_70 = tpu.memref_slice %arg9[%add3A_39, %dma_wait3A_69] : memref<10240x16xf32, #tpu.memory_space<vmem_shared>> -> memref<128x16xf32, #tpu.memory_space<vmem_shared>>
      tpu.wait_dma2 semaphore(%run_scoped3A_64 : memref<!tpu.dma_semaphore, #tpu.memory_space<semaphore_mem>>) src(%dma_wait3A_70 : memref<128x16xf32, #tpu.memory_space<vmem_shared>>) dst(%dma_wait3A_68 : memref<128x16xf32, #tpu.memory_space<hbm>>)
      tpu.yield
    }) : () -> ()
    %mul3A_43 = arith.constant 640 : i32
    %mul3A_44 = arith.muli %arg1, %mul3A_43 : i32
    %add3A_45 = arith.constant 256 : i32
    %add3A_46 = arith.addi %mul3A_44, %add3A_45 : i32
    %mul3A_47 = arith.constant 10240 : i32
    %mul3A_48 = arith.muli %arg0, %mul3A_47 : i32
    %add3A_49 = arith.addi %mul3A_48, %add3A_46 : i32
    "tpu.region"() ({
      %run_scoped3A_64 = tpu.sem_alloc : memref<!tpu.dma_semaphore, #tpu.memory_space<semaphore_mem>>
      %dma_start3A = arith.constant 0 : i32
      %dma_start3A_65 = tpu.memref_slice %arg5[%add3A_49, %dma_start3A] : memref<20480x16xf32, #tpu.memory_space<hbm>> -> memref<128x16xf32, #tpu.memory_space<hbm>>
      %dma_start3A_66 = arith.constant 0 : i32
      %dma_start3A_67 = tpu.memref_slice %arg9[%add3A_46, %dma_start3A_66] : memref<10240x16xf32, #tpu.memory_space<vmem_shared>> -> memref<128x16xf32, #tpu.memory_space<vmem_shared>>
      tpu.enqueue_dma source(%dma_start3A_67 : memref<128x16xf32, #tpu.memory_space<vmem_shared>>) target(%dma_start3A_65 : memref<128x16xf32, #tpu.memory_space<hbm>>) target_semaphore(%run_scoped3A_64 : memref<!tpu.dma_semaphore, #tpu.memory_space<semaphore_mem>>)
      %dma_wait3A = arith.constant 0 : i32
      %dma_wait3A_68 = tpu.memref_slice %arg5[%add3A_49, %dma_wait3A] : memref<20480x16xf32, #tpu.memory_space<hbm>> -> memref<128x16xf32, #tpu.memory_space<hbm>>
      %dma_wait3A_69 = arith.constant 0 : i32
      %dma_wait3A_70 = tpu.memref_slice %arg9[%add3A_46, %dma_wait3A_69] : memref<10240x16xf32, #tpu.memory_space<vmem_shared>> -> memref<128x16xf32, #tpu.memory_space<vmem_shared>>
      tpu.wait_dma2 semaphore(%run_scoped3A_64 : memref<!tpu.dma_semaphore, #tpu.memory_space<semaphore_mem>>) src(%dma_wait3A_70 : memref<128x16xf32, #tpu.memory_space<vmem_shared>>) dst(%dma_wait3A_68 : memref<128x16xf32, #tpu.memory_space<hbm>>)
      tpu.yield
    }) : () -> ()
    %mul3A_50 = arith.constant 640 : i32
    %mul3A_51 = arith.muli %arg1, %mul3A_50 : i32
    %add3A_52 = arith.constant 384 : i32
    %add3A_53 = arith.addi %mul3A_51, %add3A_52 : i32
    %mul3A_54 = arith.constant 10240 : i32
    %mul3A_55 = arith.muli %arg0, %mul3A_54 : i32
    %add3A_56 = arith.addi %mul3A_55, %add3A_53 : i32
    "tpu.region"() ({
      %run_scoped3A_64 = tpu.sem_alloc : memref<!tpu.dma_semaphore, #tpu.memory_space<semaphore_mem>>
      %dma_start3A = arith.constant 0 : i32
      %dma_start3A_65 = tpu.memref_slice %arg5[%add3A_56, %dma_start3A] : memref<20480x16xf32, #tpu.memory_space<hbm>> -> memref<128x16xf32, #tpu.memory_space<hbm>>
      %dma_start3A_66 = arith.constant 0 : i32
      %dma_start3A_67 = tpu.memref_slice %arg9[%add3A_53, %dma_start3A_66] : memref<10240x16xf32, #tpu.memory_space<vmem_shared>> -> memref<128x16xf32, #tpu.memory_space<vmem_shared>>
      tpu.enqueue_dma source(%dma_start3A_67 : memref<128x16xf32, #tpu.memory_space<vmem_shared>>) target(%dma_start3A_65 : memref<128x16xf32, #tpu.memory_space<hbm>>) target_semaphore(%run_scoped3A_64 : memref<!tpu.dma_semaphore, #tpu.memory_space<semaphore_mem>>)
      %dma_wait3A = arith.constant 0 : i32
      %dma_wait3A_68 = tpu.memref_slice %arg5[%add3A_56, %dma_wait3A] : memref<20480x16xf32, #tpu.memory_space<hbm>> -> memref<128x16xf32, #tpu.memory_space<hbm>>
      %dma_wait3A_69 = arith.constant 0 : i32
      %dma_wait3A_70 = tpu.memref_slice %arg9[%add3A_53, %dma_wait3A_69] : memref<10240x16xf32, #tpu.memory_space<vmem_shared>> -> memref<128x16xf32, #tpu.memory_space<vmem_shared>>
      tpu.wait_dma2 semaphore(%run_scoped3A_64 : memref<!tpu.dma_semaphore, #tpu.memory_space<semaphore_mem>>) src(%dma_wait3A_70 : memref<128x16xf32, #tpu.memory_space<vmem_shared>>) dst(%dma_wait3A_68 : memref<128x16xf32, #tpu.memory_space<hbm>>)
      tpu.yield
    }) : () -> ()
    %mul3A_57 = arith.constant 640 : i32
    %mul3A_58 = arith.muli %arg1, %mul3A_57 : i32
    %add3A_59 = arith.constant 512 : i32
    %add3A_60 = arith.addi %mul3A_58, %add3A_59 : i32
    %mul3A_61 = arith.constant 10240 : i32
    %mul3A_62 = arith.muli %arg0, %mul3A_61 : i32
    %add3A_63 = arith.addi %mul3A_62, %add3A_60 : i32
    "tpu.region"() ({
      %run_scoped3A_64 = tpu.sem_alloc : memref<!tpu.dma_semaphore, #tpu.memory_space<semaphore_mem>>
      %dma_start3A = arith.constant 0 : i32
      %dma_start3A_65 = tpu.memref_slice %arg5[%add3A_63, %dma_start3A] : memref<20480x16xf32, #tpu.memory_space<hbm>> -> memref<128x16xf32, #tpu.memory_space<hbm>>
      %dma_start3A_66 = arith.constant 0 : i32
      %dma_start3A_67 = tpu.memref_slice %arg9[%add3A_60, %dma_start3A_66] : memref<10240x16xf32, #tpu.memory_space<vmem_shared>> -> memref<128x16xf32, #tpu.memory_space<vmem_shared>>
      tpu.enqueue_dma source(%dma_start3A_67 : memref<128x16xf32, #tpu.memory_space<vmem_shared>>) target(%dma_start3A_65 : memref<128x16xf32, #tpu.memory_space<hbm>>) target_semaphore(%run_scoped3A_64 : memref<!tpu.dma_semaphore, #tpu.memory_space<semaphore_mem>>)
      %dma_wait3A = arith.constant 0 : i32
      %dma_wait3A_68 = tpu.memref_slice %arg5[%add3A_63, %dma_wait3A] : memref<20480x16xf32, #tpu.memory_space<hbm>> -> memref<128x16xf32, #tpu.memory_space<hbm>>
      %dma_wait3A_69 = arith.constant 0 : i32
      %dma_wait3A_70 = tpu.memref_slice %arg9[%add3A_60, %dma_wait3A_69] : memref<10240x16xf32, #tpu.memory_space<vmem_shared>> -> memref<128x16xf32, #tpu.memory_space<vmem_shared>>
      tpu.wait_dma2 semaphore(%run_scoped3A_64 : memref<!tpu.dma_semaphore, #tpu.memory_space<semaphore_mem>>) src(%dma_wait3A_70 : memref<128x16xf32, #tpu.memory_space<vmem_shared>>) dst(%dma_wait3A_68 : memref<128x16xf32, #tpu.memory_space<hbm>>)
      tpu.yield
    }) : () -> ()
    return
  }
}

module attributes {stable_mosaic.version = 14 : i64} {
  func.func @_conv_body(%arg0: i32, %arg1: memref<1024x128xf32, #tpu.memory_space<vmem>>, %arg2: memref<128x16xf32, #tpu.memory_space<vmem>>, %arg3: memref<1x16xf32, #tpu.memory_space<vmem>>, %arg4: memref<1024x16xf32, #tpu.memory_space<vmem>>) attributes {dimension_semantics = [#tpu.dimension_semantics<arbitrary>], iteration_bounds = array<i64: 10>, scalar_prefetch = 0 : i64, scratch_operands = 0 : i64, tpu.core_type = #tpu.core_type<tc>, window_params = [{transform_indices = @transform_0, window_bounds = array<i64: 1024, 128>}, {pipeline_mode = #tpu.pipeline_mode<synchronous>, transform_indices = @transform_1, window_bounds = array<i64: 128, 16>}, {pipeline_mode = #tpu.pipeline_mode<synchronous>, transform_indices = @transform_2, window_bounds = array<i64: 1, 16>}, {transform_indices = @transform_3, window_bounds = array<i64: 1024, 16>}]} {
    %get3A = arith.constant 0 : index
    %get3A_0 = arith.constant 0 : index
    %get3A_1 = vector.load %arg1[%get3A, %get3A_0] : memref<1024x128xf32, #tpu.memory_space<vmem>>, vector<1024x128xf32>
    %get3A_2 = arith.constant 0 : index
    %get3A_3 = arith.constant 0 : index
    %get3A_4 = vector.load %arg2[%get3A_2, %get3A_3] : memref<128x16xf32, #tpu.memory_space<vmem>>, vector<128x16xf32>
    %dot_general3A = arith.constant dense<0.000000e+00> : vector<1024x16xf32>
    %dot_general3A_5 = tpu.matmul %get3A_1, %get3A_4, %dot_general3A {dimension_numbers = #tpu.dot_dimension_numbers<[1], [0], [0], [1], [0, 0, 1, 1], [], []>, transpose_lhs_hint = false} : vector<1024x128xf32>, vector<128x16xf32>, vector<1024x16xf32> -> vector<1024x16xf32>
    %get3A_6 = arith.constant 0 : index
    %get3A_7 = arith.constant 0 : index
    %get3A_8 = vector.load %arg3[%get3A_6, %get3A_7] : memref<1x16xf32, #tpu.memory_space<vmem>>, vector<1x16xf32>
    %add3A = vector.broadcast %get3A_8 : vector<1x16xf32> to vector<1024x16xf32>
    %add3A_9 = arith.addf %dot_general3A_5, %add3A : vector<1024x16xf32>
    %max3A = arith.constant 0.000000e+00 : f32
    %max3A_10 = vector.broadcast %max3A : f32 to vector<1024x16xf32>
    %max3A_11 = arith.maximumf %add3A_9, %max3A_10 : vector<1024x16xf32>
    %iota3A = tpu.iota {dimensions = array<i32: 1>} : vector<1024x16xi32>
    %eq3A = arith.constant 15 : i32
    %eq3A_12 = vector.broadcast %eq3A : i32 to vector<1024x16xi32>
    %eq3A_13 = arith.cmpi eq, %iota3A, %eq3A_12 : vector<1024x16xi32>
    %jit3A = arith.constant 1.000000e+00 : f32
    %broadcast_in_dim3A = vector.broadcast %jit3A : f32 to vector<1024x16xf32>
    %select_n3A = arith.select %eq3A_13, %broadcast_in_dim3A, %max3A_11 : vector<1024x16xi1>, vector<1024x16xf32>
    %iota3A_14 = tpu.iota {dimensions = array<i32: 0>} : vector<1024x16xi32>
    %mul3A = arith.constant 1024 : i32
    %mul3A_15 = arith.muli %arg0, %mul3A : i32
    %add3A_16 = vector.broadcast %mul3A_15 : i32 to vector<1024x16xi32>
    %add3A_17 = arith.addi %iota3A_14, %add3A_16 : vector<1024x16xi32>
    %lt3A = arith.constant 10000 : i32
    %lt3A_18 = vector.broadcast %lt3A : i32 to vector<1024x16xi32>
    %lt3A_19 = arith.cmpi slt, %add3A_17, %lt3A_18 : vector<1024x16xi32>
    %jit3A_20 = arith.constant 0.000000e+00 : f32
    %broadcast_in_dim3A_21 = vector.broadcast %jit3A_20 : f32 to vector<1024x16xf32>
    %select_n3A_22 = arith.select %lt3A_19, %select_n3A, %broadcast_in_dim3A_21 : vector<1024x16xi1>, vector<1024x16xf32>
    %swap3A = arith.constant 0 : index
    %swap3A_23 = arith.constant 0 : index
    %swap3A_24 = vector.load %arg4[%swap3A, %swap3A_23] : memref<1024x16xf32, #tpu.memory_space<vmem>>, vector<1024x16xf32>
    tpu.vector_store %arg4[%swap3A, %swap3A_23], %select_n3A_22 {strides = array<i32>} : memref<1024x16xf32, #tpu.memory_space<vmem>>, vector<1024x16xf32>,
    return
  }
  func.func @transform_0(%arg0: i32) -> (i32, i32) {
    %c0_i32 = arith.constant 0 : i32
    %c0_i32_0 = arith.constant 0 : i32
    return %arg0, %c0_i32 : i32, i32
  }
  func.func @transform_1(%arg0: i32) -> (i32, i32) {
    %c0_i32 = arith.constant 0 : i32
    %c0_i32_0 = arith.constant 0 : i32
    %c0_i32_1 = arith.constant 0 : i32
    return %c0_i32, %c0_i32_0 : i32, i32
  }
  func.func @transform_2(%arg0: i32) -> (i32, i32) {
    %c0_i32 = arith.constant 0 : i32
    %c0_i32_0 = arith.constant 0 : i32
    %c0_i32_1 = arith.constant 0 : i32
    return %c0_i32, %c0_i32_0 : i32, i32
  }
  func.func @transform_3(%arg0: i32) -> (i32, i32) {
    %c0_i32 = arith.constant 0 : i32
    %c0_i32_0 = arith.constant 0 : i32
    return %arg0, %c0_i32 : i32, i32
  }
}

module attributes {stable_mosaic.version = 14 : i64} {
  func.func @_mid_body(%arg0: i32, %arg1: memref<1024x16xf32, #tpu.memory_space<vmem>>, %arg2: memref<2x1024x16xf32, #tpu.memory_space<vmem>>, %arg3: memref<16x128xf32, #tpu.memory_space<vmem>>, %arg4: memref<16x128xf32, #tpu.memory_space<vmem>>, %arg5: memref<1x128xf32, #tpu.memory_space<vmem>>, %arg6: memref<128x64xf32, #tpu.memory_space<vmem>>, %arg7: memref<128x64xf32, #tpu.memory_space<vmem>>, %arg8: memref<1024x64xf32, #tpu.memory_space<vmem>>, %arg9: memref<1024x64xf32, #tpu.memory_space<vmem>>, %arg10: memref<1024x1xf32, #tpu.memory_space<vmem>>) attributes {dimension_semantics = [#tpu.dimension_semantics<arbitrary>], iteration_bounds = array<i64: 10>, scalar_prefetch = 0 : i64, scratch_operands = 0 : i64, tpu.core_type = #tpu.core_type<tc>, window_params = [{transform_indices = @transform_0, window_bounds = array<i64: 1024, 16>}, {transform_indices = @transform_1, window_bounds = array<i64: 2, 1024, 16>}, {pipeline_mode = #tpu.pipeline_mode<synchronous>, transform_indices = @transform_2, window_bounds = array<i64: 16, 128>}, {pipeline_mode = #tpu.pipeline_mode<synchronous>, transform_indices = @transform_3, window_bounds = array<i64: 16, 128>}, {pipeline_mode = #tpu.pipeline_mode<synchronous>, transform_indices = @transform_4, window_bounds = array<i64: 1, 128>}, {pipeline_mode = #tpu.pipeline_mode<synchronous>, transform_indices = @transform_5, window_bounds = array<i64: 128, 64>}, {pipeline_mode = #tpu.pipeline_mode<synchronous>, transform_indices = @transform_6, window_bounds = array<i64: 128, 64>}, {transform_indices = @transform_7, window_bounds = array<i64: 1024, 64>}, {transform_indices = @transform_8, window_bounds = array<i64: 1024, 64>}, {transform_indices = @transform_9, window_bounds = array<i64: 1024, 1>}]} {
    %get3A = arith.constant 0 : index
    %get3A_0 = arith.constant 0 : index
    %get3A_1 = arith.constant 0 : index
    %get3A_2 = vector.load %arg2[%get3A, %get3A_0, %get3A_1] : memref<2x1024x16xf32, #tpu.memory_space<vmem>>, vector<1x1024x16xf32>
    %get3A_3 = vector.shape_cast %get3A_2 : vector<1x1024x16xf32> to vector<1024x16xf32>
    %get3A_4 = arith.constant 1 : index
    %get3A_5 = arith.constant 0 : index
    %get3A_6 = arith.constant 0 : index
    %get3A_7 = vector.load %arg2[%get3A_4, %get3A_5, %get3A_6] : memref<2x1024x16xf32, #tpu.memory_space<vmem>>, vector<1x1024x16xf32>
    %get3A_8 = vector.shape_cast %get3A_7 : vector<1x1024x16xf32> to vector<1024x16xf32>
    %add3A = arith.addf %get3A_3, %get3A_8 : vector<1024x16xf32>
    %slice3A = vector.extract_strided_slice %add3A {offsets = [0, 15], sizes = [1024, 1], strides = [1, 1]} : vector<1024x16xf32> to vector<1024x1xf32>
    %max3A = arith.constant 1.000000e+00 : f32
    %max3A_9 = vector.broadcast %max3A : f32 to vector<1024x1xf32>
    %max3A_10 = arith.maximumf %slice3A, %max3A_9 : vector<1024x1xf32>
    %div3A = vector.broadcast %max3A_10 : vector<1024x1xf32> to vector<1024x16xf32>
    %div3A_11 = arith.divf %add3A, %div3A : vector<1024x16xf32>
    %get3A_12 = arith.constant 0 : index
    %get3A_13 = arith.constant 0 : index
    %get3A_14 = vector.load %arg1[%get3A_12, %get3A_13] : memref<1024x16xf32, #tpu.memory_space<vmem>>, vector<1024x16xf32>
    %get3A_15 = arith.constant 0 : index
    %get3A_16 = arith.constant 0 : index
    %get3A_17 = vector.load %arg3[%get3A_15, %get3A_16] : memref<16x128xf32, #tpu.memory_space<vmem>>, vector<16x128xf32>
    %dot_general3A = arith.constant dense<0.000000e+00> : vector<1024x128xf32>
    %dot_general3A_18 = tpu.matmul %get3A_14, %get3A_17, %dot_general3A {dimension_numbers = #tpu.dot_dimension_numbers<[1], [0], [0], [1], [0, 0, 1, 1], [], []>, transpose_lhs_hint = false} : vector<1024x16xf32>, vector<16x128xf32>, vector<1024x128xf32> -> vector<1024x128xf32>
    %get3A_19 = arith.constant 0 : index
    %get3A_20 = arith.constant 0 : index
    %get3A_21 = vector.load %arg4[%get3A_19, %get3A_20] : memref<16x128xf32, #tpu.memory_space<vmem>>, vector<16x128xf32>
    %dot_general3A_22 = arith.constant dense<0.000000e+00> : vector<1024x128xf32>
    %dot_general3A_23 = tpu.matmul %div3A_11, %get3A_21, %dot_general3A_22 {dimension_numbers = #tpu.dot_dimension_numbers<[1], [0], [0], [1], [0, 0, 1, 1], [], []>, transpose_lhs_hint = false} : vector<1024x16xf32>, vector<16x128xf32>, vector<1024x128xf32> -> vector<1024x128xf32>
    %add3A_24 = arith.addf %dot_general3A_18, %dot_general3A_23 : vector<1024x128xf32>
    %get3A_25 = arith.constant 0 : index
    %get3A_26 = arith.constant 0 : index
    %get3A_27 = vector.load %arg5[%get3A_25, %get3A_26] : memref<1x128xf32, #tpu.memory_space<vmem>>, vector<1x128xf32>
    %add3A_28 = vector.broadcast %get3A_27 : vector<1x128xf32> to vector<1024x128xf32>
    %add3A_29 = arith.addf %add3A_24, %add3A_28 : vector<1024x128xf32>
    %max3A_30 = arith.constant 0.000000e+00 : f32
    %max3A_31 = vector.broadcast %max3A_30 : f32 to vector<1024x128xf32>
    %max3A_32 = arith.maximumf %add3A_29, %max3A_31 : vector<1024x128xf32>
    %iota3A = tpu.iota {dimensions = array<i32: 0>} : vector<1024x64xi32>
    %mul3A = arith.constant 1024 : i32
    %mul3A_33 = arith.muli %arg0, %mul3A : i32
    %add3A_34 = vector.broadcast %mul3A_33 : i32 to vector<1024x64xi32>
    %add3A_35 = arith.addi %iota3A, %add3A_34 : vector<1024x64xi32>
    %lt3A = arith.constant 10000 : i32
    %lt3A_36 = vector.broadcast %lt3A : i32 to vector<1024x64xi32>
    %lt3A_37 = arith.cmpi slt, %add3A_35, %lt3A_36 : vector<1024x64xi32>
    %get3A_38 = arith.constant 0 : index
    %get3A_39 = arith.constant 0 : index
    %get3A_40 = vector.load %arg7[%get3A_38, %get3A_39] : memref<128x64xf32, #tpu.memory_space<vmem>>, vector<128x64xf32>
    %dot_general3A_41 = arith.constant dense<0.000000e+00> : vector<1024x64xf32>
    %dot_general3A_42 = tpu.matmul %max3A_32, %get3A_40, %dot_general3A_41 {dimension_numbers = #tpu.dot_dimension_numbers<[1], [0], [0], [1], [0, 0, 1, 1], [], []>, transpose_lhs_hint = false} : vector<1024x128xf32>, vector<128x64xf32>, vector<1024x64xf32> -> vector<1024x64xf32>
    %get3A_43 = arith.constant 0 : index
    %get3A_44 = arith.constant 0 : index
    %get3A_45 = vector.load %arg6[%get3A_43, %get3A_44] : memref<128x64xf32, #tpu.memory_space<vmem>>, vector<128x64xf32>
    %dot_general3A_46 = arith.constant dense<0.000000e+00> : vector<1024x64xf32>
    %dot_general3A_47 = tpu.matmul %max3A_32, %get3A_45, %dot_general3A_46 {dimension_numbers = #tpu.dot_dimension_numbers<[1], [0], [0], [1], [0, 0, 1, 1], [], []>, transpose_lhs_hint = false} : vector<1024x128xf32>, vector<128x64xf32>, vector<1024x64xf32> -> vector<1024x64xf32>
    %jit3A = arith.constant 0.000000e+00 : f32
    %broadcast_in_dim3A = vector.broadcast %jit3A : f32 to vector<1024x64xf32>
    %select_n3A = arith.select %lt3A_37, %dot_general3A_42, %broadcast_in_dim3A : vector<1024x64xi1>, vector<1024x64xf32>
    %swap3A = arith.constant 0 : index
    %swap3A_48 = arith.constant 0 : index
    %swap3A_49 = vector.load %arg8[%swap3A, %swap3A_48] : memref<1024x64xf32, #tpu.memory_space<vmem>>, vector<1024x64xf32>
    tpu.vector_store %arg8[%swap3A, %swap3A_48], %select_n3A {strides = array<i32>} : memref<1024x64xf32, #tpu.memory_space<vmem>>, vector<1024x64xf32>,
    %jit3A_50 = arith.constant 0.000000e+00 : f32
    %broadcast_in_dim3A_51 = vector.broadcast %jit3A_50 : f32 to vector<1024x64xf32>
    %select_n3A_52 = arith.select %lt3A_37, %dot_general3A_47, %broadcast_in_dim3A_51 : vector<1024x64xi1>, vector<1024x64xf32>
    %swap3A_53 = arith.constant 0 : index
    %swap3A_54 = arith.constant 0 : index
    %swap3A_55 = vector.load %arg9[%swap3A_53, %swap3A_54] : memref<1024x64xf32, #tpu.memory_space<vmem>>, vector<1024x64xf32>
    tpu.vector_store %arg9[%swap3A_53, %swap3A_54], %select_n3A_52 {strides = array<i32>} : memref<1024x64xf32, #tpu.memory_space<vmem>>, vector<1024x64xf32>,
    %swap3A_56 = arith.constant 0 : index
    %swap3A_57 = arith.constant 0 : index
    %swap3A_58 = vector.load %arg10[%swap3A_56, %swap3A_57] : memref<1024x1xf32, #tpu.memory_space<vmem>>, vector<1024x1xf32>
    tpu.vector_store %arg10[%swap3A_56, %swap3A_57], %max3A_10 {strides = array<i32>} : memref<1024x1xf32, #tpu.memory_space<vmem>>, vector<1024x1xf32>,
    return
  }
  func.func @transform_0(%arg0: i32) -> (i32, i32) {
    %c0_i32 = arith.constant 0 : i32
    %c0_i32_0 = arith.constant 0 : i32
    return %arg0, %c0_i32 : i32, i32
  }
  func.func @transform_1(%arg0: i32) -> (i32, i32, i32) {
    %c0_i32 = arith.constant 0 : i32
    %c0_i32_0 = arith.constant 0 : i32
    %c0_i32_1 = arith.constant 0 : i32
    return %c0_i32, %arg0, %c0_i32_0 : i32, i32, i32
  }
  func.func @transform_2(%arg0: i32) -> (i32, i32) {
    %c0_i32 = arith.constant 0 : i32
    %c0_i32_0 = arith.constant 0 : i32
    %c0_i32_1 = arith.constant 0 : i32
    return %c0_i32, %c0_i32_0 : i32, i32
  }
  func.func @transform_3(%arg0: i32) -> (i32, i32) {
    %c0_i32 = arith.constant 0 : i32
    %c0_i32_0 = arith.constant 0 : i32
    %c0_i32_1 = arith.constant 0 : i32
    return %c0_i32, %c0_i32_0 : i32, i32
  }
  func.func @transform_4(%arg0: i32) -> (i32, i32) {
    %c0_i32 = arith.constant 0 : i32
    %c0_i32_0 = arith.constant 0 : i32
    %c0_i32_1 = arith.constant 0 : i32
    return %c0_i32, %c0_i32_0 : i32, i32
  }
  func.func @transform_5(%arg0: i32) -> (i32, i32) {
    %c0_i32 = arith.constant 0 : i32
    %c0_i32_0 = arith.constant 0 : i32
    %c0_i32_1 = arith.constant 0 : i32
    return %c0_i32, %c0_i32_0 : i32, i32
  }
  func.func @transform_6(%arg0: i32) -> (i32, i32) {
    %c0_i32 = arith.constant 0 : i32
    %c0_i32_0 = arith.constant 0 : i32
    %c0_i32_1 = arith.constant 0 : i32
    return %c0_i32, %c0_i32_0 : i32, i32
  }
  func.func @transform_7(%arg0: i32) -> (i32, i32) {
    %c0_i32 = arith.constant 0 : i32
    %c0_i32_0 = arith.constant 0 : i32
    return %arg0, %c0_i32 : i32, i32
  }
  func.func @transform_8(%arg0: i32) -> (i32, i32) {
    %c0_i32 = arith.constant 0 : i32
    %c0_i32_0 = arith.constant 0 : i32
    return %arg0, %c0_i32 : i32, i32
  }
  func.func @transform_9(%arg0: i32) -> (i32, i32) {
    %c0_i32 = arith.constant 0 : i32
    %c0_i32_0 = arith.constant 0 : i32
    return %arg0, %c0_i32 : i32, i32
  }
}

module attributes {stable_mosaic.version = 14 : i64} {
  func.func @_final_body(%arg0: i32, %arg1: memref<1000x64xf32, #tpu.memory_space<vmem>>, %arg2: memref<2x1000x64xf32, #tpu.memory_space<vmem>>, %arg3: memref<1000x1xf32, #tpu.memory_space<vmem>>, %arg4: memref<1x64xf32, #tpu.memory_space<vmem>>, %arg5: memref<64x32xf32, #tpu.memory_space<vmem>>, %arg6: memref<1x32xf32, #tpu.memory_space<vmem>>, %arg7: memref<32x16xf32, #tpu.memory_space<vmem>>, %arg8: memref<1x16xf32, #tpu.memory_space<vmem>>, %arg9: memref<16x1xf32, #tpu.memory_space<vmem>>, %arg10: memref<1x1xf32, #tpu.memory_space<vmem>>, %arg11: memref<1x1xf32, #tpu.memory_space<vmem>>, %arg12: memref<1x64xf32, #tpu.memory_space<vmem>>) attributes {dimension_semantics = [#tpu.dimension_semantics<arbitrary>], iteration_bounds = array<i64: 10>, scalar_prefetch = 0 : i64, scratch_operands = 1 : i64, tpu.core_type = #tpu.core_type<tc>, window_params = [{transform_indices = @transform_0, window_bounds = array<i64: 1000, 64>}, {transform_indices = @transform_1, window_bounds = array<i64: 2, 1000, 64>}, {transform_indices = @transform_2, window_bounds = array<i64: 1000, 1>}, {pipeline_mode = #tpu.pipeline_mode<synchronous>, transform_indices = @transform_3, window_bounds = array<i64: 1, 64>}, {pipeline_mode = #tpu.pipeline_mode<synchronous>, transform_indices = @transform_4, window_bounds = array<i64: 64, 32>}, {pipeline_mode = #tpu.pipeline_mode<synchronous>, transform_indices = @transform_5, window_bounds = array<i64: 1, 32>}, {pipeline_mode = #tpu.pipeline_mode<synchronous>, transform_indices = @transform_6, window_bounds = array<i64: 32, 16>}, {pipeline_mode = #tpu.pipeline_mode<synchronous>, transform_indices = @transform_7, window_bounds = array<i64: 1, 16>}, {pipeline_mode = #tpu.pipeline_mode<synchronous>, transform_indices = @transform_8, window_bounds = array<i64: 16, 1>}, {pipeline_mode = #tpu.pipeline_mode<synchronous>, transform_indices = @transform_9, window_bounds = array<i64: 1, 1>}, {pipeline_mode = #tpu.pipeline_mode<synchronous>, transform_indices = @transform_10, window_bounds = array<i64: 1, 1>}]} {
    %get3A = arith.constant 0 : index
    %get3A_0 = arith.constant 0 : index
    %get3A_1 = arith.constant 0 : index
    %get3A_2 = vector.load %arg2[%get3A, %get3A_0, %get3A_1] : memref<2x1000x64xf32, #tpu.memory_space<vmem>>, vector<1x1000x64xf32>
    %get3A_3 = vector.shape_cast %get3A_2 : vector<1x1000x64xf32> to vector<1000x64xf32>
    %get3A_4 = arith.constant 1 : index
    %get3A_5 = arith.constant 0 : index
    %get3A_6 = arith.constant 0 : index
    %get3A_7 = vector.load %arg2[%get3A_4, %get3A_5, %get3A_6] : memref<2x1000x64xf32, #tpu.memory_space<vmem>>, vector<1x1000x64xf32>
    %get3A_8 = vector.shape_cast %get3A_7 : vector<1x1000x64xf32> to vector<1000x64xf32>
    %add3A = arith.addf %get3A_3, %get3A_8 : vector<1000x64xf32>
    %get3A_9 = arith.constant 0 : index
    %get3A_10 = arith.constant 0 : index
    %get3A_11 = vector.load %arg3[%get3A_9, %get3A_10] : memref<1000x1xf32, #tpu.memory_space<vmem>>, vector<1000x1xf32>
    %div3A = vector.broadcast %get3A_11 : vector<1000x1xf32> to vector<1000x64xf32>
    %div3A_12 = arith.divf %add3A, %div3A : vector<1000x64xf32>
    %get3A_13 = arith.constant 0 : index
    %get3A_14 = arith.constant 0 : index
    %get3A_15 = vector.load %arg1[%get3A_13, %get3A_14] : memref<1000x64xf32, #tpu.memory_space<vmem>>, vector<1000x64xf32>
    %add3A_16 = arith.addf %get3A_15, %div3A_12 : vector<1000x64xf32>
    %get3A_17 = arith.constant 0 : index
    %get3A_18 = arith.constant 0 : index
    %get3A_19 = vector.load %arg4[%get3A_17, %get3A_18] : memref<1x64xf32, #tpu.memory_space<vmem>>, vector<1x64xf32>
    %add3A_20 = vector.broadcast %get3A_19 : vector<1x64xf32> to vector<1000x64xf32>
    %add3A_21 = arith.addf %add3A_16, %add3A_20 : vector<1000x64xf32>
    %max3A = arith.constant 0.000000e+00 : f32
    %max3A_22 = vector.broadcast %max3A : f32 to vector<1000x64xf32>
    %max3A_23 = arith.maximumf %add3A_21, %max3A_22 : vector<1000x64xf32>
    %reduce_sum3A = arith.constant dense<0.000000e+00> : vector<64xf32>
    %reduce_sum3A_24 = vector.multi_reduction <add>, %max3A_23, %reduce_sum3A [0] : vector<1000x64xf32> to vector<64xf32>
    %broadcast_in_dim3A = vector.shape_cast %reduce_sum3A_24 : vector<64xf32> to vector<1x64xf32>
    %eq3A = arith.constant 0 : i32
    %eq3A_25 = arith.cmpi eq, %arg0, %eq3A : i32
    %convert_element_type3A = arith.extui %eq3A_25 : i1 to i32
    %cond3A = arith.constant 0 : i32
    %cond3A_26 = arith.cmpi ne, %convert_element_type3A, %cond3A : i32
    scf.if %cond3A_26 {
      %swap3A = arith.constant 0 : index
      %swap3A_36 = arith.constant 0 : index
      %swap3A_37 = vector.load %arg12[%swap3A, %swap3A_36] : memref<1x64xf32, #tpu.memory_space<vmem>>, vector<1x64xf32>
      tpu.vector_store %arg12[%swap3A, %swap3A_36], %broadcast_in_dim3A {strides = array<i32>} : memref<1x64xf32, #tpu.memory_space<vmem>>, vector<1x64xf32>,
    } else {
    }
    %gt3A = arith.constant 0 : i32
    %gt3A_27 = arith.cmpi sgt, %arg0, %gt3A : i32
    %convert_element_type3A_28 = arith.extui %gt3A_27 : i1 to i32
    %cond3A_29 = arith.constant 0 : i32
    %cond3A_30 = arith.cmpi ne, %convert_element_type3A_28, %cond3A_29 : i32
    scf.if %cond3A_30 {
      %get3A_36 = arith.constant 0 : index
      %get3A_37 = arith.constant 0 : index
      %get3A_38 = vector.load %arg12[%get3A_36, %get3A_37] : memref<1x64xf32, #tpu.memory_space<vmem>>, vector<1x64xf32>
      %add3A_39 = arith.addf %get3A_38, %broadcast_in_dim3A : vector<1x64xf32>
      %swap3A = arith.constant 0 : index
      %swap3A_40 = arith.constant 0 : index
      %swap3A_41 = vector.load %arg12[%swap3A, %swap3A_40] : memref<1x64xf32, #tpu.memory_space<vmem>>, vector<1x64xf32>
      tpu.vector_store %arg12[%swap3A, %swap3A_40], %add3A_39 {strides = array<i32>} : memref<1x64xf32, #tpu.memory_space<vmem>>, vector<1x64xf32>,
    } else {
    }
    %eq3A_31 = arith.constant 9 : i32
    %eq3A_32 = arith.cmpi eq, %arg0, %eq3A_31 : i32
    %convert_element_type3A_33 = arith.extui %eq3A_32 : i1 to i32
    %cond3A_34 = arith.constant 0 : i32
    %cond3A_35 = arith.cmpi ne, %convert_element_type3A_33, %cond3A_34 : i32
    scf.if %cond3A_35 {
      %get3A_36 = arith.constant 0 : index
      %get3A_37 = arith.constant 0 : index
      %get3A_38 = vector.load %arg12[%get3A_36, %get3A_37] : memref<1x64xf32, #tpu.memory_space<vmem>>, vector<1x64xf32>
      %mul3A = arith.constant 9.99999974E-5 : f32
      %mul3A_39 = vector.broadcast %mul3A : f32 to vector<1x64xf32>
      %mul3A_40 = arith.mulf %get3A_38, %mul3A_39 : vector<1x64xf32>
      %get3A_41 = arith.constant 0 : index
      %get3A_42 = arith.constant 0 : index
      %get3A_43 = vector.load %arg5[%get3A_41, %get3A_42] : memref<64x32xf32, #tpu.memory_space<vmem>>, vector<64x32xf32>
      %dot_general3A = arith.constant dense<0.000000e+00> : vector<1x32xf32>
      %dot_general3A_44 = tpu.matmul %mul3A_40, %get3A_43, %dot_general3A {dimension_numbers = #tpu.dot_dimension_numbers<[1], [0], [0], [1], [0, 0, 1, 1], [], []>, transpose_lhs_hint = false} : vector<1x64xf32>, vector<64x32xf32>, vector<1x32xf32> -> vector<1x32xf32>
      %get3A_45 = arith.constant 0 : index
      %get3A_46 = arith.constant 0 : index
      %get3A_47 = vector.load %arg6[%get3A_45, %get3A_46] : memref<1x32xf32, #tpu.memory_space<vmem>>, vector<1x32xf32>
      %add3A_48 = arith.addf %dot_general3A_44, %get3A_47 : vector<1x32xf32>
      %max3A_49 = arith.constant 0.000000e+00 : f32
      %max3A_50 = vector.broadcast %max3A_49 : f32 to vector<1x32xf32>
      %max3A_51 = arith.maximumf %add3A_48, %max3A_50 : vector<1x32xf32>
      %get3A_52 = arith.constant 0 : index
      %get3A_53 = arith.constant 0 : index
      %get3A_54 = vector.load %arg7[%get3A_52, %get3A_53] : memref<32x16xf32, #tpu.memory_space<vmem>>, vector<32x16xf32>
      %dot_general3A_55 = arith.constant dense<0.000000e+00> : vector<1x16xf32>
      %dot_general3A_56 = tpu.matmul %max3A_51, %get3A_54, %dot_general3A_55 {dimension_numbers = #tpu.dot_dimension_numbers<[1], [0], [0], [1], [0, 0, 1, 1], [], []>, transpose_lhs_hint = false} : vector<1x32xf32>, vector<32x16xf32>, vector<1x16xf32> -> vector<1x16xf32>
      %get3A_57 = arith.constant 0 : index
      %get3A_58 = arith.constant 0 : index
      %get3A_59 = vector.load %arg8[%get3A_57, %get3A_58] : memref<1x16xf32, #tpu.memory_space<vmem>>, vector<1x16xf32>
      %add3A_60 = arith.addf %dot_general3A_56, %get3A_59 : vector<1x16xf32>
      %max3A_61 = arith.constant 0.000000e+00 : f32
      %max3A_62 = vector.broadcast %max3A_61 : f32 to vector<1x16xf32>
      %max3A_63 = arith.maximumf %add3A_60, %max3A_62 : vector<1x16xf32>
      %get3A_64 = arith.constant 0 : index
      %get3A_65 = arith.constant 0 : index
      %get3A_66 = vector.load %arg9[%get3A_64, %get3A_65] : memref<16x1xf32, #tpu.memory_space<vmem>>, vector<16x1xf32>
      %dot_general3A_67 = arith.constant dense<0.000000e+00> : vector<1x1xf32>
      %dot_general3A_68 = tpu.matmul %max3A_63, %get3A_66, %dot_general3A_67 {dimension_numbers = #tpu.dot_dimension_numbers<[1], [0], [0], [1], [0, 0, 1, 1], [], []>, transpose_lhs_hint = false} : vector<1x16xf32>, vector<16x1xf32>, vector<1x1xf32> -> vector<1x1xf32>
      %get3A_69 = arith.constant 0 : index
      %get3A_70 = arith.constant 0 : index
      %get3A_71 = vector.load %arg10[%get3A_69, %get3A_70] : memref<1x1xf32, #tpu.memory_space<vmem>>, vector<1x1xf32>
      %add3A_72 = arith.addf %dot_general3A_68, %get3A_71 : vector<1x1xf32>
      %swap3A = arith.constant 0 : index
      %swap3A_73 = arith.constant 0 : index
      %swap3A_74 = vector.load %arg11[%swap3A, %swap3A_73] : memref<1x1xf32, #tpu.memory_space<vmem>>, vector<1x1xf32>
      tpu.vector_store %arg11[%swap3A, %swap3A_73], %add3A_72 {strides = array<i32>} : memref<1x1xf32, #tpu.memory_space<vmem>>, vector<1x1xf32>,
    } else {
    }
    return
  }
  func.func @transform_0(%arg0: i32) -> (i32, i32) {
    %c0_i32 = arith.constant 0 : i32
    %c0_i32_0 = arith.constant 0 : i32
    return %arg0, %c0_i32 : i32, i32
  }
  func.func @transform_1(%arg0: i32) -> (i32, i32, i32) {
    %c0_i32 = arith.constant 0 : i32
    %c0_i32_0 = arith.constant 0 : i32
    %c0_i32_1 = arith.constant 0 : i32
    return %c0_i32, %arg0, %c0_i32_0 : i32, i32, i32
  }
  func.func @transform_2(%arg0: i32) -> (i32, i32) {
    %c0_i32 = arith.constant 0 : i32
    %c0_i32_0 = arith.constant 0 : i32
    return %arg0, %c0_i32 : i32, i32
  }
  func.func @transform_3(%arg0: i32) -> (i32, i32) {
    %c0_i32 = arith.constant 0 : i32
    %c0_i32_0 = arith.constant 0 : i32
    %c0_i32_1 = arith.constant 0 : i32
    return %c0_i32, %c0_i32_0 : i32, i32
  }
  func.func @transform_4(%arg0: i32) -> (i32, i32) {
    %c0_i32 = arith.constant 0 : i32
    %c0_i32_0 = arith.constant 0 : i32
    %c0_i32_1 = arith.constant 0 : i32
    return %c0_i32, %c0_i32_0 : i32, i32
  }
  func.func @transform_5(%arg0: i32) -> (i32, i32) {
    %c0_i32 = arith.constant 0 : i32
    %c0_i32_0 = arith.constant 0 : i32
    %c0_i32_1 = arith.constant 0 : i32
    return %c0_i32, %c0_i32_0 : i32, i32
  }
  func.func @transform_6(%arg0: i32) -> (i32, i32) {
    %c0_i32 = arith.constant 0 : i32
    %c0_i32_0 = arith.constant 0 : i32
    %c0_i32_1 = arith.constant 0 : i32
    return %c0_i32, %c0_i32_0 : i32, i32
  }
  func.func @transform_7(%arg0: i32) -> (i32, i32) {
    %c0_i32 = arith.constant 0 : i32
    %c0_i32_0 = arith.constant 0 : i32
    %c0_i32_1 = arith.constant 0 : i32
    return %c0_i32, %c0_i32_0 : i32, i32
  }
  func.func @transform_8(%arg0: i32) -> (i32, i32) {
    %c0_i32 = arith.constant 0 : i32
    %c0_i32_0 = arith.constant 0 : i32
    %c0_i32_1 = arith.constant 0 : i32
    return %c0_i32, %c0_i32_0 : i32, i32
  }
  func.func @transform_9(%arg0: i32) -> (i32, i32) {
    %c0_i32 = arith.constant 0 : i32
    %c0_i32_0 = arith.constant 0 : i32
    %c0_i32_1 = arith.constant 0 : i32
    return %c0_i32, %c0_i32_0 : i32, i32
  }
  func.func @transform_10(%arg0: i32) -> (i32, i32) {
    %c0_i32 = arith.constant 0 : i32
    %c0_i32_0 = arith.constant 0 : i32
    %c0_i32_1 = arith.constant 0 : i32
    return %c0_i32, %c0_i32_0 : i32, i32
  }
}

</mosaic_0001>

<sc_bundles>
// kernel: kernel.10.cloned.1.call-start
scs
__scs_entry_jumppad:
0x0: {  	(pc) =	sbr.rel $0x88, $3  }
0x1: {  	(tag) =	ssettag $0x0;
	lr =	simm.s32 $0x1  }
0x2: {  	[smem:$0x3F91] =	sst lr;
	_ =	strace $0xD0000000  }
0x3: {  	_ = 	snop  }
0x4: {  	_ = 	snop  }
0x5: {  	_ = 	snop  }
0x6: {  	_ = 	snop  }
0x7: {  	_ = 	snop  }
__scs_overlays_trampoline_lowered:
0x8: {  	[smem:$0x3FA0] =	sst s0  }
0x9: {  	[smem:$0x3FA1] =	sst s1  }
0xa: {  	[smem:$0x3FA2] =	sst s2  }
0xb: {  	[smem:$0x3FA3] =	sst s3  }
0xc: {  	[smem:$0x3FA4] =	sst s4  }
0xd: {  	[smem:$0x3FA5] =	sst s5  }
0xe: {  	[smem:$0x3FA6] =	sst s6  }
0xf: {  	[smem:$0x3FA7] =	sst s7  }
0x10: {  	[smem:$0x3FA8] =	sst s8  }
0x11: {  	[smem:$0x3FA9] =	sst s9;
	s0 =	simm.s32 @!p0 $0x0  }
0x12: {  	s1 =	sld [smem:$0x3F8F];
	s0 =	simm.s32 @p0 $0x1  }
0x13: {  	[smem:$0x3FAA] =	sst s0;
	s0 =	simm.s32 @!p1 $0x0  }
0x14: {  	s2 =	sld [smem:$0x3F8E];
	s0 =	simm.s32 @p1 $0x1  }
0x15: {  	[smem:$0x3FAB] =	sst s0;
	s0 =	simm.s32 @!p2 $0x0  }
0x16: {  	s3 =	sld [smem:$0x3FDB];
	s0 =	simm.s32 @p2 $0x1  }
0x17: {  	s4 =	simm.s32 $0x1BF5;
	[smem:$0x3FAD] =	sst s0  }
0x18: {  	s0 =	sld [smem:$0x3F90];
	_ =	swait.ge [sflag:s4], $0x0  }
0x19: {  	s7 =	sld [smem:$0x3F91]  }
0x1a: {  	s8 =	sadd.s32 $0xFFFFE003, lr  }
0x1b: {  	s9 =	sadd.s32 $0xFFFFFEF7, lr;
	s5 =	simm.s32 $0xFFFFFFFF;
	p2 =	slt.u32 s8, $0xFFFFF086  }
0x1c: {  	p1 =	slt.u32 s9, $0xF7A;
	s5 =	simm.s32 @!p2 $0x0  }
0x1d: {  	s5 =	simm.s32 @p1 $0x1;
	p0 =	seq.s32 s7, s2  }
0x1e: {  	s7 =	smul.u32 @!p0 $0xF7A, s2;
	p2 =	seq.s32 @!p0 s5, $0x0  }
0x1f: {  	s9 =	smul.u32 $0xF7A, s1;
	s8 =	simm.s32 @!p0 $0x1BF5;
	p2 =	por !p2, p0  }
0x20: {  	[sflag:s8] =	ssyncset.s32 @!p0 $0xFFFFF086;
	s6 =	sadd.s32 @!p0 s3, s7;
	s7 =	simm.s32 @!p0 $0x108  }
0x21: {  	s3 =	sadd.s32 s3, s9;
	s6 =	sadd.s32 @!p0 $0x88, s6;
	s7 =	simm.s32 @p2 $0x1082  }
0x22: {  	[simem:s7], [sflag:s8] =	dma.local @!p0 [hbm:s6], $0xF7A  }
0x23: {  	s9 =	sor.u32 $0xD0000000, s2;
	s6 =	simm.s32 $0x108;
	_ =	swait.ge @!p0 [sflag:s8], $0x0  }
0x24: {  	s3 =	sadd.s32 $0x88, s3;
	s6 =	simm.s32 @!p1 $0x1082;
	[sflag:s4] =	ssyncset.s32 $0xFFFFF086  }
0x25: {  	[simem:s6], [sflag:s4] =	dma.local [hbm:s3], $0xF7A  }
0x26: {  	[smem:$0x3F91] =	sst s1;
	(tag) =	ssettag s2;
	_ =	strace s9  }
0x27: {  	s1 =	sld [smem:$0x3FA1]  }
0x28: {  	s2 =	sld [smem:$0x3FA2]  }
0x29: {  	s4 =	sld [smem:$0x3FA4]  }
0x2a: {  	p0 =	seq.s32 s5, $0x0;
	s5 =	sld [smem:$0x3FA5]  }
0x2b: {  	s6 =	sld [smem:$0x3FA6]  }
0x2c: {  	s7 =	sld [smem:$0x3FA7]  }
0x2d: {  	s3 =	simm.s32 $0x108;
	s8 =	sld [smem:$0x3FA8]  }
0x2e: {  	s3 =	simm.s32 @!p0 $0x1082;
	s9 =	sld [smem:$0x3FA9]  }
0x2f: {  	lr =	sadd.s32 s0, s3;
	s0 =	sld [smem:$0x3FA0]  }
0x30: {  	s3 =	sld [smem:$0x3FA3]  }
0x31: {  	[smem:$0x3FAC] =	sst s10  }
0x32: {  	s10 =	sld [smem:$0x3FAA];
	_ =	sdelay $0x3  }
0x33: {  	p0 =	seq.s32 s10, $0x1;
	s10 =	sld [smem:$0x3FAC];
	_ =	sdelay $0x3  }
0x34: {  	[smem:$0x3FAC] =	sst s10  }
0x35: {  	s10 =	sld [smem:$0x3FAB];
	_ =	sdelay $0x3  }
0x36: {  	p1 =	seq.s32 s10, $0x1;
	s10 =	sld [smem:$0x3FAC];
	_ =	sdelay $0x3  }
0x37: {  	[smem:$0x3FAC] =	sst s10  }
0x38: {  	s10 =	sld [smem:$0x3FAD]  }
0x39: {  	_ = 	snop;
	(pc) =	sbr.ind lr, $3  }
0x3a: {  	_ = 	snop  }
0x3b: {  	_ = 	snop  }
0x3c: {  	p2 =	seq.s32 s10, $0x1;
	s10 =	sld [smem:$0x3FAC]  }
0x3d: {  	_ =	shalt  }
0x3e: {  	_ =	shalt  }
0x3f: {  	_ =	shalt  }
0x40: {  	_ =	shalt  }
0x41: {  	_ =	shalt  }
0x42: {  	_ =	shalt  }
0x43: {  	_ =	shalt  }
0x44: {  	_ =	shalt  }
0x45: {  	_ =	shalt  }
0x46: {  	_ =	shalt  }
0x47: {  	_ =	shalt  }
0x48: {  	_ =	shalt  }
0x49: {  	_ =	shalt  }
0x4a: {  	_ =	shalt  }
0x4b: {  	_ =	shalt  }
0x4c: {  	_ =	shalt  }
0x4d: {  	_ =	shalt  }
0x4e: {  	_ =	shalt  }
0x4f: {  	_ =	shalt  }
0x50: {  	_ =	shalt  }
0x51: {  	_ =	shalt  }
0x52: {  	_ =	shalt  }
0x53: {  	_ =	shalt  }
0x54: {  	_ =	shalt  }
0x55: {  	_ =	shalt  }
0x56: {  	_ =	shalt  }
0x57: {  	_ =	shalt  }
0x58: {  	_ =	shalt  }
0x59: {  	_ =	shalt  }
0x5a: {  	_ =	shalt  }
0x5b: {  	_ =	shalt  }
0x5c: {  	_ =	shalt  }
0x5d: {  	_ =	shalt  }
0x5e: {  	_ =	shalt  }
0x5f: {  	_ =	shalt  }
0x60: {  	_ =	shalt  }
0x61: {  	_ =	shalt  }
0x62: {  	_ =	shalt  }
0x63: {  	_ =	shalt  }
0x64: {  	_ =	shalt  }
0x65: {  	_ =	shalt  }
0x66: {  	_ =	shalt  }
0x67: {  	_ =	shalt  }
0x68: {  	_ =	shalt  }
0x69: {  	_ =	shalt  }
0x6a: {  	_ =	shalt  }
0x6b: {  	_ =	shalt  }
0x6c: {  	_ =	shalt  }
0x6d: {  	_ =	shalt  }
0x6e: {  	_ =	shalt  }
0x6f: {  	_ =	shalt  }
0x70: {  	_ =	shalt  }
0x71: {  	_ =	shalt  }
0x72: {  	_ =	shalt  }
0x73: {  	_ =	shalt  }
0x74: {  	_ =	shalt  }
0x75: {  	_ =	shalt  }
0x76: {  	_ =	shalt  }
0x77: {  	_ =	shalt  }
0x78: {  	_ =	shalt  }
0x79: {  	_ =	shalt  }
0x7a: {  	_ =	shalt  }
0x7b: {  	_ =	shalt  }
0x7c: {  	_ =	shalt  }
0x7d: {  	_ =	shalt  }
0x7e: {  	_ =	shalt  }
0x7f: {  	_ =	shalt  }
0x80: {  	_ =	shalt  }
0x81: {  	_ =	shalt  }
0x82: {  	_ =	shalt  }
0x83: {  	_ =	shalt  }
0x84: {  	_ =	shalt  }
0x85: {  	_ =	shalt  }
0x86: {  	_ =	shalt  }
0x87: {  	_ =	shalt  }
.Lfunc_end0:
.L_simem_size_0:
called_computation.1_lowered:
.L_overlay_start_0:
0x88: {  	s2 =	sld [smem:$0x3FD9]  }
0x89: {  	s3 =	sld [smem:$0x3FFE];
	_ =	sdelay $0x1  }
0x8a: {  	s1 =	srdreg.scid  }
0x8b: {  	s0 =	sand.u32 $0x1, s1  }
0x8c: {  	s16 =	sshll.u32 s0, $0xA;
	s2 =	sadd.s32 s3, s2  }
0x8d: {  	s2 =	sadd.s32 s2, s16  }
0x8e: {  	[smem:$0x3FB8] =	sst s2  }
0x8f: {  	_ = 	snop  }
0x90: {  	(tm) =	ssettm $0x1  }
0x91: {  	s17 =	sld [smem:$0x3FFB];
	_ =	sdelay $0x3  }
0x92: {  	_ =	strace s17  }
0x93: {  	s2 =	sld [smem:$0x3FFC];
	_ =	sdelay $0x3  }
0x94: {  	_ =	strace s2  }
0x95: {  	s2 =	sld [smem:$0x3FFD];
	_ =	sdelay $0x3  }
0x96: {  	_ =	strace s2  }
0x97: {  	_ =	strace $0x8FFFFFFF  }
0x98: {  	s18 =	sld [smem:$0x3FDB];
	_ =	sdelay $0x1  }
0x99: {  	s19 =	simm.s32 $_scs_section_size  }
0x9a: {  	s4 =	simm.s32 $_size__tile_overlayer_lowered;
	s5 =	simm.s32 $_tile_overlayer_lowered  }
0x9b: {  	s22 =	simm.s32 $0x1BFF;
	s21 =	sshll.u32 s5, $0x1;
	s2 =	sadd.s32 s19, s18  }
0x9c: {  	s6 =	simm.s32 $0x0;
	s20 =	sshll.u32 s4, $0x1;
	s4 =	sadd.s32 s21, s2  }
0x9d: {  	[timem:s6], [sflag:s22] =	dma.local [hbm:s4], s20  }
0x9e: {  	_ =	swait.ge [sflag:s22], s20  }
0x9f: {  	s3 =	ssub.s32 $0x0, s20;
	[sflag:s22] =	ssyncset.done $0x0  }
0xa0: {  	[sflag:s22] =	ssyncadd.s32 s3;
	_ =	sdelay $0x1  }
0xa1: {  	s23 =	simm.s32 $0x1B8B  }
0xa2: {  	_ =	swait.ge [sflag:s23], $0x1  }
0xa3: {  	[sflag:s23] =	ssyncset.done $0x0  }
0xa4: {  	s25 =	simm.s32 $0x1B8E;
	s24 =	sld [smem:$0x3FFE];
	[sflag:s23] =	ssyncadd.s32 $0xFFFFFFFF  }
0xa5: {  	s26 =	simm.s32 $execute0_lowered;
	[smem:$0x3FD2] =	sst s25  }
0xa6: {  	s4 =	sshll.u32 s26, $0x1;
	_ =	strace $0x80000049;
	[dreg:$0x1] =	wrdreg $0xFFFFFFFF  }
0xa7: {  	s28 =	simm.s32 $_size_execute0_lowered;
	s2 =	sadd.s32 s2, s4;
	[dreg:$0x0] =	wrdreg $0x0  }
0xa8: {  	s4 =	sshll.u32 s28, $0x1;
	[dreg:$0x2] =	wrdreg s2  }
0xa9: {  	[dreg:$0x3] =	wrdreg s4  }
0xaa: {  	[dreg:$0x4] =	wrdreg $0xC0  }
0xab: {  	_ =	task [dreg:s6], $0x5FFFF  }
0xac: {  	[dreg:$0x1] =	wrdreg $0xFFFFFFFF  }
0xad: {  	[dreg:$0x0] =	wrdreg $0x60  }
0xae: {  	[dreg:$0x2] =	wrdreg s24  }
0xaf: {  	[dreg:$0x3] =	wrdreg $0x108000  }
0xb0: {  	[dreg:$0x4] =	wrdreg $0x9  }
0xb1: {  	_ =	task.clear_ibuf [dreg:s6], $0x5FFFF;
	_ =	strace $0x90000049  }
0xb2: {  	s29 =	simm.s32 $0x9;
	_ =	strace $0x8000004B  }
0xb3: {  	_ =	swait.ge [sflag:s29], $0x1  }
0xb4: {  	[sflag:s29] =	ssyncadd.s32 $0xFFFFFFFF  }
0xb5: {  	_ =	strace $0x9000004B  }
0xb6: {  	_ =	sfence  }
0xb7: {  	s30 =	sld [smem:$0x0];
	_ =	sdelay $0x2  }
0xb8: {  	s31 =	sshll.u32 s1, $0xD;
	s1 =	sshrl.u32 s1, $0x2  }
0xb9: {  	s3 =	sand.u32 $0x4000, s31;
	s1 =	sadd.s32 s1, s30  }
0xba: {  	s0 =	sor.u32 s3, s0;
	s1 =	sshll.u32 s1, $0x11  }
0xbb: {  	s0 =	sor.u32 s1, s0  }
0xbc: {  	s0 =	sadd.s32 $0x8F2B, s0  }
0xbd: {  	[sflag:s0] =	ssyncadd.remote.s32 $0x1  }
0xbe: {  	_ =	sfence.sel $0xFFFF  }
0xbf: {  	[dreg:$0x0] =	wrdreg $0xFFFFFFFF;
	(pc) =	sbr.abs _section_cstart, $3  }
0xc0: {  	[dreg:$0x1] =	wrdreg $0xFFFFFFFF  }
0xc1: {  	_ =	task.clear_ibuf [dreg:s6], $0x2FFFF;
	_ =	strace $0x9FFFFFFF  }
0xc2: {  	(tm) =	ssettm $0x7FFFFFFF  }
0xc3: {  	_ =	shalt  }
tec
execute0_lowered:
.L_overlay_start_1:
0x0: {  	(tag) =	ssettag $0x1  }
0x1: {  	s0 =	rddreg [dreg:$0x0]  }
0x2: {  	s1 =	rddreg [dreg:$0x1];
	s2 =	srdreg.scid  }
0x3: {  	s3 =	simm.s32 $0x0;
	s8 =	stileid.u32;
	s26 =	simm.s32 $0x100  }
0x4: {  	s28 =	simm.s32 $0xA800;
	s29 =	simm.s32 $0x300;
	s6 =	smul.u32 $0x2800, s8  }
0x5: {  	s30 =	simm.s32 $0xC800;
	s31 =	simm.s32 $0x380;
	s14 =	smul.u32 $0x280, s8  }
0x6: {  	s2 =	sand.u32 $0x1, s2;
	[smem:$0x7FF] =	sst s3;
	s8 =	smul.u32 $0x28000, s8  }
0x7: {  	s4 =	sadd.s32 $0x15800, s0;
	s5 =	smul.u32 $0x28000, s2;
	_ =	strace $0x8000004A  }
0x8: {  	s7 =	ssub.s32 $0x2, s2;
	s2 =	smul.u32 $0x2800, s2;
	[dreg:$0x5] =	wrdreg s26  }
0x9: {  	s26 =	simm.s32 $0x280;
	s9 =	sshrl.u32 s7, $0x1;
	s8 =	sshrl.u32 s8, $0x2  }
0xa: {  	s15 =	sadd.s32 $0x80, s14;
	s10 =	sadd.s32 $0x100, s14;
	s18 =	sadd.s32 $0x180, s14  }
0xb: {  	s11 =	sadd.s32 $0x200, s14;
	s5 =	sadd.s32 s6, s5;
	s7 =	ssub.s32 s7, s9  }
0xc: {  	s8 =	sadd.s32 s8, s1;
	s16 =	sshll.u32 s15, $0x6;
	s17 =	sshll.u32 s10, $0x6  }
0xd: {  	s12 =	sshll.u32 s18, $0x6;
	s13 =	sshll.u32 s11, $0x6;
	s6 =	sadd.s32 s14, s2  }
0xe: {  	s20 =	sadd.s32 s2, s15;
	s21 =	sadd.s32 s2, s10;
	s10 =	simm.s32 $0x480  }
0xf: {  	s14 =	simm.s32 $0x680;
	s15 =	simm.s32 $0x700;
	s5 =	sshrl.u32 s5, $0x3  }
0x10: {  	[dreg:$0x6] =	wrdreg s8;
	s8 =	sadd.s32 s16, s1;
	s12 =	sadd.s32 s12, s1  }
0x11: {  	s19 =	sadd.s32 s13, s1;
	s6 =	sshll.u32 s6, $0x3;
	s9 =	sshll.u32 s21, $0x3  }
0x12: {  	s25 =	smax.u32 s7, $0x1;
	s16 =	simm.s32 $0x800;
	[dreg:$0x7] =	wrdreg s8  }
0x13: {  	s21 =	simm.s32 $0x4800;
	s13 =	simm.s32 $0x600;
	[dreg:$0x9] =	wrdreg s12  }
0x14: {  	s7 =	simm.s32 $0x0;
	s5 =	sadd.s32 s5, s0;
	[dreg:$0xa] =	wrdreg s19  }
0x15: {  	s0 =	sadd.s32 $0x29800, s0;
	s8 =	sadd.s32 s17, s1;
	[dreg:$0x10] =	wrdreg s25  }
0x16: {  	s17 =	simm.s32 $0x2;
	s19 =	simm.s32 $0x80;
	s25 =	simm.s32 $0x8800  }
0x17: {  	s12 =	simm.s32 $0x580;
	[dreg:$0x8] =	wrdreg s8;
	s6 =	sadd.s32 s0, s6  }
0x18: {  	s8 =	sadd.s32 s2, s18;
	s22 =	sadd.s32 s0, s9;
	s2 =	sadd.s32 s2, s11  }
0x19: {  	s24 =	sadd.s32 $0x1800, s5;
	s5 =	sadd.s32 $0xB800, s5;
	[dreg:$0xb] =	wrdreg s6  }
0x1a: {  	s18 =	simm.s32 $0x400;
	s11 =	simm.s32 $0x500;
	[dreg:$0xd] =	wrdreg s22  }
0x1b: {  	s6 =	sshll.u32 s20, $0x3;
	s23 =	sshll.u32 s8, $0x3;
	[dreg:$0x3] =	wrdreg s24  }
0x1c: {  	s2 =	sshll.u32 s2, $0x3;
	[dreg:$0x4] =	wrdreg s5;
	s20 =	simm.s32 $0x2800  }
0x1d: {  	s22 =	simm.s32 $0x180;
	s24 =	simm.s32 $0x200;
	s6 =	sadd.s32 s0, s6  }
0x1e: {  	s5 =	simm.s32 $0x780;
	[dreg:$0xc] =	wrdreg s6;
	s6 =	sadd.s32 s0, s23  }
0x1f: {  	s0 =	sadd.s32 s0, s2;
	s23 =	simm.s32 $0x6800;
	[dreg:$0xe] =	wrdreg s6  }
0x20: {  	v0 =	vimm.f32 $0.0e+00;
	s2 =	simm.s32 $0x1;
	[dreg:$0xf] =	wrdreg s0;
	s0 =	simm.s32 $0xE800  }
.LBB2_1:
0x21: {  	[dreg:$0x11] =	wrdreg s7;
	s8 =	simm.s32 $0x100;
	s7 =	simm.s32 $0x0  }
.LBB2_2:
0x22: {  	p0 =	sne.s32 s8, $0x7F00;
	[tilespmem:s7+$0x830] =	vst v0;
	s9 =	smov.u32 s8;
	s8 =	sadd.s32 $0x100, s8  }
.Ltmp0:
0x23: {  	[tilespmem:s7+$0x820] =	vst v0;
	(pc) =	sbr.rel @p0 .LBB2_2-.Ltmp0, $3  }
0x24: {  	[tilespmem:s7+$0x800] =	vst v0  }
0x25: {  	[tilespmem:s7+$0x810] =	vst v0;
	_ =	sdelay $0x1  }
0x26: {  	s7 =	sshra.s32 s9, $0x2  }
0x27: {  	[tilespmem:s7+$0x830] =	vst v0  }
0x28: {  	[tilespmem:s7+$0x820] =	vst v0  }
0x29: {  	[tilespmem:s7+$0x800] =	vst v0  }
0x2a: {  	[tilespmem:s7+$0x810] =	vst v0;
	s6 =	rddreg [dreg:$0x6]  }
0x2b: {  	[spmem:s6] =	stream.linear.scatter [tilespmem:s16], [sflag:$0x2], $0x2000, $0x38;
	[tilespmem:$0x1A800] =	vst v63  }
0x2c: {  	_ =	swait.ge [sflag:s17], $0x2000  }
0x2d: {  	[sflag:s17] =	ssyncset.done $0x0  }
0x2e: {  	s9 =	rddreg [dreg:$0x7];
	[sflag:s17] =	ssyncadd.s32 $0xFFFFE000  }
0x2f: {  	[spmem:s9] =	stream.linear.scatter [tilespmem:s16], [sflag:$0x2], $0x2000, $0x38;
	[tilespmem:$0x1A800] =	vst v63  }
0x30: {  	_ =	swait.ge [sflag:s17], $0x2000  }
0x31: {  	[sflag:s17] =	ssyncset.done $0x0  }
0x32: {  	s7 =	rddreg [dreg:$0x8];
	[sflag:s17] =	ssyncadd.s32 $0xFFFFE000  }
0x33: {  	[spmem:s7] =	stream.linear.scatter [tilespmem:s16], [sflag:$0x2], $0x2000, $0x38;
	[tilespmem:$0x1A800] =	vst v63  }
0x34: {  	_ =	swait.ge [sflag:s17], $0x2000  }
0x35: {  	[sflag:s17] =	ssyncset.done $0x0  }
0x36: {  	s8 =	rddreg [dreg:$0x9];
	[sflag:s17] =	ssyncadd.s32 $0xFFFFE000  }
0x37: {  	[spmem:s8] =	stream.linear.scatter [tilespmem:s16], [sflag:$0x2], $0x2000, $0x38;
	[tilespmem:$0x1A800] =	vst v63  }
0x38: {  	_ =	swait.ge [sflag:s17], $0x2000  }
0x39: {  	[sflag:s17] =	ssyncset.done $0x0  }
0x3a: {  	s9 =	rddreg [dreg:$0xa];
	[sflag:s17] =	ssyncadd.s32 $0xFFFFE000  }
0x3b: {  	[spmem:s9] =	stream.linear.scatter [tilespmem:s16], [sflag:$0x2], $0x2000, $0x38;
	[tilespmem:$0x1A800] =	vst v63  }
0x3c: {  	_ =	swait.ge [sflag:s17], $0x2000  }
0x3d: {  	[sflag:s17] =	ssyncset.done $0x0  }
0x3e: {  	[sflag:s17] =	ssyncadd.s32 $0xFFFFE000  }
0x3f: {  	[bflag:$0x0] =	sbarrier.arrive $0xFFFF  }
0x40: {  	s6 =	rddreg [dreg:$0x4]  }
0x41: {  	s7 =	sadd.s32 $0x0, s6  }
0x42: {  	[tilespmem:s3], [sflag:$0x2] =	stream.linear.gather [hbm4b:s7+s3], $0x400, $0x38;
	[tilespmem:$0x1A800] =	vst v63  }
0x43: {  	_ =	swait.ge [sflag:s17], $0x400  }
0x44: {  	s8 =	rddreg [dreg:$0x3];
	[sflag:s17] =	ssyncset.done $0x0  }
0x45: {  	[sflag:s17] =	ssyncadd.s32 $0xFFFFFC00;
	s7 =	sadd.s32 $0x0, s8  }
0x46: {  	[tilespmem:s18], [sflag:$0x2] =	stream.linear.gather [hbm4b:s7+s3], $0x400, $0x38;
	[tilespmem:$0x1A800] =	vst v63  }
0x47: {  	_ =	swait.ge [sflag:s17], $0x400  }
0x48: {  	[sflag:s17] =	ssyncset.done $0x0  }
0x49: {  	[sflag:s17] =	ssyncadd.s32 $0xFFFFFC00  }
0x4a: {  	[tilespmem:s16], [sflag:$0x1] =	stream.indirect.gather [hbm4b:s4+s19], $0x40, s3, s19, $0xb8;
	[tilespmem:$0x1A800] =	vst v63  }
0x4b: {  	_ = 	snop  }
0x4c: {  	[tilespmem:s20], [sflag:$0x1] =	stream.indirect.gather [hbm4b:s4+s19], $0x40, s19, s19, $0xb8;
	[tilespmem:$0x1A800] =	vst v63  }
0x4d: {  	s9 =	rddreg [dreg:$0x5]  }
0x4e: {  	[tilespmem:s21], [sflag:$0x1] =	stream.indirect.gather [hbm4b:s4+s19], $0x40, s9, s19, $0xb8;
	[tilespmem:$0x1A800] =	vst v63  }
0x4f: {  	_ = 	snop  }
0x50: {  	[tilespmem:s23], [sflag:$0x1] =	stream.indirect.gather [hbm4b:s4+s19], $0x40, s22, s19, $0xb8;
	[tilespmem:$0x1A800] =	vst v63  }
0x51: {  	_ = 	snop  }
0x52: {  	[tilespmem:s25], [sflag:$0x1] =	stream.indirect.gather [hbm4b:s4+s19], $0x40, s24, s19, $0xb8;
	[tilespmem:$0x1A800] =	vst v63  }
0x53: {  	_ = 	snop  }
0x54: {  	[tilespmem:s28], [sflag:$0x1] =	stream.indirect.gather [hbm4b:s4+s19], $0x40, s26, s19, $0xb8;
	[tilespmem:$0x1A800] =	vst v63  }
0x55: {  	_ = 	snop  }
0x56: {  	[tilespmem:s30], [sflag:$0x1] =	stream.indirect.gather [hbm4b:s4+s19], $0x40, s29, s19, $0xb8;
	[tilespmem:$0x1A800] =	vst v63  }
0x57: {  	_ = 	snop  }
0x58: {  	[tilespmem:s0], [sflag:$0x1] =	stream.indirect.gather [hbm4b:s4+s19], $0x40, s31, s19, $0xb8;
	[tilespmem:$0x1A800] =	vst v63  }
0x59: {  	_ =	swait.ge [sflag:s2], $0x2000  }
0x5a: {  	[sflag:s2] =	ssyncset.done $0x0  }
0x5b: {  	[sflag:s2] =	ssyncadd.s32 $0xFFFFE000  }
0x5c: {  	_ =	swait.ge [sflag:s2], $0x2000  }
0x5d: {  	[sflag:s2] =	ssyncset.done $0x0  }
0x5e: {  	[sflag:s2] =	ssyncadd.s32 $0xFFFFE000  }
0x5f: {  	_ =	swait.ge [sflag:s2], $0x2000  }
0x60: {  	[sflag:s2] =	ssyncset.done $0x0  }
0x61: {  	[sflag:s2] =	ssyncadd.s32 $0xFFFFE000  }
0x62: {  	_ =	swait.ge [sflag:s2], $0x2000  }
0x63: {  	[sflag:s2] =	ssyncset.done $0x0  }
0x64: {  	[sflag:s2] =	ssyncadd.s32 $0xFFFFE000  }
0x65: {  	_ =	swait.ge [sflag:s2], $0x2000  }
0x66: {  	[sflag:s2] =	ssyncset.done $0x0  }
0x67: {  	[sflag:s2] =	ssyncadd.s32 $0xFFFFE000  }
0x68: {  	_ =	swait.ge [sflag:s2], $0x2000  }
0x69: {  	[sflag:s2] =	ssyncset.done $0x0  }
0x6a: {  	[sflag:s2] =	ssyncadd.s32 $0xFFFFE000  }
0x6b: {  	_ =	swait.ge [sflag:s2], $0x2000  }
0x6c: {  	[sflag:s2] =	ssyncset.done $0x0  }
0x6d: {  	[sflag:s2] =	ssyncadd.s32 $0xFFFFE000  }
0x6e: {  	_ =	swait.ge [sflag:s2], $0x2000  }
0x6f: {  	[sflag:s2] =	ssyncset.done $0x0  }
0x70: {  	[sflag:s2] =	ssyncadd.s32 $0xFFFFE000  }
0x71: {  	[spmem:s1] =	stream.indirect.scatter.add.f32 [tilespmem:s16], [sflag:$0x2], $0x40, s18, s19, $0xb8;
	[tilespmem:$0x1A800] =	vst v63  }
0x72: {  	_ =	swait.ge [sflag:s17], $0x2000  }
0x73: {  	[sflag:s17] =	ssyncset.done $0x0  }
0x74: {  	[sflag:s17] =	ssyncadd.s32 $0xFFFFE000  }
0x75: {  	[spmem:s1] =	stream.indirect.scatter.add.f32 [tilespmem:s20], [sflag:$0x2], $0x40, s10, s19, $0xb8;
	[tilespmem:$0x1A800] =	vst v63  }
0x76: {  	_ =	swait.ge [sflag:s17], $0x2000  }
0x77: {  	[sflag:s17] =	ssyncset.done $0x0  }
0x78: {  	[sflag:s17] =	ssyncadd.s32 $0xFFFFE000  }
0x79: {  	[spmem:s1] =	stream.indirect.scatter.add.f32 [tilespmem:s21], [sflag:$0x2], $0x40, s11, s19, $0xb8;
	[tilespmem:$0x1A800] =	vst v63  }
0x7a: {  	_ =	swait.ge [sflag:s17], $0x2000  }
0x7b: {  	[sflag:s17] =	ssyncset.done $0x0  }
0x7c: {  	[sflag:s17] =	ssyncadd.s32 $0xFFFFE000  }
0x7d: {  	[spmem:s1] =	stream.indirect.scatter.add.f32 [tilespmem:s23], [sflag:$0x2], $0x40, s12, s19, $0xb8;
	[tilespmem:$0x1A800] =	vst v63  }
0x7e: {  	_ =	swait.ge [sflag:s17], $0x2000  }
0x7f: {  	[sflag:s17] =	ssyncset.done $0x0  }
0x80: {  	[sflag:s17] =	ssyncadd.s32 $0xFFFFE000  }
0x81: {  	[spmem:s1] =	stream.indirect.scatter.add.f32 [tilespmem:s25], [sflag:$0x2], $0x40, s13, s19, $0xb8;
	[tilespmem:$0x1A800] =	vst v63  }
0x82: {  	_ =	swait.ge [sflag:s17], $0x2000  }
0x83: {  	[sflag:s17] =	ssyncset.done $0x0  }
0x84: {  	[sflag:s17] =	ssyncadd.s32 $0xFFFFE000  }
0x85: {  	[spmem:s1] =	stream.indirect.scatter.add.f32 [tilespmem:s28], [sflag:$0x2], $0x40, s14, s19, $0xb8;
	[tilespmem:$0x1A800] =	vst v63  }
0x86: {  	_ =	swait.ge [sflag:s17], $0x2000  }
0x87: {  	[sflag:s17] =	ssyncset.done $0x0  }
0x88: {  	[sflag:s17] =	ssyncadd.s32 $0xFFFFE000  }
0x89: {  	[spmem:s1] =	stream.indirect.scatter.add.f32 [tilespmem:s30], [sflag:$0x2], $0x40, s15, s19, $0xb8;
	[tilespmem:$0x1A800] =	vst v63  }
0x8a: {  	_ =	swait.ge [sflag:s17], $0x2000  }
0x8b: {  	[sflag:s17] =	ssyncset.done $0x0  }
0x8c: {  	[sflag:s17] =	ssyncadd.s32 $0xFFFFE000  }
0x8d: {  	[spmem:s1] =	stream.indirect.scatter.add.f32 [tilespmem:s0], [sflag:$0x2], $0x40, s5, s19, $0xb8;
	[tilespmem:$0x1A800] =	vst v63  }
0x8e: {  	s8 =	simm.s32 $0x100;
	_ =	swait.ge [sflag:s17], $0x2000  }
0x8f: {  	s7 =	simm.s32 $0x80;
	s9 =	rddreg [dreg:$0x4];
	[sflag:s17] =	ssyncset.done $0x0  }
.LBB2_4:
0x90: {  	[sflag:s17] =	ssyncadd.s32 $0xFFFFE000;
	s9 =	sadd.s32 s7, s9  }
0x91: {  	[tilespmem:s3], [sflag:$0x2] =	stream.linear.gather [hbm4b:s9+s3], $0x400, $0x38;
	[tilespmem:$0x1A800] =	vst v63  }
0x92: {  	_ =	swait.ge [sflag:s17], $0x400  }
0x93: {  	s9 =	rddreg [dreg:$0x3];
	[sflag:s17] =	ssyncset.done $0x0  }
0x94: {  	[sflag:s17] =	ssyncadd.s32 $0xFFFFFC00;
	s9 =	sadd.s32 s7, s9  }
0x95: {  	[tilespmem:s18], [sflag:$0x2] =	stream.linear.gather [hbm4b:s9+s3], $0x400, $0x38;
	[tilespmem:$0x1A800] =	vst v63  }
0x96: {  	_ =	swait.ge [sflag:s17], $0x400  }
0x97: {  	[sflag:s17] =	ssyncset.done $0x0  }
0x98: {  	[sflag:s17] =	ssyncadd.s32 $0xFFFFFC00  }
0x99: {  	[tilespmem:s16], [sflag:$0x1] =	stream.indirect.gather [hbm4b:s4+s19], $0x40, s3, s19, $0xb8;
	[tilespmem:$0x1A800] =	vst v63  }
0x9a: {  	_ = 	snop  }
0x9b: {  	[tilespmem:s20], [sflag:$0x1] =	stream.indirect.gather [hbm4b:s4+s19], $0x40, s19, s19, $0xb8;
	[tilespmem:$0x1A800] =	vst v63  }
0x9c: {  	s9 =	rddreg [dreg:$0x5]  }
0x9d: {  	[tilespmem:s21], [sflag:$0x1] =	stream.indirect.gather [hbm4b:s4+s19], $0x40, s9, s19, $0xb8;
	[tilespmem:$0x1A800] =	vst v63  }
0x9e: {  	_ = 	snop  }
0x9f: {  	[tilespmem:s23], [sflag:$0x1] =	stream.indirect.gather [hbm4b:s4+s19], $0x40, s22, s19, $0xb8;
	[tilespmem:$0x1A800] =	vst v63  }
0xa0: {  	_ = 	snop  }
0xa1: {  	[tilespmem:s25], [sflag:$0x1] =	stream.indirect.gather [hbm4b:s4+s19], $0x40, s24, s19, $0xb8;
	[tilespmem:$0x1A800] =	vst v63  }
0xa2: {  	_ = 	snop  }
0xa3: {  	[tilespmem:s28], [sflag:$0x1] =	stream.indirect.gather [hbm4b:s4+s19], $0x40, s26, s19, $0xb8;
	[tilespmem:$0x1A800] =	vst v63  }
0xa4: {  	_ = 	snop  }
0xa5: {  	[tilespmem:s30], [sflag:$0x1] =	stream.indirect.gather [hbm4b:s4+s19], $0x40, s29, s19, $0xb8;
	[tilespmem:$0x1A800] =	vst v63  }
0xa6: {  	_ = 	snop  }
0xa7: {  	[tilespmem:s0], [sflag:$0x1] =	stream.indirect.gather [hbm4b:s4+s19], $0x40, s31, s19, $0xb8;
	[tilespmem:$0x1A800] =	vst v63  }
0xa8: {  	_ =	swait.ge [sflag:s2], $0x2000  }
0xa9: {  	[sflag:s2] =	ssyncset.done $0x0  }
0xaa: {  	[sflag:s2] =	ssyncadd.s32 $0xFFFFE000  }
0xab: {  	_ =	swait.ge [sflag:s2], $0x2000  }
0xac: {  	[sflag:s2] =	ssyncset.done $0x0  }
0xad: {  	[sflag:s2] =	ssyncadd.s32 $0xFFFFE000  }
0xae: {  	_ =	swait.ge [sflag:s2], $0x2000  }
0xaf: {  	[sflag:s2] =	ssyncset.done $0x0  }
0xb0: {  	[sflag:s2] =	ssyncadd.s32 $0xFFFFE000  }
0xb1: {  	_ =	swait.ge [sflag:s2], $0x2000  }
0xb2: {  	[sflag:s2] =	ssyncset.done $0x0  }
0xb3: {  	[sflag:s2] =	ssyncadd.s32 $0xFFFFE000  }
0xb4: {  	_ =	swait.ge [sflag:s2], $0x2000  }
0xb5: {  	[sflag:s2] =	ssyncset.done $0x0  }
0xb6: {  	[sflag:s2] =	ssyncadd.s32 $0xFFFFE000  }
0xb7: {  	_ =	swait.ge [sflag:s2], $0x2000  }
0xb8: {  	[sflag:s2] =	ssyncset.done $0x0  }
0xb9: {  	[sflag:s2] =	ssyncadd.s32 $0xFFFFE000  }
0xba: {  	_ =	swait.ge [sflag:s2], $0x2000  }
0xbb: {  	[sflag:s2] =	ssyncset.done $0x0  }
0xbc: {  	[sflag:s2] =	ssyncadd.s32 $0xFFFFE000  }
0xbd: {  	_ =	swait.ge [sflag:s2], $0x2000  }
0xbe: {  	[sflag:s2] =	ssyncset.done $0x0  }
0xbf: {  	[sflag:s2] =	ssyncadd.s32 $0xFFFFE000  }
0xc0: {  	[spmem:s1] =	stream.indirect.scatter.add.f32 [tilespmem:s16], [sflag:$0x2], $0x40, s18, s19, $0xb8;
	[tilespmem:$0x1A800] =	vst v63  }
0xc1: {  	_ =	swait.ge [sflag:s17], $0x2000  }
0xc2: {  	[sflag:s17] =	ssyncset.done $0x0  }
0xc3: {  	[sflag:s17] =	ssyncadd.s32 $0xFFFFE000  }
0xc4: {  	[spmem:s1] =	stream.indirect.scatter.add.f32 [tilespmem:s20], [sflag:$0x2], $0x40, s10, s19, $0xb8;
	[tilespmem:$0x1A800] =	vst v63  }
0xc5: {  	_ =	swait.ge [sflag:s17], $0x2000  }
0xc6: {  	[sflag:s17] =	ssyncset.done $0x0  }
0xc7: {  	[sflag:s17] =	ssyncadd.s32 $0xFFFFE000  }
0xc8: {  	[spmem:s1] =	stream.indirect.scatter.add.f32 [tilespmem:s21], [sflag:$0x2], $0x40, s11, s19, $0xb8;
	[tilespmem:$0x1A800] =	vst v63  }
0xc9: {  	_ =	swait.ge [sflag:s17], $0x2000  }
0xca: {  	[sflag:s17] =	ssyncset.done $0x0  }
0xcb: {  	[sflag:s17] =	ssyncadd.s32 $0xFFFFE000  }
0xcc: {  	[spmem:s1] =	stream.indirect.scatter.add.f32 [tilespmem:s23], [sflag:$0x2], $0x40, s12, s19, $0xb8;
	[tilespmem:$0x1A800] =	vst v63  }
0xcd: {  	_ =	swait.ge [sflag:s17], $0x2000  }
0xce: {  	[sflag:s17] =	ssyncset.done $0x0  }
0xcf: {  	[sflag:s17] =	ssyncadd.s32 $0xFFFFE000  }
0xd0: {  	[spmem:s1] =	stream.indirect.scatter.add.f32 [tilespmem:s25], [sflag:$0x2], $0x40, s13, s19, $0xb8;
	[tilespmem:$0x1A800] =	vst v63  }
0xd1: {  	_ =	swait.ge [sflag:s17], $0x2000  }
0xd2: {  	[sflag:s17] =	ssyncset.done $0x0  }
0xd3: {  	[sflag:s17] =	ssyncadd.s32 $0xFFFFE000  }
0xd4: {  	[spmem:s1] =	stream.indirect.scatter.add.f32 [tilespmem:s28], [sflag:$0x2], $0x40, s14, s19, $0xb8;
	[tilespmem:$0x1A800] =	vst v63  }
0xd5: {  	_ =	swait.ge [sflag:s17], $0x2000  }
0xd6: {  	[sflag:s17] =	ssyncset.done $0x0  }
0xd7: {  	[sflag:s17] =	ssyncadd.s32 $0xFFFFE000  }
0xd8: {  	[spmem:s1] =	stream.indirect.scatter.add.f32 [tilespmem:s30], [sflag:$0x2], $0x40, s15, s19, $0xb8;
	[tilespmem:$0x1A800] =	vst v63  }
0xd9: {  	p0 =	sne.s32 s8, $0x480;
	_ =	swait.ge [sflag:s17], $0x2000  }
.Ltmp1:
0xda: {  	[sflag:s17] =	ssyncset.done $0x0;
	(pc) =	sbr.rel @p0 .LBB2_4-.Ltmp1, $4  }
0xdb: {  	[sflag:s17] =	ssyncadd.s32 $0xFFFFE000  }
0xdc: {  	[spmem:s1] =	stream.indirect.scatter.add.f32 [tilespmem:s0], [sflag:$0x2], $0x40, s5, s19, $0xb8;
	[tilespmem:$0x1A800] =	vst v63  }
0xdd: {  	s6 =	smov.u32 s8;
	s8 =	sadd.s32 $0x80, s8;
	_ =	swait.ge [sflag:s17], $0x2000  }
0xde: {  	s7 =	smov.u32 s6;
	s9 =	rddreg [dreg:$0x4];
	[sflag:s17] =	ssyncset.done $0x0  }
0xdf: {  	[sflag:s17] =	ssyncadd.s32 $0xFFFFE000;
	s6 =	sadd.s32 s7, s9  }
0xe0: {  	[tilespmem:s3], [sflag:$0x2] =	stream.linear.gather [hbm4b:s6+s3], $0x400, $0x38;
	[tilespmem:$0x1A800] =	vst v63  }
0xe1: {  	_ =	swait.ge [sflag:s17], $0x400  }
0xe2: {  	s9 =	rddreg [dreg:$0x3];
	[sflag:s17] =	ssyncset.done $0x0  }
0xe3: {  	[sflag:s17] =	ssyncadd.s32 $0xFFFFFC00;
	s6 =	sadd.s32 s7, s9  }
0xe4: {  	[tilespmem:s18], [sflag:$0x2] =	stream.linear.gather [hbm4b:s6+s3], $0x400, $0x38;
	[tilespmem:$0x1A800] =	vst v63  }
0xe5: {  	_ =	swait.ge [sflag:s17], $0x400  }
0xe6: {  	[sflag:s17] =	ssyncset.done $0x0  }
0xe7: {  	[sflag:s17] =	ssyncadd.s32 $0xFFFFFC00  }
0xe8: {  	[tilespmem:s16], [sflag:$0x1] =	stream.indirect.gather [hbm4b:s4+s19], $0x40, s3, s19, $0xb8;
	[tilespmem:$0x1A800] =	vst v63  }
0xe9: {  	_ = 	snop  }
0xea: {  	[tilespmem:s20], [sflag:$0x1] =	stream.indirect.gather [hbm4b:s4+s19], $0x40, s19, s19, $0xb8;
	[tilespmem:$0x1A800] =	vst v63  }
0xeb: {  	s7 =	rddreg [dreg:$0x5]  }
0xec: {  	[tilespmem:s21], [sflag:$0x1] =	stream.indirect.gather [hbm4b:s4+s19], $0x40, s7, s19, $0xb8;
	[tilespmem:$0x1A800] =	vst v63  }
0xed: {  	_ = 	snop  }
0xee: {  	[tilespmem:s23], [sflag:$0x1] =	stream.indirect.gather [hbm4b:s4+s19], $0x40, s22, s19, $0xb8;
	[tilespmem:$0x1A800] =	vst v63  }
0xef: {  	_ = 	snop  }
0xf0: {  	[tilespmem:s25], [sflag:$0x1] =	stream.indirect.gather [hbm4b:s4+s19], $0x40, s24, s19, $0xb8;
	[tilespmem:$0x1A800] =	vst v63  }
0xf1: {  	_ = 	snop  }
0xf2: {  	[tilespmem:s28], [sflag:$0x1] =	stream.indirect.gather [hbm4b:s4+s19], $0x40, s26, s19, $0xb8;
	[tilespmem:$0x1A800] =	vst v63  }
0xf3: {  	_ = 	snop  }
0xf4: {  	[tilespmem:s30], [sflag:$0x1] =	stream.indirect.gather [hbm4b:s4+s19], $0x40, s29, s19, $0xb8;
	[tilespmem:$0x1A800] =	vst v63  }
0xf5: {  	_ = 	snop  }
0xf6: {  	[tilespmem:s0], [sflag:$0x1] =	stream.indirect.gather [hbm4b:s4+s19], $0x40, s31, s19, $0xb8;
	[tilespmem:$0x1A800] =	vst v63  }
0xf7: {  	_ =	swait.ge [sflag:s2], $0x2000  }
0xf8: {  	[sflag:s2] =	ssyncset.done $0x0  }
0xf9: {  	[sflag:s2] =	ssyncadd.s32 $0xFFFFE000  }
0xfa: {  	_ =	swait.ge [sflag:s2], $0x2000  }
0xfb: {  	[sflag:s2] =	ssyncset.done $0x0  }
0xfc: {  	[sflag:s2] =	ssyncadd.s32 $0xFFFFE000  }
0xfd: {  	_ =	swait.ge [sflag:s2], $0x2000  }
0xfe: {  	[sflag:s2] =	ssyncset.done $0x0  }
0xff: {  	[sflag:s2] =	ssyncadd.s32 $0xFFFFE000  }
0x100: {  	_ =	swait.ge [sflag:s2], $0x2000  }
0x101: {  	[sflag:s2] =	ssyncset.done $0x0  }
0x102: {  	[sflag:s2] =	ssyncadd.s32 $0xFFFFE000  }
0x103: {  	_ =	swait.ge [sflag:s2], $0x2000  }
0x104: {  	[sflag:s2] =	ssyncset.done $0x0  }
0x105: {  	[sflag:s2] =	ssyncadd.s32 $0xFFFFE000  }
0x106: {  	_ =	swait.ge [sflag:s2], $0x2000  }
0x107: {  	[sflag:s2] =	ssyncset.done $0x0  }
0x108: {  	[sflag:s2] =	ssyncadd.s32 $0xFFFFE000  }
0x109: {  	_ =	swait.ge [sflag:s2], $0x2000  }
0x10a: {  	[sflag:s2] =	ssyncset.done $0x0  }
0x10b: {  	[sflag:s2] =	ssyncadd.s32 $0xFFFFE000  }
0x10c: {  	_ =	swait.ge [sflag:s2], $0x2000  }
0x10d: {  	[sflag:s2] =	ssyncset.done $0x0  }
0x10e: {  	[sflag:s2] =	ssyncadd.s32 $0xFFFFE000  }
0x10f: {  	[spmem:s1] =	stream.indirect.scatter.add.f32 [tilespmem:s16], [sflag:$0x2], $0x40, s18, s19, $0xb8;
	[tilespmem:$0x1A800] =	vst v63  }
0x110: {  	_ =	swait.ge [sflag:s17], $0x2000  }
0x111: {  	[sflag:s17] =	ssyncset.done $0x0  }
0x112: {  	[sflag:s17] =	ssyncadd.s32 $0xFFFFE000  }
0x113: {  	[spmem:s1] =	stream.indirect.scatter.add.f32 [tilespmem:s20], [sflag:$0x2], $0x40, s10, s19, $0xb8;
	[tilespmem:$0x1A800] =	vst v63  }
0x114: {  	_ =	swait.ge [sflag:s17], $0x2000  }
0x115: {  	[sflag:s17] =	ssyncset.done $0x0  }
0x116: {  	[sflag:s17] =	ssyncadd.s32 $0xFFFFE000  }
0x117: {  	[spmem:s1] =	stream.indirect.scatter.add.f32 [tilespmem:s21], [sflag:$0x2], $0x40, s11, s19, $0xb8;
	[tilespmem:$0x1A800] =	vst v63  }
0x118: {  	_ =	swait.ge [sflag:s17], $0x2000  }
0x119: {  	[sflag:s17] =	ssyncset.done $0x0  }
0x11a: {  	[sflag:s17] =	ssyncadd.s32 $0xFFFFE000  }
0x11b: {  	[spmem:s1] =	stream.indirect.scatter.add.f32 [tilespmem:s23], [sflag:$0x2], $0x40, s12, s19, $0xb8;
	[tilespmem:$0x1A800] =	vst v63  }
0x11c: {  	_ =	swait.ge [sflag:s17], $0x2000  }
0x11d: {  	[sflag:s17] =	ssyncset.done $0x0  }
0x11e: {  	[sflag:s17] =	ssyncadd.s32 $0xFFFFE000  }
0x11f: {  	[spmem:s1] =	stream.indirect.scatter.add.f32 [tilespmem:s25], [sflag:$0x2], $0x40, s13, s19, $0xb8;
	[tilespmem:$0x1A800] =	vst v63  }
0x120: {  	_ =	swait.ge [sflag:s17], $0x2000  }
0x121: {  	[sflag:s17] =	ssyncset.done $0x0  }
0x122: {  	[sflag:s17] =	ssyncadd.s32 $0xFFFFE000  }
0x123: {  	[spmem:s1] =	stream.indirect.scatter.add.f32 [tilespmem:s28], [sflag:$0x2], $0x40, s14, s19, $0xb8;
	[tilespmem:$0x1A800] =	vst v63  }
0x124: {  	_ =	swait.ge [sflag:s17], $0x2000  }
0x125: {  	[sflag:s17] =	ssyncset.done $0x0  }
0x126: {  	[sflag:s17] =	ssyncadd.s32 $0xFFFFE000  }
0x127: {  	[spmem:s1] =	stream.indirect.scatter.add.f32 [tilespmem:s30], [sflag:$0x2], $0x40, s15, s19, $0xb8;
	[tilespmem:$0x1A800] =	vst v63  }
0x128: {  	_ =	swait.ge [sflag:s17], $0x2000  }
0x129: {  	[sflag:s17] =	ssyncset.done $0x0  }
0x12a: {  	[sflag:s17] =	ssyncadd.s32 $0xFFFFE000  }
0x12b: {  	[spmem:s1] =	stream.indirect.scatter.add.f32 [tilespmem:s0], [sflag:$0x2], $0x40, s5, s19, $0xb8;
	[tilespmem:$0x1A800] =	vst v63  }
0x12c: {  	_ =	swait.ge [sflag:s17], $0x2000  }
0x12d: {  	[sflag:s17] =	ssyncset.done $0x0  }
0x12e: {  	[sflag:s17] =	ssyncadd.s32 $0xFFFFE000  }
0x12f: {  	s8 =	stileid.u32;
	[bflag:$0x0] =	sbarrier.arrive $0xFFFF  }
0x130: {  	s6 =	sshll.u32 s8, $0x6;
	s9 =	rddreg [dreg:$0x6]  }
0x131: {  	s6 =	sor.u32 $0x1C02, s6;
	s8 =	rddreg [dreg:$0xb];
	s7 =	sshrl.u32 s9, $0x3  }
0x132: {  	[hbm:s8], [sflag:s6] =	dma.local [spmem:s7], $0x400  }
0x133: {  	_ =	swait.ge [sflag:s17], $0x400  }
0x134: {  	[sflag:s17] =	ssyncset.done $0x0;
	s8 =	rddreg [dreg:$0x7]  }
0x135: {  	s9 =	rddreg [dreg:$0xc];
	[sflag:s17] =	ssyncadd.s32 $0xFFFFFC00;
	s7 =	sshrl.u32 s8, $0x3  }
0x136: {  	[hbm:s9], [sflag:s6] =	dma.local [spmem:s7], $0x400  }
0x137: {  	_ =	swait.ge [sflag:s17], $0x400  }
0x138: {  	[sflag:s17] =	ssyncset.done $0x0;
	s8 =	rddreg [dreg:$0x8]  }
0x139: {  	s9 =	rddreg [dreg:$0xd];
	[sflag:s17] =	ssyncadd.s32 $0xFFFFFC00;
	s7 =	sshrl.u32 s8, $0x3  }
0x13a: {  	[hbm:s9], [sflag:s6] =	dma.local [spmem:s7], $0x400  }
0x13b: {  	_ =	swait.ge [sflag:s17], $0x400  }
0x13c: {  	[sflag:s17] =	ssyncset.done $0x0;
	s8 =	rddreg [dreg:$0x9]  }
0x13d: {  	s9 =	rddreg [dreg:$0xe];
	[sflag:s17] =	ssyncadd.s32 $0xFFFFFC00;
	s7 =	sshrl.u32 s8, $0x3  }
0x13e: {  	[hbm:s9], [sflag:s6] =	dma.local [spmem:s7], $0x400  }
0x13f: {  	_ =	swait.ge [sflag:s17], $0x400  }
0x140: {  	[sflag:s17] =	ssyncset.done $0x0;
	s8 =	rddreg [dreg:$0xa]  }
0x141: {  	s9 =	rddreg [dreg:$0xf];
	[sflag:s17] =	ssyncadd.s32 $0xFFFFFC00;
	s7 =	sshrl.u32 s8, $0x3  }
0x142: {  	[hbm:s9], [sflag:s6] =	dma.local [spmem:s7], $0x400  }
0x143: {  	_ =	swait.ge [sflag:s17], $0x400  }
0x144: {  	s8 =	rddreg [dreg:$0x11]  }
0x145: {  	s9 =	rddreg [dreg:$0x10];
	s7 =	sadd.s32 $0x1, s8  }
0x146: {  	p0 =	sne.s32 s7, s9  }
.Ltmp2:
0x147: {  	_ = 	snop;
	(pc) =	sbr.rel @p0 .LBB2_1-.Ltmp2, $3  }
0x148: {  	_ =	sdelay $0x1  }
0x149: {  	[sflag:s17] =	ssyncset.done $0x0  }
0x14a: {  	[sflag:s17] =	ssyncadd.s32 $0xFFFFFC00  }
0x14b: {  	_ =	sfence.sel $0x180000  }
0x14c: {  	[bflag:$0x0] =	sbarrier.arrive $0xFFFF  }
0x14d: {  	_ =	strace $0x9000004A  }
0x14e: {  	s0 =	stileid.u32;
	[bflag:$0x2] =	sbarrier.arrive $0xFFFF  }
0x14f: {  	p0 =	sne.s32 s0, $0x0;
	s0 =	rddreg [dreg:$0x2]  }
0x150: {  	s0 =	sadd.s32 @!p0 $0x100000, s0  }
0x151: {  	[sflag:s0] =	ssyncadd.tile.s32 @!p0 $0x1;
	_ =	shalt  }
.Lfunc_end2:
_tile_overlayer_lowered:
.L_overlay_start_2:
0x152: {  	(tag) =	ssettag $0x2  }
0x153: {  	s0 =	rddreg [dreg:$0x0];
	s2 =	stileid.u32  }
0x154: {  	s1 =	rddreg [dreg:$0x1];
	p0 =	sne.s32 s2, $0x0  }
0x155: {  	s3 =	rddreg [dreg:$0x2];
	[bflag:$0x3] =	sbarrier.arrive $0xFFFF;
	s2 =	simm.s32 @!p0 $0x1C02  }
0x156: {  	[timem:s3], [sflag:s2] =	dma.local @!p0 [hbm:s0], s1  }
0x157: {  	s0 =	simm.s32 @!p0 $0x2  }
0x158: {  	_ =	swait.ge @!p0 [sflag:s0], s1  }
0x159: {  	s1 =	ssub.s32 @!p0 $0x0, s1;
	[sflag:s0] =	ssyncset.done @!p0 $0x0  }
0x15a: {  	[sflag:s0] =	ssyncadd.s32 @!p0 s1  }
0x15b: {  	[bflag:$0x3] =	sbarrier.arrive $0xFFFF  }
0x15c: {  	_ =	shalt  }

// kernel: kernel.7.cloned.1.call-start
scs
__scs_entry_jumppad:
0x0: {  	(pc) =	sbr.rel $0x88, $3  }
0x1: {  	(tag) =	ssettag $0x0;
	lr =	simm.s32 $0x1  }
0x2: {  	[smem:$0x3F91] =	sst lr;
	_ =	strace $0xD0000000  }
0x3: {  	_ = 	snop  }
0x4: {  	_ = 	snop  }
0x5: {  	_ = 	snop  }
0x6: {  	_ = 	snop  }
0x7: {  	_ = 	snop  }
__scs_overlays_trampoline_lowered:
0x8: {  	[smem:$0x3FA0] =	sst s0  }
0x9: {  	[smem:$0x3FA1] =	sst s1  }
0xa: {  	[smem:$0x3FA2] =	sst s2  }
0xb: {  	[smem:$0x3FA3] =	sst s3  }
0xc: {  	[smem:$0x3FA4] =	sst s4  }
0xd: {  	[smem:$0x3FA5] =	sst s5  }
0xe: {  	[smem:$0x3FA6] =	sst s6  }
0xf: {  	[smem:$0x3FA7] =	sst s7  }
0x10: {  	[smem:$0x3FA8] =	sst s8  }
0x11: {  	[smem:$0x3FA9] =	sst s9;
	s0 =	simm.s32 @!p0 $0x0  }
0x12: {  	s1 =	sld [smem:$0x3F8F];
	s0 =	simm.s32 @p0 $0x1  }
0x13: {  	[smem:$0x3FAA] =	sst s0;
	s0 =	simm.s32 @!p1 $0x0  }
0x14: {  	s2 =	sld [smem:$0x3F8E];
	s0 =	simm.s32 @p1 $0x1  }
0x15: {  	[smem:$0x3FAB] =	sst s0;
	s0 =	simm.s32 @!p2 $0x0  }
0x16: {  	s3 =	sld [smem:$0x3FDB];
	s0 =	simm.s32 @p2 $0x1  }
0x17: {  	s4 =	simm.s32 $0x1BF5;
	[smem:$0x3FAD] =	sst s0  }
0x18: {  	s0 =	sld [smem:$0x3F90];
	_ =	swait.ge [sflag:s4], $0x0  }
0x19: {  	s7 =	sld [smem:$0x3F91]  }
0x1a: {  	s8 =	sadd.s32 $0xFFFFE003, lr  }
0x1b: {  	s9 =	sadd.s32 $0xFFFFFEF7, lr;
	s5 =	simm.s32 $0xFFFFFFFF;
	p2 =	slt.u32 s8, $0xFFFFF086  }
0x1c: {  	p1 =	slt.u32 s9, $0xF7A;
	s5 =	simm.s32 @!p2 $0x0  }
0x1d: {  	s5 =	simm.s32 @p1 $0x1;
	p0 =	seq.s32 s7, s2  }
0x1e: {  	s7 =	smul.u32 @!p0 $0xF7A, s2;
	p2 =	seq.s32 @!p0 s5, $0x0  }
0x1f: {  	s9 =	smul.u32 $0xF7A, s1;
	s8 =	simm.s32 @!p0 $0x1BF5;
	p2 =	por !p2, p0  }
0x20: {  	[sflag:s8] =	ssyncset.s32 @!p0 $0xFFFFF086;
	s6 =	sadd.s32 @!p0 s3, s7;
	s7 =	simm.s32 @!p0 $0x108  }
0x21: {  	s3 =	sadd.s32 s3, s9;
	s6 =	sadd.s32 @!p0 $0x88, s6;
	s7 =	simm.s32 @p2 $0x1082  }
0x22: {  	[simem:s7], [sflag:s8] =	dma.local @!p0 [hbm:s6], $0xF7A  }
0x23: {  	s9 =	sor.u32 $0xD0000000, s2;
	s6 =	simm.s32 $0x108;
	_ =	swait.ge @!p0 [sflag:s8], $0x0  }
0x24: {  	s3 =	sadd.s32 $0x88, s3;
	s6 =	simm.s32 @!p1 $0x1082;
	[sflag:s4] =	ssyncset.s32 $0xFFFFF086  }
0x25: {  	[simem:s6], [sflag:s4] =	dma.local [hbm:s3], $0xF7A  }
0x26: {  	[smem:$0x3F91] =	sst s1;
	(tag) =	ssettag s2;
	_ =	strace s9  }
0x27: {  	s1 =	sld [smem:$0x3FA1]  }
0x28: {  	s2 =	sld [smem:$0x3FA2]  }
0x29: {  	s4 =	sld [smem:$0x3FA4]  }
0x2a: {  	p0 =	seq.s32 s5, $0x0;
	s5 =	sld [smem:$0x3FA5]  }
0x2b: {  	s6 =	sld [smem:$0x3FA6]  }
0x2c: {  	s7 =	sld [smem:$0x3FA7]  }
0x2d: {  	s3 =	simm.s32 $0x108;
	s8 =	sld [smem:$0x3FA8]  }
0x2e: {  	s3 =	simm.s32 @!p0 $0x1082;
	s9 =	sld [smem:$0x3FA9]  }
0x2f: {  	lr =	sadd.s32 s0, s3;
	s0 =	sld [smem:$0x3FA0]  }
0x30: {  	s3 =	sld [smem:$0x3FA3]  }
0x31: {  	[smem:$0x3FAC] =	sst s10  }
0x32: {  	s10 =	sld [smem:$0x3FAA];
	_ =	sdelay $0x3  }
0x33: {  	p0 =	seq.s32 s10, $0x1;
	s10 =	sld [smem:$0x3FAC];
	_ =	sdelay $0x3  }
0x34: {  	[smem:$0x3FAC] =	sst s10  }
0x35: {  	s10 =	sld [smem:$0x3FAB];
	_ =	sdelay $0x3  }
0x36: {  	p1 =	seq.s32 s10, $0x1;
	s10 =	sld [smem:$0x3FAC];
	_ =	sdelay $0x3  }
0x37: {  	[smem:$0x3FAC] =	sst s10  }
0x38: {  	s10 =	sld [smem:$0x3FAD]  }
0x39: {  	_ = 	snop;
	(pc) =	sbr.ind lr, $3  }
0x3a: {  	_ = 	snop  }
0x3b: {  	_ = 	snop  }
0x3c: {  	p2 =	seq.s32 s10, $0x1;
	s10 =	sld [smem:$0x3FAC]  }
0x3d: {  	_ =	shalt  }
0x3e: {  	_ =	shalt  }
0x3f: {  	_ =	shalt  }
0x40: {  	_ =	shalt  }
0x41: {  	_ =	shalt  }
0x42: {  	_ =	shalt  }
0x43: {  	_ =	shalt  }
0x44: {  	_ =	shalt  }
0x45: {  	_ =	shalt  }
0x46: {  	_ =	shalt  }
0x47: {  	_ =	shalt  }
0x48: {  	_ =	shalt  }
0x49: {  	_ =	shalt  }
0x4a: {  	_ =	shalt  }
0x4b: {  	_ =	shalt  }
0x4c: {  	_ =	shalt  }
0x4d: {  	_ =	shalt  }
0x4e: {  	_ =	shalt  }
0x4f: {  	_ =	shalt  }
0x50: {  	_ =	shalt  }
0x51: {  	_ =	shalt  }
0x52: {  	_ =	shalt  }
0x53: {  	_ =	shalt  }
0x54: {  	_ =	shalt  }
0x55: {  	_ =	shalt  }
0x56: {  	_ =	shalt  }
0x57: {  	_ =	shalt  }
0x58: {  	_ =	shalt  }
0x59: {  	_ =	shalt  }
0x5a: {  	_ =	shalt  }
0x5b: {  	_ =	shalt  }
0x5c: {  	_ =	shalt  }
0x5d: {  	_ =	shalt  }
0x5e: {  	_ =	shalt  }
0x5f: {  	_ =	shalt  }
0x60: {  	_ =	shalt  }
0x61: {  	_ =	shalt  }
0x62: {  	_ =	shalt  }
0x63: {  	_ =	shalt  }
0x64: {  	_ =	shalt  }
0x65: {  	_ =	shalt  }
0x66: {  	_ =	shalt  }
0x67: {  	_ =	shalt  }
0x68: {  	_ =	shalt  }
0x69: {  	_ =	shalt  }
0x6a: {  	_ =	shalt  }
0x6b: {  	_ =	shalt  }
0x6c: {  	_ =	shalt  }
0x6d: {  	_ =	shalt  }
0x6e: {  	_ =	shalt  }
0x6f: {  	_ =	shalt  }
0x70: {  	_ =	shalt  }
0x71: {  	_ =	shalt  }
0x72: {  	_ =	shalt  }
0x73: {  	_ =	shalt  }
0x74: {  	_ =	shalt  }
0x75: {  	_ =	shalt  }
0x76: {  	_ =	shalt  }
0x77: {  	_ =	shalt  }
0x78: {  	_ =	shalt  }
0x79: {  	_ =	shalt  }
0x7a: {  	_ =	shalt  }
0x7b: {  	_ =	shalt  }
0x7c: {  	_ =	shalt  }
0x7d: {  	_ =	shalt  }
0x7e: {  	_ =	shalt  }
0x7f: {  	_ =	shalt  }
0x80: {  	_ =	shalt  }
0x81: {  	_ =	shalt  }
0x82: {  	_ =	shalt  }
0x83: {  	_ =	shalt  }
0x84: {  	_ =	shalt  }
0x85: {  	_ =	shalt  }
0x86: {  	_ =	shalt  }
0x87: {  	_ =	shalt  }
.Lfunc_end0:
.L_simem_size_0:
called_computation_lowered:
.L_overlay_start_0:
0x88: {  	s2 =	sld [smem:$0x3FD9]  }
0x89: {  	s3 =	sld [smem:$0x3FFE];
	_ =	sdelay $0x1  }
0x8a: {  	s1 =	srdreg.scid  }
0x8b: {  	s0 =	sand.u32 $0x1, s1  }
0x8c: {  	s16 =	sshll.u32 s0, $0xA;
	s2 =	sadd.s32 s3, s2  }
0x8d: {  	s2 =	sadd.s32 s2, s16  }
0x8e: {  	[smem:$0x3FB8] =	sst s2  }
0x8f: {  	_ = 	snop  }
0x90: {  	(tm) =	ssettm $0x1  }
0x91: {  	s17 =	sld [smem:$0x3FFB];
	_ =	sdelay $0x3  }
0x92: {  	_ =	strace s17  }
0x93: {  	s2 =	sld [smem:$0x3FFC];
	_ =	sdelay $0x3  }
0x94: {  	_ =	strace s2  }
0x95: {  	s2 =	sld [smem:$0x3FFD];
	_ =	sdelay $0x3  }
0x96: {  	_ =	strace s2  }
0x97: {  	_ =	strace $0x8FFFFFFF  }
0x98: {  	s18 =	sld [smem:$0x3FDB];
	_ =	sdelay $0x1  }
0x99: {  	s19 =	simm.s32 $_scs_section_size  }
0x9a: {  	s4 =	simm.s32 $_size__tile_overlayer_lowered;
	s5 =	simm.s32 $_tile_overlayer_lowered  }
0x9b: {  	s22 =	simm.s32 $0x1BFF;
	s21 =	sshll.u32 s5, $0x1;
	s2 =	sadd.s32 s19, s18  }
0x9c: {  	s6 =	simm.s32 $0x0;
	s20 =	sshll.u32 s4, $0x1;
	s4 =	sadd.s32 s21, s2  }
0x9d: {  	[timem:s6], [sflag:s22] =	dma.local [hbm:s4], s20  }
0x9e: {  	_ =	swait.ge [sflag:s22], s20  }
0x9f: {  	s3 =	ssub.s32 $0x0, s20;
	[sflag:s22] =	ssyncset.done $0x0  }
0xa0: {  	[sflag:s22] =	ssyncadd.s32 s3;
	_ =	sdelay $0x1  }
0xa1: {  	s23 =	simm.s32 $0x1B8B  }
0xa2: {  	_ =	swait.ge [sflag:s23], $0x1  }
0xa3: {  	[sflag:s23] =	ssyncset.done $0x0  }
0xa4: {  	s25 =	simm.s32 $0x1B8E;
	s24 =	sld [smem:$0x3FFE];
	[sflag:s23] =	ssyncadd.s32 $0xFFFFFFFF  }
0xa5: {  	s26 =	simm.s32 $execute0_lowered;
	[smem:$0x3FD2] =	sst s25  }
0xa6: {  	s4 =	sshll.u32 s26, $0x1;
	_ =	strace $0x80000046;
	[dreg:$0x1] =	wrdreg $0xFFFFFFFF  }
0xa7: {  	s28 =	simm.s32 $_size_execute0_lowered;
	s2 =	sadd.s32 s2, s4;
	[dreg:$0x0] =	wrdreg $0x0  }
0xa8: {  	s4 =	sshll.u32 s28, $0x1;
	[dreg:$0x2] =	wrdreg s2  }
0xa9: {  	[dreg:$0x3] =	wrdreg s4  }
0xaa: {  	[dreg:$0x4] =	wrdreg $0xC0  }
0xab: {  	_ =	task [dreg:s6], $0x5FFFF  }
0xac: {  	[dreg:$0x1] =	wrdreg $0xFFFFFFFF  }
0xad: {  	[dreg:$0x0] =	wrdreg $0x60  }
0xae: {  	[dreg:$0x2] =	wrdreg s24  }
0xaf: {  	[dreg:$0x3] =	wrdreg $0x48000  }
0xb0: {  	[dreg:$0x4] =	wrdreg $0x9  }
0xb1: {  	_ =	task.clear_ibuf [dreg:s6], $0x5FFFF;
	_ =	strace $0x90000046  }
0xb2: {  	s29 =	simm.s32 $0x9;
	_ =	strace $0x80000048  }
0xb3: {  	_ =	swait.ge [sflag:s29], $0x1  }
0xb4: {  	[sflag:s29] =	ssyncadd.s32 $0xFFFFFFFF  }
0xb5: {  	_ =	strace $0x90000048  }
0xb6: {  	_ =	sfence  }
0xb7: {  	s30 =	sld [smem:$0x0];
	_ =	sdelay $0x2  }
0xb8: {  	s31 =	sshll.u32 s1, $0xD;
	s1 =	sshrl.u32 s1, $0x2  }
0xb9: {  	s3 =	sand.u32 $0x4000, s31;
	s1 =	sadd.s32 s1, s30  }
0xba: {  	s0 =	sor.u32 s3, s0;
	s1 =	sshll.u32 s1, $0x11  }
0xbb: {  	s0 =	sor.u32 s1, s0  }
0xbc: {  	s0 =	sadd.s32 $0x8F2B, s0  }
0xbd: {  	[sflag:s0] =	ssyncadd.remote.s32 $0x1  }
0xbe: {  	_ =	sfence.sel $0xFFFF  }
0xbf: {  	[dreg:$0x0] =	wrdreg $0xFFFFFFFF;
	(pc) =	sbr.abs _section_cstart, $3  }
0xc0: {  	[dreg:$0x1] =	wrdreg $0xFFFFFFFF  }
0xc1: {  	_ =	task.clear_ibuf [dreg:s6], $0x2FFFF;
	_ =	strace $0x9FFFFFFF  }
0xc2: {  	(tm) =	ssettm $0x7FFFFFFF  }
0xc3: {  	_ =	shalt  }
tec
execute0_lowered:
.L_overlay_start_1:
0x0: {  	(tag) =	ssettag $0x1  }
0x1: {  	s0 =	rddreg [dreg:$0x0]  }
0x2: {  	s1 =	rddreg [dreg:$0x1];
	s2 =	srdreg.scid  }
0x3: {  	s3 =	simm.s32 $0x0;
	s8 =	stileid.u32;
	s26 =	simm.s32 $0x100  }
0x4: {  	s28 =	simm.s32 $0x3000;
	s29 =	simm.s32 $0x300;
	s6 =	smul.u32 $0x2800, s8  }
0x5: {  	s30 =	simm.s32 $0x3800;
	s31 =	simm.s32 $0x380;
	s14 =	smul.u32 $0x280, s8  }
0x6: {  	s2 =	sand.u32 $0x1, s2;
	[smem:$0x7FF] =	sst s3;
	s8 =	smul.u32 $0xA000, s8  }
0x7: {  	s4 =	sadd.s32 $0x15800, s0;
	s5 =	smul.u32 $0x28000, s2;
	_ =	strace $0x80000047  }
0x8: {  	s7 =	ssub.s32 $0x2, s2;
	s2 =	smul.u32 $0x2800, s2;
	[dreg:$0x5] =	wrdreg s26  }
0x9: {  	s26 =	simm.s32 $0x280;
	s9 =	sshrl.u32 s7, $0x1;
	s8 =	sshrl.u32 s8, $0x2  }
0xa: {  	s15 =	sadd.s32 $0x80, s14;
	s10 =	sadd.s32 $0x100, s14;
	s18 =	sadd.s32 $0x180, s14  }
0xb: {  	s11 =	sadd.s32 $0x200, s14;
	s5 =	sadd.s32 s6, s5;
	s7 =	ssub.s32 s7, s9  }
0xc: {  	s8 =	sadd.s32 s8, s1;
	s16 =	sshll.u32 s15, $0x4;
	s17 =	sshll.u32 s10, $0x4  }
0xd: {  	s12 =	sshll.u32 s18, $0x4;
	s13 =	sshll.u32 s11, $0x4;
	s6 =	sadd.s32 s14, s2  }
0xe: {  	s20 =	sadd.s32 s2, s15;
	s21 =	sadd.s32 s2, s10;
	s10 =	simm.s32 $0x480  }
0xf: {  	s14 =	simm.s32 $0x680;
	s15 =	simm.s32 $0x700;
	s5 =	sshrl.u32 s5, $0x3  }
0x10: {  	[dreg:$0x6] =	wrdreg s8;
	s8 =	sadd.s32 s16, s1;
	s12 =	sadd.s32 s12, s1  }
0x11: {  	s19 =	sadd.s32 s13, s1;
	s6 =	sshll.u32 s6, $0x1;
	s9 =	sshll.u32 s21, $0x1  }
0x12: {  	s25 =	smax.u32 s7, $0x1;
	s16 =	simm.s32 $0x800;
	[dreg:$0x7] =	wrdreg s8  }
0x13: {  	s21 =	simm.s32 $0x1800;
	s13 =	simm.s32 $0x600;
	[dreg:$0x9] =	wrdreg s12  }
0x14: {  	s7 =	simm.s32 $0x0;
	s5 =	sadd.s32 s5, s0;
	[dreg:$0xa] =	wrdreg s19  }
0x15: {  	s0 =	sadd.s32 $0x1A800, s0;
	s8 =	sadd.s32 s17, s1;
	[dreg:$0x10] =	wrdreg s25  }
0x16: {  	s17 =	simm.s32 $0x2;
	s19 =	simm.s32 $0x80;
	s25 =	simm.s32 $0x2800  }
0x17: {  	s12 =	simm.s32 $0x580;
	[dreg:$0x8] =	wrdreg s8;
	s6 =	sadd.s32 s0, s6  }
0x18: {  	s8 =	sadd.s32 s2, s18;
	s22 =	sadd.s32 s0, s9;
	s2 =	sadd.s32 s2, s11  }
0x19: {  	s24 =	sadd.s32 $0x1800, s5;
	s5 =	sadd.s32 $0xB800, s5;
	[dreg:$0xb] =	wrdreg s6  }
0x1a: {  	s18 =	simm.s32 $0x400;
	s11 =	simm.s32 $0x500;
	[dreg:$0xd] =	wrdreg s22  }
0x1b: {  	s6 =	sshll.u32 s20, $0x1;
	s23 =	sshll.u32 s8, $0x1;
	[dreg:$0x3] =	wrdreg s24  }
0x1c: {  	s2 =	sshll.u32 s2, $0x1;
	[dreg:$0x4] =	wrdreg s5;
	s20 =	simm.s32 $0x1000  }
0x1d: {  	s22 =	simm.s32 $0x180;
	s24 =	simm.s32 $0x200;
	s6 =	sadd.s32 s0, s6  }
0x1e: {  	s5 =	simm.s32 $0x780;
	[dreg:$0xc] =	wrdreg s6;
	s6 =	sadd.s32 s0, s23  }
0x1f: {  	s0 =	sadd.s32 s0, s2;
	s23 =	simm.s32 $0x2000;
	[dreg:$0xe] =	wrdreg s6  }
0x20: {  	v0 =	vimm.f32 $0.0e+00;
	s2 =	simm.s32 $0x1;
	[dreg:$0xf] =	wrdreg s0;
	s0 =	simm.s32 $0x4000  }
.LBB2_1:
0x21: {  	[dreg:$0x11] =	wrdreg s7;
	s7 =	simm.s32 $0x40;
	s8 =	simm.s32 $0x0  }
.LBB2_2:
0x22: {  	p0 =	sne.s32 s7, $0x1FC0;
	[tilespmem:s8+$0x800] =	vst v0;
	s8 =	smov.u32 s7;
	s7 =	sadd.s32 $0x40, s7  }
.Ltmp0:
0x23: {  	(pc) =	sbr.rel @p0 .LBB2_2-.Ltmp0, $2  }
0x24: {  	_ =	sdelay $0x2  }
0x25: {  	s8 =	sshra.s32 s8, $0x2  }
0x26: {  	[tilespmem:s8+$0x800] =	vst v0;
	s6 =	rddreg [dreg:$0x6]  }
0x27: {  	[spmem:s6] =	stream.linear.scatter [tilespmem:s16], [sflag:$0x2], $0x800, $0x38;
	[tilespmem:$0x7000] =	vst v63  }
0x28: {  	_ =	swait.ge [sflag:s17], $0x800  }
0x29: {  	[sflag:s17] =	ssyncset.done $0x0  }
0x2a: {  	s7 =	rddreg [dreg:$0x7];
	[sflag:s17] =	ssyncadd.s32 $0xFFFFF800  }
0x2b: {  	[spmem:s7] =	stream.linear.scatter [tilespmem:s16], [sflag:$0x2], $0x800, $0x38;
	[tilespmem:$0x7000] =	vst v63  }
0x2c: {  	_ =	swait.ge [sflag:s17], $0x800  }
0x2d: {  	[sflag:s17] =	ssyncset.done $0x0  }
0x2e: {  	s8 =	rddreg [dreg:$0x8];
	[sflag:s17] =	ssyncadd.s32 $0xFFFFF800  }
0x2f: {  	[spmem:s8] =	stream.linear.scatter [tilespmem:s16], [sflag:$0x2], $0x800, $0x38;
	[tilespmem:$0x7000] =	vst v63  }
0x30: {  	_ =	swait.ge [sflag:s17], $0x800  }
0x31: {  	[sflag:s17] =	ssyncset.done $0x0  }
0x32: {  	s9 =	rddreg [dreg:$0x9];
	[sflag:s17] =	ssyncadd.s32 $0xFFFFF800  }
0x33: {  	[spmem:s9] =	stream.linear.scatter [tilespmem:s16], [sflag:$0x2], $0x800, $0x38;
	[tilespmem:$0x7000] =	vst v63  }
0x34: {  	_ =	swait.ge [sflag:s17], $0x800  }
0x35: {  	[sflag:s17] =	ssyncset.done $0x0  }
0x36: {  	s7 =	rddreg [dreg:$0xa];
	[sflag:s17] =	ssyncadd.s32 $0xFFFFF800  }
0x37: {  	[spmem:s7] =	stream.linear.scatter [tilespmem:s16], [sflag:$0x2], $0x800, $0x38;
	[tilespmem:$0x7000] =	vst v63  }
0x38: {  	_ =	swait.ge [sflag:s17], $0x800  }
0x39: {  	[sflag:s17] =	ssyncset.done $0x0  }
0x3a: {  	[sflag:s17] =	ssyncadd.s32 $0xFFFFF800  }
0x3b: {  	[bflag:$0x0] =	sbarrier.arrive $0xFFFF  }
0x3c: {  	s7 =	rddreg [dreg:$0x4]  }
0x3d: {  	s7 =	sadd.s32 $0x0, s7  }
0x3e: {  	[tilespmem:s3], [sflag:$0x2] =	stream.linear.gather [hbm4b:s7+s3], $0x400, $0x38;
	[tilespmem:$0x7000] =	vst v63  }
0x3f: {  	_ =	swait.ge [sflag:s17], $0x400  }
0x40: {  	s8 =	rddreg [dreg:$0x3];
	[sflag:s17] =	ssyncset.done $0x0  }
0x41: {  	[sflag:s17] =	ssyncadd.s32 $0xFFFFFC00;
	s7 =	sadd.s32 $0x0, s8  }
0x42: {  	[tilespmem:s18], [sflag:$0x2] =	stream.linear.gather [hbm4b:s7+s3], $0x400, $0x38;
	[tilespmem:$0x7000] =	vst v63  }
0x43: {  	_ =	swait.ge [sflag:s17], $0x400  }
0x44: {  	[sflag:s17] =	ssyncset.done $0x0  }
0x45: {  	[sflag:s17] =	ssyncadd.s32 $0xFFFFFC00  }
0x46: {  	[tilespmem:s16], [sflag:$0x1] =	stream.indirect.gather [hbm4b:s4+s19], $0x10, s3, s19, $0xb8;
	[tilespmem:$0x7000] =	vst v63  }
0x47: {  	_ = 	snop  }
0x48: {  	[tilespmem:s20], [sflag:$0x1] =	stream.indirect.gather [hbm4b:s4+s19], $0x10, s19, s19, $0xb8;
	[tilespmem:$0x7000] =	vst v63  }
0x49: {  	s9 =	rddreg [dreg:$0x5]  }
0x4a: {  	[tilespmem:s21], [sflag:$0x1] =	stream.indirect.gather [hbm4b:s4+s19], $0x10, s9, s19, $0xb8;
	[tilespmem:$0x7000] =	vst v63  }
0x4b: {  	_ = 	snop  }
0x4c: {  	[tilespmem:s23], [sflag:$0x1] =	stream.indirect.gather [hbm4b:s4+s19], $0x10, s22, s19, $0xb8;
	[tilespmem:$0x7000] =	vst v63  }
0x4d: {  	_ = 	snop  }
0x4e: {  	[tilespmem:s25], [sflag:$0x1] =	stream.indirect.gather [hbm4b:s4+s19], $0x10, s24, s19, $0xb8;
	[tilespmem:$0x7000] =	vst v63  }
0x4f: {  	_ = 	snop  }
0x50: {  	[tilespmem:s28], [sflag:$0x1] =	stream.indirect.gather [hbm4b:s4+s19], $0x10, s26, s19, $0xb8;
	[tilespmem:$0x7000] =	vst v63  }
0x51: {  	_ = 	snop  }
0x52: {  	[tilespmem:s30], [sflag:$0x1] =	stream.indirect.gather [hbm4b:s4+s19], $0x10, s29, s19, $0xb8;
	[tilespmem:$0x7000] =	vst v63  }
0x53: {  	_ = 	snop  }
0x54: {  	[tilespmem:s0], [sflag:$0x1] =	stream.indirect.gather [hbm4b:s4+s19], $0x10, s31, s19, $0xb8;
	[tilespmem:$0x7000] =	vst v63  }
0x55: {  	_ =	swait.ge [sflag:s2], $0x800  }
0x56: {  	[sflag:s2] =	ssyncset.done $0x0  }
0x57: {  	[sflag:s2] =	ssyncadd.s32 $0xFFFFF800  }
0x58: {  	_ =	swait.ge [sflag:s2], $0x800  }
0x59: {  	[sflag:s2] =	ssyncset.done $0x0  }
0x5a: {  	[sflag:s2] =	ssyncadd.s32 $0xFFFFF800  }
0x5b: {  	_ =	swait.ge [sflag:s2], $0x800  }
0x5c: {  	[sflag:s2] =	ssyncset.done $0x0  }
0x5d: {  	[sflag:s2] =	ssyncadd.s32 $0xFFFFF800  }
0x5e: {  	_ =	swait.ge [sflag:s2], $0x800  }
0x5f: {  	[sflag:s2] =	ssyncset.done $0x0  }
0x60: {  	[sflag:s2] =	ssyncadd.s32 $0xFFFFF800  }
0x61: {  	_ =	swait.ge [sflag:s2], $0x800  }
0x62: {  	[sflag:s2] =	ssyncset.done $0x0  }
0x63: {  	[sflag:s2] =	ssyncadd.s32 $0xFFFFF800  }
0x64: {  	_ =	swait.ge [sflag:s2], $0x800  }
0x65: {  	[sflag:s2] =	ssyncset.done $0x0  }
0x66: {  	[sflag:s2] =	ssyncadd.s32 $0xFFFFF800  }
0x67: {  	_ =	swait.ge [sflag:s2], $0x800  }
0x68: {  	[sflag:s2] =	ssyncset.done $0x0  }
0x69: {  	[sflag:s2] =	ssyncadd.s32 $0xFFFFF800  }
0x6a: {  	_ =	swait.ge [sflag:s2], $0x800  }
0x6b: {  	[sflag:s2] =	ssyncset.done $0x0  }
0x6c: {  	[sflag:s2] =	ssyncadd.s32 $0xFFFFF800  }
0x6d: {  	[spmem:s1] =	stream.indirect.scatter.add.f32 [tilespmem:s16], [sflag:$0x2], $0x10, s18, s19, $0xb8;
	[tilespmem:$0x7000] =	vst v63  }
0x6e: {  	_ =	swait.ge [sflag:s17], $0x800  }
0x6f: {  	[sflag:s17] =	ssyncset.done $0x0  }
0x70: {  	[sflag:s17] =	ssyncadd.s32 $0xFFFFF800  }
0x71: {  	[spmem:s1] =	stream.indirect.scatter.add.f32 [tilespmem:s20], [sflag:$0x2], $0x10, s10, s19, $0xb8;
	[tilespmem:$0x7000] =	vst v63  }
0x72: {  	_ =	swait.ge [sflag:s17], $0x800  }
0x73: {  	[sflag:s17] =	ssyncset.done $0x0  }
0x74: {  	[sflag:s17] =	ssyncadd.s32 $0xFFFFF800  }
0x75: {  	[spmem:s1] =	stream.indirect.scatter.add.f32 [tilespmem:s21], [sflag:$0x2], $0x10, s11, s19, $0xb8;
	[tilespmem:$0x7000] =	vst v63  }
0x76: {  	_ =	swait.ge [sflag:s17], $0x800  }
0x77: {  	[sflag:s17] =	ssyncset.done $0x0  }
0x78: {  	[sflag:s17] =	ssyncadd.s32 $0xFFFFF800  }
0x79: {  	[spmem:s1] =	stream.indirect.scatter.add.f32 [tilespmem:s23], [sflag:$0x2], $0x10, s12, s19, $0xb8;
	[tilespmem:$0x7000] =	vst v63  }
0x7a: {  	_ =	swait.ge [sflag:s17], $0x800  }
0x7b: {  	[sflag:s17] =	ssyncset.done $0x0  }
0x7c: {  	[sflag:s17] =	ssyncadd.s32 $0xFFFFF800  }
0x7d: {  	[spmem:s1] =	stream.indirect.scatter.add.f32 [tilespmem:s25], [sflag:$0x2], $0x10, s13, s19, $0xb8;
	[tilespmem:$0x7000] =	vst v63  }
0x7e: {  	_ =	swait.ge [sflag:s17], $0x800  }
0x7f: {  	[sflag:s17] =	ssyncset.done $0x0  }
0x80: {  	[sflag:s17] =	ssyncadd.s32 $0xFFFFF800  }
0x81: {  	[spmem:s1] =	stream.indirect.scatter.add.f32 [tilespmem:s28], [sflag:$0x2], $0x10, s14, s19, $0xb8;
	[tilespmem:$0x7000] =	vst v63  }
0x82: {  	_ =	swait.ge [sflag:s17], $0x800  }
0x83: {  	[sflag:s17] =	ssyncset.done $0x0  }
0x84: {  	[sflag:s17] =	ssyncadd.s32 $0xFFFFF800  }
0x85: {  	[spmem:s1] =	stream.indirect.scatter.add.f32 [tilespmem:s30], [sflag:$0x2], $0x10, s15, s19, $0xb8;
	[tilespmem:$0x7000] =	vst v63  }
0x86: {  	_ =	swait.ge [sflag:s17], $0x800  }
0x87: {  	[sflag:s17] =	ssyncset.done $0x0  }
0x88: {  	[sflag:s17] =	ssyncadd.s32 $0xFFFFF800  }
0x89: {  	[spmem:s1] =	stream.indirect.scatter.add.f32 [tilespmem:s0], [sflag:$0x2], $0x10, s5, s19, $0xb8;
	[tilespmem:$0x7000] =	vst v63  }
0x8a: {  	s8 =	simm.s32 $0x100;
	_ =	swait.ge [sflag:s17], $0x800  }
0x8b: {  	s7 =	simm.s32 $0x80;
	s9 =	rddreg [dreg:$0x4];
	[sflag:s17] =	ssyncset.done $0x0  }
.LBB2_4:
0x8c: {  	[sflag:s17] =	ssyncadd.s32 $0xFFFFF800;
	s9 =	sadd.s32 s7, s9  }
0x8d: {  	[tilespmem:s3], [sflag:$0x2] =	stream.linear.gather [hbm4b:s9+s3], $0x400, $0x38;
	[tilespmem:$0x7000] =	vst v63  }
0x8e: {  	_ =	swait.ge [sflag:s17], $0x400  }
0x8f: {  	s9 =	rddreg [dreg:$0x3];
	[sflag:s17] =	ssyncset.done $0x0  }
0x90: {  	[sflag:s17] =	ssyncadd.s32 $0xFFFFFC00;
	s9 =	sadd.s32 s7, s9  }
0x91: {  	[tilespmem:s18], [sflag:$0x2] =	stream.linear.gather [hbm4b:s9+s3], $0x400, $0x38;
	[tilespmem:$0x7000] =	vst v63  }
0x92: {  	_ =	swait.ge [sflag:s17], $0x400  }
0x93: {  	[sflag:s17] =	ssyncset.done $0x0  }
0x94: {  	[sflag:s17] =	ssyncadd.s32 $0xFFFFFC00  }
0x95: {  	[tilespmem:s16], [sflag:$0x1] =	stream.indirect.gather [hbm4b:s4+s19], $0x10, s3, s19, $0xb8;
	[tilespmem:$0x7000] =	vst v63  }
0x96: {  	_ = 	snop  }
0x97: {  	[tilespmem:s20], [sflag:$0x1] =	stream.indirect.gather [hbm4b:s4+s19], $0x10, s19, s19, $0xb8;
	[tilespmem:$0x7000] =	vst v63  }
0x98: {  	s9 =	rddreg [dreg:$0x5]  }
0x99: {  	[tilespmem:s21], [sflag:$0x1] =	stream.indirect.gather [hbm4b:s4+s19], $0x10, s9, s19, $0xb8;
	[tilespmem:$0x7000] =	vst v63  }
0x9a: {  	_ = 	snop  }
0x9b: {  	[tilespmem:s23], [sflag:$0x1] =	stream.indirect.gather [hbm4b:s4+s19], $0x10, s22, s19, $0xb8;
	[tilespmem:$0x7000] =	vst v63  }
0x9c: {  	_ = 	snop  }
0x9d: {  	[tilespmem:s25], [sflag:$0x1] =	stream.indirect.gather [hbm4b:s4+s19], $0x10, s24, s19, $0xb8;
	[tilespmem:$0x7000] =	vst v63  }
0x9e: {  	_ = 	snop  }
0x9f: {  	[tilespmem:s28], [sflag:$0x1] =	stream.indirect.gather [hbm4b:s4+s19], $0x10, s26, s19, $0xb8;
	[tilespmem:$0x7000] =	vst v63  }
0xa0: {  	_ = 	snop  }
0xa1: {  	[tilespmem:s30], [sflag:$0x1] =	stream.indirect.gather [hbm4b:s4+s19], $0x10, s29, s19, $0xb8;
	[tilespmem:$0x7000] =	vst v63  }
0xa2: {  	_ = 	snop  }
0xa3: {  	[tilespmem:s0], [sflag:$0x1] =	stream.indirect.gather [hbm4b:s4+s19], $0x10, s31, s19, $0xb8;
	[tilespmem:$0x7000] =	vst v63  }
0xa4: {  	_ =	swait.ge [sflag:s2], $0x800  }
0xa5: {  	[sflag:s2] =	ssyncset.done $0x0  }
0xa6: {  	[sflag:s2] =	ssyncadd.s32 $0xFFFFF800  }
0xa7: {  	_ =	swait.ge [sflag:s2], $0x800  }
0xa8: {  	[sflag:s2] =	ssyncset.done $0x0  }
0xa9: {  	[sflag:s2] =	ssyncadd.s32 $0xFFFFF800  }
0xaa: {  	_ =	swait.ge [sflag:s2], $0x800  }
0xab: {  	[sflag:s2] =	ssyncset.done $0x0  }
0xac: {  	[sflag:s2] =	ssyncadd.s32 $0xFFFFF800  }
0xad: {  	_ =	swait.ge [sflag:s2], $0x800  }
0xae: {  	[sflag:s2] =	ssyncset.done $0x0  }
0xaf: {  	[sflag:s2] =	ssyncadd.s32 $0xFFFFF800  }
0xb0: {  	_ =	swait.ge [sflag:s2], $0x800  }
0xb1: {  	[sflag:s2] =	ssyncset.done $0x0  }
0xb2: {  	[sflag:s2] =	ssyncadd.s32 $0xFFFFF800  }
0xb3: {  	_ =	swait.ge [sflag:s2], $0x800  }
0xb4: {  	[sflag:s2] =	ssyncset.done $0x0  }
0xb5: {  	[sflag:s2] =	ssyncadd.s32 $0xFFFFF800  }
0xb6: {  	_ =	swait.ge [sflag:s2], $0x800  }
0xb7: {  	[sflag:s2] =	ssyncset.done $0x0  }
0xb8: {  	[sflag:s2] =	ssyncadd.s32 $0xFFFFF800  }
0xb9: {  	_ =	swait.ge [sflag:s2], $0x800  }
0xba: {  	[sflag:s2] =	ssyncset.done $0x0  }
0xbb: {  	[sflag:s2] =	ssyncadd.s32 $0xFFFFF800  }
0xbc: {  	[spmem:s1] =	stream.indirect.scatter.add.f32 [tilespmem:s16], [sflag:$0x2], $0x10, s18, s19, $0xb8;
	[tilespmem:$0x7000] =	vst v63  }
0xbd: {  	_ =	swait.ge [sflag:s17], $0x800  }
0xbe: {  	[sflag:s17] =	ssyncset.done $0x0  }
0xbf: {  	[sflag:s17] =	ssyncadd.s32 $0xFFFFF800  }
0xc0: {  	[spmem:s1] =	stream.indirect.scatter.add.f32 [tilespmem:s20], [sflag:$0x2], $0x10, s10, s19, $0xb8;
	[tilespmem:$0x7000] =	vst v63  }
0xc1: {  	_ =	swait.ge [sflag:s17], $0x800  }
0xc2: {  	[sflag:s17] =	ssyncset.done $0x0  }
0xc3: {  	[sflag:s17] =	ssyncadd.s32 $0xFFFFF800  }
0xc4: {  	[spmem:s1] =	stream.indirect.scatter.add.f32 [tilespmem:s21], [sflag:$0x2], $0x10, s11, s19, $0xb8;
	[tilespmem:$0x7000] =	vst v63  }
0xc5: {  	_ =	swait.ge [sflag:s17], $0x800  }
0xc6: {  	[sflag:s17] =	ssyncset.done $0x0  }
0xc7: {  	[sflag:s17] =	ssyncadd.s32 $0xFFFFF800  }
0xc8: {  	[spmem:s1] =	stream.indirect.scatter.add.f32 [tilespmem:s23], [sflag:$0x2], $0x10, s12, s19, $0xb8;
	[tilespmem:$0x7000] =	vst v63  }
0xc9: {  	_ =	swait.ge [sflag:s17], $0x800  }
0xca: {  	[sflag:s17] =	ssyncset.done $0x0  }
0xcb: {  	[sflag:s17] =	ssyncadd.s32 $0xFFFFF800  }
0xcc: {  	[spmem:s1] =	stream.indirect.scatter.add.f32 [tilespmem:s25], [sflag:$0x2], $0x10, s13, s19, $0xb8;
	[tilespmem:$0x7000] =	vst v63  }
0xcd: {  	_ =	swait.ge [sflag:s17], $0x800  }
0xce: {  	[sflag:s17] =	ssyncset.done $0x0  }
0xcf: {  	[sflag:s17] =	ssyncadd.s32 $0xFFFFF800  }
0xd0: {  	[spmem:s1] =	stream.indirect.scatter.add.f32 [tilespmem:s28], [sflag:$0x2], $0x10, s14, s19, $0xb8;
	[tilespmem:$0x7000] =	vst v63  }
0xd1: {  	_ =	swait.ge [sflag:s17], $0x800  }
0xd2: {  	[sflag:s17] =	ssyncset.done $0x0  }
0xd3: {  	[sflag:s17] =	ssyncadd.s32 $0xFFFFF800  }
0xd4: {  	[spmem:s1] =	stream.indirect.scatter.add.f32 [tilespmem:s30], [sflag:$0x2], $0x10, s15, s19, $0xb8;
	[tilespmem:$0x7000] =	vst v63  }
0xd5: {  	p0 =	sne.s32 s8, $0x480;
	_ =	swait.ge [sflag:s17], $0x800  }
.Ltmp1:
0xd6: {  	[sflag:s17] =	ssyncset.done $0x0;
	(pc) =	sbr.rel @p0 .LBB2_4-.Ltmp1, $4  }
0xd7: {  	[sflag:s17] =	ssyncadd.s32 $0xFFFFF800  }
0xd8: {  	[spmem:s1] =	stream.indirect.scatter.add.f32 [tilespmem:s0], [sflag:$0x2], $0x10, s5, s19, $0xb8;
	[tilespmem:$0x7000] =	vst v63  }
0xd9: {  	s6 =	smov.u32 s8;
	s8 =	sadd.s32 $0x80, s8;
	_ =	swait.ge [sflag:s17], $0x800  }
0xda: {  	s7 =	smov.u32 s6;
	s9 =	rddreg [dreg:$0x4];
	[sflag:s17] =	ssyncset.done $0x0  }
0xdb: {  	[sflag:s17] =	ssyncadd.s32 $0xFFFFF800;
	s6 =	sadd.s32 s7, s9  }
0xdc: {  	[tilespmem:s3], [sflag:$0x2] =	stream.linear.gather [hbm4b:s6+s3], $0x400, $0x38;
	[tilespmem:$0x7000] =	vst v63  }
0xdd: {  	_ =	swait.ge [sflag:s17], $0x400  }
0xde: {  	s9 =	rddreg [dreg:$0x3];
	[sflag:s17] =	ssyncset.done $0x0  }
0xdf: {  	[sflag:s17] =	ssyncadd.s32 $0xFFFFFC00;
	s6 =	sadd.s32 s7, s9  }
0xe0: {  	[tilespmem:s18], [sflag:$0x2] =	stream.linear.gather [hbm4b:s6+s3], $0x400, $0x38;
	[tilespmem:$0x7000] =	vst v63  }
0xe1: {  	_ =	swait.ge [sflag:s17], $0x400  }
0xe2: {  	[sflag:s17] =	ssyncset.done $0x0  }
0xe3: {  	[sflag:s17] =	ssyncadd.s32 $0xFFFFFC00  }
0xe4: {  	[tilespmem:s16], [sflag:$0x1] =	stream.indirect.gather [hbm4b:s4+s19], $0x10, s3, s19, $0xb8;
	[tilespmem:$0x7000] =	vst v63  }
0xe5: {  	_ = 	snop  }
0xe6: {  	[tilespmem:s20], [sflag:$0x1] =	stream.indirect.gather [hbm4b:s4+s19], $0x10, s19, s19, $0xb8;
	[tilespmem:$0x7000] =	vst v63  }
0xe7: {  	s7 =	rddreg [dreg:$0x5]  }
0xe8: {  	[tilespmem:s21], [sflag:$0x1] =	stream.indirect.gather [hbm4b:s4+s19], $0x10, s7, s19, $0xb8;
	[tilespmem:$0x7000] =	vst v63  }
0xe9: {  	_ = 	snop  }
0xea: {  	[tilespmem:s23], [sflag:$0x1] =	stream.indirect.gather [hbm4b:s4+s19], $0x10, s22, s19, $0xb8;
	[tilespmem:$0x7000] =	vst v63  }
0xeb: {  	_ = 	snop  }
0xec: {  	[tilespmem:s25], [sflag:$0x1] =	stream.indirect.gather [hbm4b:s4+s19], $0x10, s24, s19, $0xb8;
	[tilespmem:$0x7000] =	vst v63  }
0xed: {  	_ = 	snop  }
0xee: {  	[tilespmem:s28], [sflag:$0x1] =	stream.indirect.gather [hbm4b:s4+s19], $0x10, s26, s19, $0xb8;
	[tilespmem:$0x7000] =	vst v63  }
0xef: {  	_ = 	snop  }
0xf0: {  	[tilespmem:s30], [sflag:$0x1] =	stream.indirect.gather [hbm4b:s4+s19], $0x10, s29, s19, $0xb8;
	[tilespmem:$0x7000] =	vst v63  }
0xf1: {  	_ = 	snop  }
0xf2: {  	[tilespmem:s0], [sflag:$0x1] =	stream.indirect.gather [hbm4b:s4+s19], $0x10, s31, s19, $0xb8;
	[tilespmem:$0x7000] =	vst v63  }
0xf3: {  	_ =	swait.ge [sflag:s2], $0x800  }
0xf4: {  	[sflag:s2] =	ssyncset.done $0x0  }
0xf5: {  	[sflag:s2] =	ssyncadd.s32 $0xFFFFF800  }
0xf6: {  	_ =	swait.ge [sflag:s2], $0x800  }
0xf7: {  	[sflag:s2] =	ssyncset.done $0x0  }
0xf8: {  	[sflag:s2] =	ssyncadd.s32 $0xFFFFF800  }
0xf9: {  	_ =	swait.ge [sflag:s2], $0x800  }
0xfa: {  	[sflag:s2] =	ssyncset.done $0x0  }
0xfb: {  	[sflag:s2] =	ssyncadd.s32 $0xFFFFF800  }
0xfc: {  	_ =	swait.ge [sflag:s2], $0x800  }
0xfd: {  	[sflag:s2] =	ssyncset.done $0x0  }
0xfe: {  	[sflag:s2] =	ssyncadd.s32 $0xFFFFF800  }
0xff: {  	_ =	swait.ge [sflag:s2], $0x800  }
0x100: {  	[sflag:s2] =	ssyncset.done $0x0  }
0x101: {  	[sflag:s2] =	ssyncadd.s32 $0xFFFFF800  }
0x102: {  	_ =	swait.ge [sflag:s2], $0x800  }
0x103: {  	[sflag:s2] =	ssyncset.done $0x0  }
0x104: {  	[sflag:s2] =	ssyncadd.s32 $0xFFFFF800  }
0x105: {  	_ =	swait.ge [sflag:s2], $0x800  }
0x106: {  	[sflag:s2] =	ssyncset.done $0x0  }
0x107: {  	[sflag:s2] =	ssyncadd.s32 $0xFFFFF800  }
0x108: {  	_ =	swait.ge [sflag:s2], $0x800  }
0x109: {  	[sflag:s2] =	ssyncset.done $0x0  }
0x10a: {  	[sflag:s2] =	ssyncadd.s32 $0xFFFFF800  }
0x10b: {  	[spmem:s1] =	stream.indirect.scatter.add.f32 [tilespmem:s16], [sflag:$0x2], $0x10, s18, s19, $0xb8;
	[tilespmem:$0x7000] =	vst v63  }
0x10c: {  	_ =	swait.ge [sflag:s17], $0x800  }
0x10d: {  	[sflag:s17] =	ssyncset.done $0x0  }
0x10e: {  	[sflag:s17] =	ssyncadd.s32 $0xFFFFF800  }
0x10f: {  	[spmem:s1] =	stream.indirect.scatter.add.f32 [tilespmem:s20], [sflag:$0x2], $0x10, s10, s19, $0xb8;
	[tilespmem:$0x7000] =	vst v63  }
0x110: {  	_ =	swait.ge [sflag:s17], $0x800  }
0x111: {  	[sflag:s17] =	ssyncset.done $0x0  }
0x112: {  	[sflag:s17] =	ssyncadd.s32 $0xFFFFF800  }
0x113: {  	[spmem:s1] =	stream.indirect.scatter.add.f32 [tilespmem:s21], [sflag:$0x2], $0x10, s11, s19, $0xb8;
	[tilespmem:$0x7000] =	vst v63  }
0x114: {  	_ =	swait.ge [sflag:s17], $0x800  }
0x115: {  	[sflag:s17] =	ssyncset.done $0x0  }
0x116: {  	[sflag:s17] =	ssyncadd.s32 $0xFFFFF800  }
0x117: {  	[spmem:s1] =	stream.indirect.scatter.add.f32 [tilespmem:s23], [sflag:$0x2], $0x10, s12, s19, $0xb8;
	[tilespmem:$0x7000] =	vst v63  }
0x118: {  	_ =	swait.ge [sflag:s17], $0x800  }
0x119: {  	[sflag:s17] =	ssyncset.done $0x0  }
0x11a: {  	[sflag:s17] =	ssyncadd.s32 $0xFFFFF800  }
0x11b: {  	[spmem:s1] =	stream.indirect.scatter.add.f32 [tilespmem:s25], [sflag:$0x2], $0x10, s13, s19, $0xb8;
	[tilespmem:$0x7000] =	vst v63  }
0x11c: {  	_ =	swait.ge [sflag:s17], $0x800  }
0x11d: {  	[sflag:s17] =	ssyncset.done $0x0  }
0x11e: {  	[sflag:s17] =	ssyncadd.s32 $0xFFFFF800  }
0x11f: {  	[spmem:s1] =	stream.indirect.scatter.add.f32 [tilespmem:s28], [sflag:$0x2], $0x10, s14, s19, $0xb8;
	[tilespmem:$0x7000] =	vst v63  }
0x120: {  	_ =	swait.ge [sflag:s17], $0x800  }
0x121: {  	[sflag:s17] =	ssyncset.done $0x0  }
0x122: {  	[sflag:s17] =	ssyncadd.s32 $0xFFFFF800  }
0x123: {  	[spmem:s1] =	stream.indirect.scatter.add.f32 [tilespmem:s30], [sflag:$0x2], $0x10, s15, s19, $0xb8;
	[tilespmem:$0x7000] =	vst v63  }
0x124: {  	_ =	swait.ge [sflag:s17], $0x800  }
0x125: {  	[sflag:s17] =	ssyncset.done $0x0  }
0x126: {  	[sflag:s17] =	ssyncadd.s32 $0xFFFFF800  }
0x127: {  	[spmem:s1] =	stream.indirect.scatter.add.f32 [tilespmem:s0], [sflag:$0x2], $0x10, s5, s19, $0xb8;
	[tilespmem:$0x7000] =	vst v63  }
0x128: {  	_ =	swait.ge [sflag:s17], $0x800  }
0x129: {  	[sflag:s17] =	ssyncset.done $0x0  }
0x12a: {  	[sflag:s17] =	ssyncadd.s32 $0xFFFFF800  }
0x12b: {  	s8 =	stileid.u32;
	[bflag:$0x0] =	sbarrier.arrive $0xFFFF  }
0x12c: {  	s6 =	sshll.u32 s8, $0x6;
	s9 =	rddreg [dreg:$0x6]  }
0x12d: {  	s6 =	sor.u32 $0x1C02, s6;
	s8 =	rddreg [dreg:$0xb];
	s7 =	sshrl.u32 s9, $0x3  }
0x12e: {  	[hbm:s8], [sflag:s6] =	dma.local [spmem:s7], $0x100  }
0x12f: {  	_ =	swait.ge [sflag:s17], $0x100  }
0x130: {  	[sflag:s17] =	ssyncset.done $0x0;
	s8 =	rddreg [dreg:$0x7]  }
0x131: {  	s9 =	rddreg [dreg:$0xc];
	[sflag:s17] =	ssyncadd.s32 $0xFFFFFF00;
	s7 =	sshrl.u32 s8, $0x3  }
0x132: {  	[hbm:s9], [sflag:s6] =	dma.local [spmem:s7], $0x100  }
0x133: {  	_ =	swait.ge [sflag:s17], $0x100  }
0x134: {  	[sflag:s17] =	ssyncset.done $0x0;
	s8 =	rddreg [dreg:$0x8]  }
0x135: {  	s9 =	rddreg [dreg:$0xd];
	[sflag:s17] =	ssyncadd.s32 $0xFFFFFF00;
	s7 =	sshrl.u32 s8, $0x3  }
0x136: {  	[hbm:s9], [sflag:s6] =	dma.local [spmem:s7], $0x100  }
0x137: {  	_ =	swait.ge [sflag:s17], $0x100  }
0x138: {  	[sflag:s17] =	ssyncset.done $0x0;
	s8 =	rddreg [dreg:$0x9]  }
0x139: {  	s9 =	rddreg [dreg:$0xe];
	[sflag:s17] =	ssyncadd.s32 $0xFFFFFF00;
	s7 =	sshrl.u32 s8, $0x3  }
0x13a: {  	[hbm:s9], [sflag:s6] =	dma.local [spmem:s7], $0x100  }
0x13b: {  	_ =	swait.ge [sflag:s17], $0x100  }
0x13c: {  	[sflag:s17] =	ssyncset.done $0x0;
	s8 =	rddreg [dreg:$0xa]  }
0x13d: {  	s9 =	rddreg [dreg:$0xf];
	[sflag:s17] =	ssyncadd.s32 $0xFFFFFF00;
	s7 =	sshrl.u32 s8, $0x3  }
0x13e: {  	[hbm:s9], [sflag:s6] =	dma.local [spmem:s7], $0x100  }
0x13f: {  	_ =	swait.ge [sflag:s17], $0x100  }
0x140: {  	s8 =	rddreg [dreg:$0x11]  }
0x141: {  	s9 =	rddreg [dreg:$0x10];
	s7 =	sadd.s32 $0x1, s8  }
0x142: {  	p0 =	sne.s32 s7, s9  }
.Ltmp2:
0x143: {  	_ = 	snop;
	(pc) =	sbr.rel @p0 .LBB2_1-.Ltmp2, $3  }
0x144: {  	_ =	sdelay $0x1  }
0x145: {  	[sflag:s17] =	ssyncset.done $0x0  }
0x146: {  	[sflag:s17] =	ssyncadd.s32 $0xFFFFFF00  }
0x147: {  	_ =	sfence.sel $0x180000  }
0x148: {  	[bflag:$0x0] =	sbarrier.arrive $0xFFFF  }
0x149: {  	_ =	strace $0x90000047  }
0x14a: {  	s0 =	stileid.u32;
	[bflag:$0x2] =	sbarrier.arrive $0xFFFF  }
0x14b: {  	p0 =	sne.s32 s0, $0x0;
	s0 =	rddreg [dreg:$0x2]  }
0x14c: {  	s0 =	sadd.s32 @!p0 $0x100000, s0  }
0x14d: {  	[sflag:s0] =	ssyncadd.tile.s32 @!p0 $0x1;
	_ =	shalt  }
.Lfunc_end2:
_tile_overlayer_lowered:
.L_overlay_start_2:
0x14e: {  	(tag) =	ssettag $0x2  }
0x14f: {  	s0 =	rddreg [dreg:$0x0];
	s2 =	stileid.u32  }
0x150: {  	s1 =	rddreg [dreg:$0x1];
	p0 =	sne.s32 s2, $0x0  }
0x151: {  	s3 =	rddreg [dreg:$0x2];
	[bflag:$0x3] =	sbarrier.arrive $0xFFFF;
	s2 =	simm.s32 @!p0 $0x1C02  }
0x152: {  	[timem:s3], [sflag:s2] =	dma.local @!p0 [hbm:s0], s1  }
0x153: {  	s0 =	simm.s32 @!p0 $0x2  }
0x154: {  	_ =	swait.ge @!p0 [sflag:s0], s1  }
0x155: {  	s1 =	ssub.s32 @!p0 $0x0, s1;
	[sflag:s0] =	ssyncset.done @!p0 $0x0  }
0x156: {  	[sflag:s0] =	ssyncadd.s32 @!p0 s1  }
0x157: {  	[bflag:$0x3] =	sbarrier.arrive $0xFFFF  }
0x158: {  	_ =	shalt  }

</sc_bundles>
